<compile_context>
chip_gen: v7x
topology: tpu7x:2x2x1
jax: 0.10.2.dev20260603
libtpu: 0.0.44.dev20260713+nightly
codegen_flags: <defaults>
</compile_context>

<pallas_src>
import functools

import jax
import jax.numpy as jnp
from jax import lax
from jax.experimental import pallas as pl
from jax.experimental.pallas import tpu as pltpu
from jax.experimental.pallas import tpu_sc as plsc

_L = 128
_K = 5
_NB = 4


def _build(nrows, D, nc, ns):
    nw = nc * ns
    rows_per_w = nrows // nw
    chunks = rows_per_w // _K
    groups = chunks // _NB
    mesh = plsc.VectorSubcoreMesh(core_axis_name="c", subcore_axis_name="s")

    @functools.partial(
        pl.kernel,
        out_type=jax.ShapeDtypeStruct((nrows, _L, D), jnp.float32),
        mesh=mesh,
        scratch_types=[
            pltpu.VMEM((_NB, _K, _L), jnp.int32),
            pltpu.VMEM((_NB, _K, _L, D), jnp.float32),
            pltpu.SemaphoreType.DMA((_NB,)),
            pltpu.SemaphoreType.DMA((_NB,)),
            pltpu.SemaphoreType.DMA((_NB,)),
        ],
        compiler_params=pltpu.CompilerParams(use_tc_tiling_on_sc=False),
    )
    def emb(idx_hbm, tab_hbm, out_hbm, idx_v, rows_v, sem_idx, sem_g, sem_st):
        wid = lax.axis_index("s") * nc + lax.axis_index("c")
        base = wid * rows_per_w

        def idx_copy(i, b):
            return pltpu.make_async_copy(
                idx_hbm.at[pl.ds(base + i * _K, _K)], idx_v.at[b], sem_idx.at[b]
            )

        def st_copy(i, b):
            return pltpu.make_async_copy(
                rows_v.at[b], out_hbm.at[pl.ds(base + i * _K, _K)], sem_st.at[b]
            )

        def fire_gathers(b):
            for j in range(_K):
                pltpu.async_copy(
                    tab_hbm.at[idx_v.at[b].at[j]], rows_v.at[b].at[j], sem_g.at[b]
                )

        def wait_gathers(i, b):
            pltpu.make_async_copy(
                out_hbm.at[pl.ds(base + i * _K, _K)], rows_v.at[b], sem_g.at[b]
            ).wait()

        for b in range(_NB):
            idx_copy(b, b).start()
        idx_copy(0, 0).wait()
        fire_gathers(0)

        def group(g, carry):
            for b in range(_NB):
                i = g * _NB + b
                b1 = (b + 1) % _NB
                bp = (b - 1) % _NB
                if b < _NB - 1:
                    idx_copy(i + 1, b1).wait()
                    @pl.when(g > 0)
                    def _():
                        st_copy(i + 1 - _NB, b1).wait()
                    fire_gathers(b1)
                else:
                    @pl.when(g < groups - 1)
                    def _():
                        idx_copy(i + 1, b1).wait()
                        st_copy(i + 1 - _NB, b1).wait()
                        fire_gathers(b1)
                wait_gathers(i, b)
                @pl.when(g < groups - 1)
                def _():
                    idx_copy(i + _NB, b).start()
                if b > 0:
                    st_copy(i - 1, bp).start()
                else:
                    @pl.when(g > 0)
                    def _():
                        st_copy(i - 1, bp).start()
            return carry

        lax.fori_loop(0, groups, group, 0)

        st_copy(chunks - 1, (chunks - 1) % _NB).start()
        for b in range(_NB):
            st_copy(chunks - _NB + b, (chunks - _NB + b) % _NB).wait()

    return emb


def kernel(x, weight):
    B, S = x.shape
    _, D = weight.shape
    total = B * S
    nrows = total // _L
    info = plsc.get_sparse_core_info()
    emb = _build(nrows, D, info.num_cores, info.num_subcores)
    idx = x.reshape(nrows, _L).astype(jnp.int32)
    out = emb(idx, weight)
    return out.reshape(B, S, D)

# --- scband reference (transcript-rebuilt; emitter-appended) ---
"""Pipeline reference for scband-embedding-2147483648259 (READ-ONLY COPY).

The authoritative reference and input builder live on the scoring server;
editing this copy changes nothing except your own understanding.
"""

import jax, jax.numpy as jnp
import numpy as np

PAD_IDX = 0

def setup_inputs(seed: int = 0) -> dict:
    key = jax.random.key(seed)
    k_idx, k_w = jax.random.split(key)
    x = jax.random.randint(k_idx, (16384, 50), 0, 1000000, dtype=jnp.int64)
    weight = jax.random.normal(k_w, (1000000, 32), dtype=jnp.float32)
    # pad_idx row is zeroed at init (reset_parameters)
    weight = weight.at[PAD_IDX].set(0.0)
    return {"x": x, "weight": weight}

def reference(x, weight):
    # torch.nn.functional.embedding(x, weight, padding_idx) forward is a pure gather;
    # padding_idx only affects the backward pass.
    return jnp.take(weight, x, axis=0)

if __name__ == "__main__":
    import jax
    _d = setup_inputs()
    print(jax.jit(kernel)(*tuple(_d.values())))

</pallas_src>

<mosaic_0001>
#map = affine_map<(d0, d1) -> (0, 0)>
#map1 = affine_map<(d0, d1) -> (0, 0, 0)>
module attributes {stable_mosaic.version = 14 : i64} {
  func.func @emb(%arg0: i32, %arg1: i32, %arg2: memref<6400x128xi32, #tpu.memory_space<hbm>>, %arg3: memref<1000000x32xf32, #tpu.memory_space<hbm>>, %arg4: memref<6400x128x32xf32, #tpu.memory_space<hbm>>, %arg5: memref<4x5x128xi32, #tpu.memory_space<vmem>>, %arg6: memref<4x5x128x32xf32, #tpu.memory_space<vmem>>, %arg7: memref<4x!tpu.dma_semaphore, #tpu.memory_space<semaphore_mem>>, %arg8: memref<4x!tpu.dma_semaphore, #tpu.memory_space<semaphore_mem>>, %arg9: memref<4x!tpu.dma_semaphore, #tpu.memory_space<semaphore_mem>>) attributes {dimension_semantics = [#tpu.dimension_semantics<core_parallel>, #tpu.dimension_semantics<subcore_parallel>], iteration_bounds = array<i64: 2, 16>, scalar_prefetch = 0 : i64, scratch_operands = 5 : i64, tpu.core_type = #tpu.core_type<sc_vector_subcore>, window_params = [{transform_indices = #map}, {transform_indices = #map}, {transform_indices = #map1}]} {
    %mul3A = arith.constant 2 : i32
    %mul3A_0 = arith.muli %arg1, %mul3A : i32
    %add3A = arith.addi %mul3A_0, %arg0 : i32
    %mul3A_1 = arith.constant 200 : i32
    %mul3A_2 = arith.muli %add3A, %mul3A_1 : i32
    %add3A_3 = arith.constant 0 : i32
    %add3A_4 = arith.addi %mul3A_2, %add3A_3 : i32
    %dma_start3A = arith.constant 0 : i32
    %dma_start3A_5 = arith.constant 0 : i32
    %dma_start3A_6 = arith.constant 0 : i32
    %dma_start3A_7 = arith.constant 0 : i32
    %dma_start3A_8 = tpu.memref_slice %arg5[%dma_start3A, %dma_start3A_6, %dma_start3A_7] : memref<4x5x128xi32, #tpu.memory_space<vmem>> -> memref<1x5x128xi32, #tpu.memory_space<vmem>>
    %dma_start3A_9 = tpu.memref_squeeze %dma_start3A_8 : memref<1x5x128xi32, #tpu.memory_space<vmem>> -> memref<5x128xi32, #tpu.memory_space<vmem>>
    %dma_start3A_10 = arith.constant 0 : i32
    %dma_start3A_11 = tpu.memref_slice %arg2[%add3A_4, %dma_start3A_10] : memref<6400x128xi32, #tpu.memory_space<hbm>> -> memref<5x128xi32, #tpu.memory_space<hbm>>
    %dma_start3A_12 = tpu.memref_slice %arg7[%dma_start3A_5] : memref<4x!tpu.dma_semaphore, #tpu.memory_space<semaphore_mem>> -> memref<1x!tpu.dma_semaphore, #tpu.memory_space<semaphore_mem>>
    %dma_start3A_13 = tpu.memref_squeeze %dma_start3A_12 : memref<1x!tpu.dma_semaphore, #tpu.memory_space<semaphore_mem>> -> memref<!tpu.dma_semaphore, #tpu.memory_space<semaphore_mem>>
    %dma_start3A_14 = arith.constant 0 : i32
    %dma_start3A_15 = arith.constant 0 : i32
    %dma_start3A_16 = tpu.memref_slice %arg5[%dma_start3A, %dma_start3A_14, %dma_start3A_15] : memref<4x5x128xi32, #tpu.memory_space<vmem>> -> memref<1x5x128xi32, #tpu.memory_space<vmem>>
    %dma_start3A_17 = tpu.memref_squeeze %dma_start3A_16 : memref<1x5x128xi32, #tpu.memory_space<vmem>> -> memref<5x128xi32, #tpu.memory_space<vmem>>
    %dma_start3A_18 = arith.constant 0 : i32
    %dma_start3A_19 = tpu.memref_slice %arg2[%add3A_4, %dma_start3A_18] : memref<6400x128xi32, #tpu.memory_space<hbm>> -> memref<5x128xi32, #tpu.memory_space<hbm>>
    tpu.enqueue_dma source(%dma_start3A_19 : memref<5x128xi32, #tpu.memory_space<hbm>>) target(%dma_start3A_17 : memref<5x128xi32, #tpu.memory_space<vmem>>) target_semaphore(%dma_start3A_13 : memref<!tpu.dma_semaphore, #tpu.memory_space<semaphore_mem>>)
    %add3A_20 = arith.constant 5 : i32
    %add3A_21 = arith.addi %mul3A_2, %add3A_20 : i32
    %dma_start3A_22 = arith.constant 1 : i32
    %dma_start3A_23 = arith.constant 1 : i32
    %dma_start3A_24 = arith.constant 0 : i32
    %dma_start3A_25 = arith.constant 0 : i32
    %dma_start3A_26 = tpu.memref_slice %arg5[%dma_start3A_22, %dma_start3A_24, %dma_start3A_25] : memref<4x5x128xi32, #tpu.memory_space<vmem>> -> memref<1x5x128xi32, #tpu.memory_space<vmem>>
    %dma_start3A_27 = tpu.memref_squeeze %dma_start3A_26 : memref<1x5x128xi32, #tpu.memory_space<vmem>> -> memref<5x128xi32, #tpu.memory_space<vmem>>
    %dma_start3A_28 = arith.constant 0 : i32
    %dma_start3A_29 = tpu.memref_slice %arg2[%add3A_21, %dma_start3A_28] : memref<6400x128xi32, #tpu.memory_space<hbm>> -> memref<5x128xi32, #tpu.memory_space<hbm>>
    %dma_start3A_30 = tpu.memref_slice %arg7[%dma_start3A_23] : memref<4x!tpu.dma_semaphore, #tpu.memory_space<semaphore_mem>> -> memref<1x!tpu.dma_semaphore, #tpu.memory_space<semaphore_mem>>
    %dma_start3A_31 = tpu.memref_squeeze %dma_start3A_30 : memref<1x!tpu.dma_semaphore, #tpu.memory_space<semaphore_mem>> -> memref<!tpu.dma_semaphore, #tpu.memory_space<semaphore_mem>>
    %dma_start3A_32 = arith.constant 0 : i32
    %dma_start3A_33 = arith.constant 0 : i32
    %dma_start3A_34 = tpu.memref_slice %arg5[%dma_start3A_22, %dma_start3A_32, %dma_start3A_33] : memref<4x5x128xi32, #tpu.memory_space<vmem>> -> memref<1x5x128xi32, #tpu.memory_space<vmem>>
    %dma_start3A_35 = tpu.memref_squeeze %dma_start3A_34 : memref<1x5x128xi32, #tpu.memory_space<vmem>> -> memref<5x128xi32, #tpu.memory_space<vmem>>
    %dma_start3A_36 = arith.constant 0 : i32
    %dma_start3A_37 = tpu.memref_slice %arg2[%add3A_21, %dma_start3A_36] : memref<6400x128xi32, #tpu.memory_space<hbm>> -> memref<5x128xi32, #tpu.memory_space<hbm>>
    tpu.enqueue_dma source(%dma_start3A_37 : memref<5x128xi32, #tpu.memory_space<hbm>>) target(%dma_start3A_35 : memref<5x128xi32, #tpu.memory_space<vmem>>) target_semaphore(%dma_start3A_31 : memref<!tpu.dma_semaphore, #tpu.memory_space<semaphore_mem>>)
    %add3A_38 = arith.constant 10 : i32
    %add3A_39 = arith.addi %mul3A_2, %add3A_38 : i32
    %dma_start3A_40 = arith.constant 2 : i32
    %dma_start3A_41 = arith.constant 2 : i32
    %dma_start3A_42 = arith.constant 0 : i32
    %dma_start3A_43 = arith.constant 0 : i32
    %dma_start3A_44 = tpu.memref_slice %arg5[%dma_start3A_40, %dma_start3A_42, %dma_start3A_43] : memref<4x5x128xi32, #tpu.memory_space<vmem>> -> memref<1x5x128xi32, #tpu.memory_space<vmem>>
    %dma_start3A_45 = tpu.memref_squeeze %dma_start3A_44 : memref<1x5x128xi32, #tpu.memory_space<vmem>> -> memref<5x128xi32, #tpu.memory_space<vmem>>
    %dma_start3A_46 = arith.constant 0 : i32
    %dma_start3A_47 = tpu.memref_slice %arg2[%add3A_39, %dma_start3A_46] : memref<6400x128xi32, #tpu.memory_space<hbm>> -> memref<5x128xi32, #tpu.memory_space<hbm>>
    %dma_start3A_48 = tpu.memref_slice %arg7[%dma_start3A_41] : memref<4x!tpu.dma_semaphore, #tpu.memory_space<semaphore_mem>> -> memref<1x!tpu.dma_semaphore, #tpu.memory_space<semaphore_mem>>
    %dma_start3A_49 = tpu.memref_squeeze %dma_start3A_48 : memref<1x!tpu.dma_semaphore, #tpu.memory_space<semaphore_mem>> -> memref<!tpu.dma_semaphore, #tpu.memory_space<semaphore_mem>>
    %dma_start3A_50 = arith.constant 0 : i32
    %dma_start3A_51 = arith.constant 0 : i32
    %dma_start3A_52 = tpu.memref_slice %arg5[%dma_start3A_40, %dma_start3A_50, %dma_start3A_51] : memref<4x5x128xi32, #tpu.memory_space<vmem>> -> memref<1x5x128xi32, #tpu.memory_space<vmem>>
    %dma_start3A_53 = tpu.memref_squeeze %dma_start3A_52 : memref<1x5x128xi32, #tpu.memory_space<vmem>> -> memref<5x128xi32, #tpu.memory_space<vmem>>
    %dma_start3A_54 = arith.constant 0 : i32
    %dma_start3A_55 = tpu.memref_slice %arg2[%add3A_39, %dma_start3A_54] : memref<6400x128xi32, #tpu.memory_space<hbm>> -> memref<5x128xi32, #tpu.memory_space<hbm>>
    tpu.enqueue_dma source(%dma_start3A_55 : memref<5x128xi32, #tpu.memory_space<hbm>>) target(%dma_start3A_53 : memref<5x128xi32, #tpu.memory_space<vmem>>) target_semaphore(%dma_start3A_49 : memref<!tpu.dma_semaphore, #tpu.memory_space<semaphore_mem>>)
    %add3A_56 = arith.constant 15 : i32
    %add3A_57 = arith.addi %mul3A_2, %add3A_56 : i32
    %dma_start3A_58 = arith.constant 3 : i32
    %dma_start3A_59 = arith.constant 3 : i32
    %dma_start3A_60 = arith.constant 0 : i32
    %dma_start3A_61 = arith.constant 0 : i32
    %dma_start3A_62 = tpu.memref_slice %arg5[%dma_start3A_58, %dma_start3A_60, %dma_start3A_61] : memref<4x5x128xi32, #tpu.memory_space<vmem>> -> memref<1x5x128xi32, #tpu.memory_space<vmem>>
    %dma_start3A_63 = tpu.memref_squeeze %dma_start3A_62 : memref<1x5x128xi32, #tpu.memory_space<vmem>> -> memref<5x128xi32, #tpu.memory_space<vmem>>
    %dma_start3A_64 = arith.constant 0 : i32
    %dma_start3A_65 = tpu.memref_slice %arg2[%add3A_57, %dma_start3A_64] : memref<6400x128xi32, #tpu.memory_space<hbm>> -> memref<5x128xi32, #tpu.memory_space<hbm>>
    %dma_start3A_66 = tpu.memref_slice %arg7[%dma_start3A_59] : memref<4x!tpu.dma_semaphore, #tpu.memory_space<semaphore_mem>> -> memref<1x!tpu.dma_semaphore, #tpu.memory_space<semaphore_mem>>
    %dma_start3A_67 = tpu.memref_squeeze %dma_start3A_66 : memref<1x!tpu.dma_semaphore, #tpu.memory_space<semaphore_mem>> -> memref<!tpu.dma_semaphore, #tpu.memory_space<semaphore_mem>>
    %dma_start3A_68 = arith.constant 0 : i32
    %dma_start3A_69 = arith.constant 0 : i32
    %dma_start3A_70 = tpu.memref_slice %arg5[%dma_start3A_58, %dma_start3A_68, %dma_start3A_69] : memref<4x5x128xi32, #tpu.memory_space<vmem>> -> memref<1x5x128xi32, #tpu.memory_space<vmem>>
    %dma_start3A_71 = tpu.memref_squeeze %dma_start3A_70 : memref<1x5x128xi32, #tpu.memory_space<vmem>> -> memref<5x128xi32, #tpu.memory_space<vmem>>
    %dma_start3A_72 = arith.constant 0 : i32
    %dma_start3A_73 = tpu.memref_slice %arg2[%add3A_57, %dma_start3A_72] : memref<6400x128xi32, #tpu.memory_space<hbm>> -> memref<5x128xi32, #tpu.memory_space<hbm>>
    tpu.enqueue_dma source(%dma_start3A_73 : memref<5x128xi32, #tpu.memory_space<hbm>>) target(%dma_start3A_71 : memref<5x128xi32, #tpu.memory_space<vmem>>) target_semaphore(%dma_start3A_67 : memref<!tpu.dma_semaphore, #tpu.memory_space<semaphore_mem>>)
    %add3A_74 = arith.constant 0 : i32
    %add3A_75 = arith.addi %mul3A_2, %add3A_74 : i32
    %dma_wait3A = arith.constant 0 : i32
    %dma_wait3A_76 = arith.constant 0 : i32
    %dma_wait3A_77 = arith.constant 0 : i32
    %dma_wait3A_78 = arith.constant 0 : i32
    %dma_wait3A_79 = tpu.memref_slice %arg5[%dma_wait3A, %dma_wait3A_77, %dma_wait3A_78] : memref<4x5x128xi32, #tpu.memory_space<vmem>> -> memref<1x5x128xi32, #tpu.memory_space<vmem>>
    %dma_wait3A_80 = tpu.memref_squeeze %dma_wait3A_79 : memref<1x5x128xi32, #tpu.memory_space<vmem>> -> memref<5x128xi32, #tpu.memory_space<vmem>>
    %dma_wait3A_81 = arith.constant 0 : i32
    %dma_wait3A_82 = tpu.memref_slice %arg2[%add3A_75, %dma_wait3A_81] : memref<6400x128xi32, #tpu.memory_space<hbm>> -> memref<5x128xi32, #tpu.memory_space<hbm>>
    %dma_wait3A_83 = tpu.memref_slice %arg7[%dma_wait3A_76] : memref<4x!tpu.dma_semaphore, #tpu.memory_space<semaphore_mem>> -> memref<1x!tpu.dma_semaphore, #tpu.memory_space<semaphore_mem>>
    %dma_wait3A_84 = tpu.memref_squeeze %dma_wait3A_83 : memref<1x!tpu.dma_semaphore, #tpu.memory_space<semaphore_mem>> -> memref<!tpu.dma_semaphore, #tpu.memory_space<semaphore_mem>>
    %dma_wait3A_85 = arith.constant 0 : i32
    %dma_wait3A_86 = arith.constant 0 : i32
    %dma_wait3A_87 = tpu.memref_slice %arg5[%dma_wait3A, %dma_wait3A_85, %dma_wait3A_86] : memref<4x5x128xi32, #tpu.memory_space<vmem>> -> memref<1x5x128xi32, #tpu.memory_space<vmem>>
    %dma_wait3A_88 = tpu.memref_squeeze %dma_wait3A_87 : memref<1x5x128xi32, #tpu.memory_space<vmem>> -> memref<5x128xi32, #tpu.memory_space<vmem>>
    %dma_wait3A_89 = arith.constant 0 : i32
    %dma_wait3A_90 = tpu.memref_slice %arg2[%add3A_75, %dma_wait3A_89] : memref<6400x128xi32, #tpu.memory_space<hbm>> -> memref<5x128xi32, #tpu.memory_space<hbm>>
    tpu.wait_dma2 semaphore(%dma_wait3A_84 : memref<!tpu.dma_semaphore, #tpu.memory_space<semaphore_mem>>) src(%dma_wait3A_90 : memref<5x128xi32, #tpu.memory_space<hbm>>) dst(%dma_wait3A_88 : memref<5x128xi32, #tpu.memory_space<vmem>>)
    %dma_start3A_91 = arith.constant 0 : i32
    %dma_start3A_92 = arith.constant 0 : i32
    %dma_start3A_93 = arith.constant 0 : i32
    %dma_start3A_94 = arith.constant 0 : i32
    %dma_start3A_95 = arith.constant 0 : i32
    %dma_start3A_96 = arith.constant 0 : i32
    %dma_start3A_97 = arith.constant 0 : i32
    %dma_start3A_98 = arith.constant 0 : i32
    %dma_start3A_99 = tpu.memref_slice %arg6[%dma_start3A_93, %dma_start3A_96, %dma_start3A_97, %dma_start3A_98] : memref<4x5x128x32xf32, #tpu.memory_space<vmem>> -> memref<1x5x128x32xf32, #tpu.memory_space<vmem>>
    %dma_start3A_100 = tpu.memref_squeeze %dma_start3A_99 : memref<1x5x128x32xf32, #tpu.memory_space<vmem>> -> memref<5x128x32xf32, #tpu.memory_space<vmem>>
    %dma_start3A_101 = arith.constant 0 : i32
    %dma_start3A_102 = arith.constant 0 : i32
    %dma_start3A_103 = tpu.memref_slice %dma_start3A_100[%dma_start3A_94, %dma_start3A_101, %dma_start3A_102] : memref<5x128x32xf32, #tpu.memory_space<vmem>> -> memref<1x128x32xf32, #tpu.memory_space<vmem>>
    %dma_start3A_104 = tpu.memref_squeeze %dma_start3A_103 : memref<1x128x32xf32, #tpu.memory_space<vmem>> -> memref<128x32xf32, #tpu.memory_space<vmem>>
    %dma_start3A_105 = arith.constant 0 : i32
    %dma_start3A_106 = arith.constant 0 : i32
    %dma_start3A_107 = tpu.memref_slice %arg5[%dma_start3A_91, %dma_start3A_105, %dma_start3A_106] : memref<4x5x128xi32, #tpu.memory_space<vmem>> -> memref<1x5x128xi32, #tpu.memory_space<vmem>>
    %dma_start3A_108 = tpu.memref_squeeze %dma_start3A_107 : memref<1x5x128xi32, #tpu.memory_space<vmem>> -> memref<5x128xi32, #tpu.memory_space<vmem>>
    %dma_start3A_109 = arith.constant 0 : i32
    %dma_start3A_110 = tpu.memref_slice %dma_start3A_108[%dma_start3A_92, %dma_start3A_109] : memref<5x128xi32, #tpu.memory_space<vmem>> -> memref<1x128xi32, #tpu.memory_space<vmem>>
    %dma_start3A_111 = tpu.memref_squeeze %dma_start3A_110 : memref<1x128xi32, #tpu.memory_space<vmem>> -> memref<128xi32, #tpu.memory_space<vmem>>
    %dma_start3A_112 = arith.constant 0 : i32
    %dma_start3A_113 = arith.constant 0 : i32
    %dma_start3A_114 = tpu.memref_slice %arg3[%dma_start3A_112, %dma_start3A_113] : memref<1000000x32xf32, #tpu.memory_space<hbm>> -> memref<1000000x32xf32, #tpu.memory_space<hbm>>
    %dma_start3A_115 = tpu.memref_slice %arg8[%dma_start3A_95] : memref<4x!tpu.dma_semaphore, #tpu.memory_space<semaphore_mem>> -> memref<1x!tpu.dma_semaphore, #tpu.memory_space<semaphore_mem>>
    %dma_start3A_116 = tpu.memref_squeeze %dma_start3A_115 : memref<1x!tpu.dma_semaphore, #tpu.memory_space<semaphore_mem>> -> memref<!tpu.dma_semaphore, #tpu.memory_space<semaphore_mem>>
    tpu.enqueue_indirect_dma source(%dma_start3A_114 : memref<1000000x32xf32, #tpu.memory_space<hbm>>) target(%dma_start3A_104 : memref<128x32xf32, #tpu.memory_space<vmem>>) offsets(%dma_start3A_111 : memref<128xi32, #tpu.memory_space<vmem>>) semaphore(%dma_start3A_116 : memref<!tpu.dma_semaphore, #tpu.memory_space<semaphore_mem>>)
    %dma_start3A_117 = arith.constant 0 : i32
    %dma_start3A_118 = arith.constant 1 : i32
    %dma_start3A_119 = arith.constant 0 : i32
    %dma_start3A_120 = arith.constant 1 : i32
    %dma_start3A_121 = arith.constant 0 : i32
    %dma_start3A_122 = arith.constant 0 : i32
    %dma_start3A_123 = arith.constant 0 : i32
    %dma_start3A_124 = arith.constant 0 : i32
    %dma_start3A_125 = tpu.memref_slice %arg6[%dma_start3A_119, %dma_start3A_122, %dma_start3A_123, %dma_start3A_124] : memref<4x5x128x32xf32, #tpu.memory_space<vmem>> -> memref<1x5x128x32xf32, #tpu.memory_space<vmem>>
    %dma_start3A_126 = tpu.memref_squeeze %dma_start3A_125 : memref<1x5x128x32xf32, #tpu.memory_space<vmem>> -> memref<5x128x32xf32, #tpu.memory_space<vmem>>
    %dma_start3A_127 = arith.constant 0 : i32
    %dma_start3A_128 = arith.constant 0 : i32
    %dma_start3A_129 = tpu.memref_slice %dma_start3A_126[%dma_start3A_120, %dma_start3A_127, %dma_start3A_128] : memref<5x128x32xf32, #tpu.memory_space<vmem>> -> memref<1x128x32xf32, #tpu.memory_space<vmem>>
    %dma_start3A_130 = tpu.memref_squeeze %dma_start3A_129 : memref<1x128x32xf32, #tpu.memory_space<vmem>> -> memref<128x32xf32, #tpu.memory_space<vmem>>
    %dma_start3A_131 = arith.constant 0 : i32
    %dma_start3A_132 = arith.constant 0 : i32
    %dma_start3A_133 = tpu.memref_slice %arg5[%dma_start3A_117, %dma_start3A_131, %dma_start3A_132] : memref<4x5x128xi32, #tpu.memory_space<vmem>> -> memref<1x5x128xi32, #tpu.memory_space<vmem>>
    %dma_start3A_134 = tpu.memref_squeeze %dma_start3A_133 : memref<1x5x128xi32, #tpu.memory_space<vmem>> -> memref<5x128xi32, #tpu.memory_space<vmem>>
    %dma_start3A_135 = arith.constant 0 : i32
    %dma_start3A_136 = tpu.memref_slice %dma_start3A_134[%dma_start3A_118, %dma_start3A_135] : memref<5x128xi32, #tpu.memory_space<vmem>> -> memref<1x128xi32, #tpu.memory_space<vmem>>
    %dma_start3A_137 = tpu.memref_squeeze %dma_start3A_136 : memref<1x128xi32, #tpu.memory_space<vmem>> -> memref<128xi32, #tpu.memory_space<vmem>>
    %dma_start3A_138 = arith.constant 0 : i32
    %dma_start3A_139 = arith.constant 0 : i32
    %dma_start3A_140 = tpu.memref_slice %arg3[%dma_start3A_138, %dma_start3A_139] : memref<1000000x32xf32, #tpu.memory_space<hbm>> -> memref<1000000x32xf32, #tpu.memory_space<hbm>>
    %dma_start3A_141 = tpu.memref_slice %arg8[%dma_start3A_121] : memref<4x!tpu.dma_semaphore, #tpu.memory_space<semaphore_mem>> -> memref<1x!tpu.dma_semaphore, #tpu.memory_space<semaphore_mem>>
    %dma_start3A_142 = tpu.memref_squeeze %dma_start3A_141 : memref<1x!tpu.dma_semaphore, #tpu.memory_space<semaphore_mem>> -> memref<!tpu.dma_semaphore, #tpu.memory_space<semaphore_mem>>
    tpu.enqueue_indirect_dma source(%dma_start3A_140 : memref<1000000x32xf32, #tpu.memory_space<hbm>>) target(%dma_start3A_130 : memref<128x32xf32, #tpu.memory_space<vmem>>) offsets(%dma_start3A_137 : memref<128xi32, #tpu.memory_space<vmem>>) semaphore(%dma_start3A_142 : memref<!tpu.dma_semaphore, #tpu.memory_space<semaphore_mem>>)
    %dma_start3A_143 = arith.constant 0 : i32
    %dma_start3A_144 = arith.constant 2 : i32
    %dma_start3A_145 = arith.constant 0 : i32
    %dma_start3A_146 = arith.constant 2 : i32
    %dma_start3A_147 = arith.constant 0 : i32
    %dma_start3A_148 = arith.constant 0 : i32
    %dma_start3A_149 = arith.constant 0 : i32
    %dma_start3A_150 = arith.constant 0 : i32
    %dma_start3A_151 = tpu.memref_slice %arg6[%dma_start3A_145, %dma_start3A_148, %dma_start3A_149, %dma_start3A_150] : memref<4x5x128x32xf32, #tpu.memory_space<vmem>> -> memref<1x5x128x32xf32, #tpu.memory_space<vmem>>
    %dma_start3A_152 = tpu.memref_squeeze %dma_start3A_151 : memref<1x5x128x32xf32, #tpu.memory_space<vmem>> -> memref<5x128x32xf32, #tpu.memory_space<vmem>>
    %dma_start3A_153 = arith.constant 0 : i32
    %dma_start3A_154 = arith.constant 0 : i32
    %dma_start3A_155 = tpu.memref_slice %dma_start3A_152[%dma_start3A_146, %dma_start3A_153, %dma_start3A_154] : memref<5x128x32xf32, #tpu.memory_space<vmem>> -> memref<1x128x32xf32, #tpu.memory_space<vmem>>
    %dma_start3A_156 = tpu.memref_squeeze %dma_start3A_155 : memref<1x128x32xf32, #tpu.memory_space<vmem>> -> memref<128x32xf32, #tpu.memory_space<vmem>>
    %dma_start3A_157 = arith.constant 0 : i32
    %dma_start3A_158 = arith.constant 0 : i32
    %dma_start3A_159 = tpu.memref_slice %arg5[%dma_start3A_143, %dma_start3A_157, %dma_start3A_158] : memref<4x5x128xi32, #tpu.memory_space<vmem>> -> memref<1x5x128xi32, #tpu.memory_space<vmem>>
    %dma_start3A_160 = tpu.memref_squeeze %dma_start3A_159 : memref<1x5x128xi32, #tpu.memory_space<vmem>> -> memref<5x128xi32, #tpu.memory_space<vmem>>
    %dma_start3A_161 = arith.constant 0 : i32
    %dma_start3A_162 = tpu.memref_slice %dma_start3A_160[%dma_start3A_144, %dma_start3A_161] : memref<5x128xi32, #tpu.memory_space<vmem>> -> memref<1x128xi32, #tpu.memory_space<vmem>>
    %dma_start3A_163 = tpu.memref_squeeze %dma_start3A_162 : memref<1x128xi32, #tpu.memory_space<vmem>> -> memref<128xi32, #tpu.memory_space<vmem>>
    %dma_start3A_164 = arith.constant 0 : i32
    %dma_start3A_165 = arith.constant 0 : i32
    %dma_start3A_166 = tpu.memref_slice %arg3[%dma_start3A_164, %dma_start3A_165] : memref<1000000x32xf32, #tpu.memory_space<hbm>> -> memref<1000000x32xf32, #tpu.memory_space<hbm>>
    %dma_start3A_167 = tpu.memref_slice %arg8[%dma_start3A_147] : memref<4x!tpu.dma_semaphore, #tpu.memory_space<semaphore_mem>> -> memref<1x!tpu.dma_semaphore, #tpu.memory_space<semaphore_mem>>
    %dma_start3A_168 = tpu.memref_squeeze %dma_start3A_167 : memref<1x!tpu.dma_semaphore, #tpu.memory_space<semaphore_mem>> -> memref<!tpu.dma_semaphore, #tpu.memory_space<semaphore_mem>>
    tpu.enqueue_indirect_dma source(%dma_start3A_166 : memref<1000000x32xf32, #tpu.memory_space<hbm>>) target(%dma_start3A_156 : memref<128x32xf32, #tpu.memory_space<vmem>>) offsets(%dma_start3A_163 : memref<128xi32, #tpu.memory_space<vmem>>) semaphore(%dma_start3A_168 : memref<!tpu.dma_semaphore, #tpu.memory_space<semaphore_mem>>)
    %dma_start3A_169 = arith.constant 0 : i32
    %dma_start3A_170 = arith.constant 3 : i32
    %dma_start3A_171 = arith.constant 0 : i32
    %dma_start3A_172 = arith.constant 3 : i32
    %dma_start3A_173 = arith.constant 0 : i32
    %dma_start3A_174 = arith.constant 0 : i32
    %dma_start3A_175 = arith.constant 0 : i32
    %dma_start3A_176 = arith.constant 0 : i32
    %dma_start3A_177 = tpu.memref_slice %arg6[%dma_start3A_171, %dma_start3A_174, %dma_start3A_175, %dma_start3A_176] : memref<4x5x128x32xf32, #tpu.memory_space<vmem>> -> memref<1x5x128x32xf32, #tpu.memory_space<vmem>>
    %dma_start3A_178 = tpu.memref_squeeze %dma_start3A_177 : memref<1x5x128x32xf32, #tpu.memory_space<vmem>> -> memref<5x128x32xf32, #tpu.memory_space<vmem>>
    %dma_start3A_179 = arith.constant 0 : i32
    %dma_start3A_180 = arith.constant 0 : i32
    %dma_start3A_181 = tpu.memref_slice %dma_start3A_178[%dma_start3A_172, %dma_start3A_179, %dma_start3A_180] : memref<5x128x32xf32, #tpu.memory_space<vmem>> -> memref<1x128x32xf32, #tpu.memory_space<vmem>>
    %dma_start3A_182 = tpu.memref_squeeze %dma_start3A_181 : memref<1x128x32xf32, #tpu.memory_space<vmem>> -> memref<128x32xf32, #tpu.memory_space<vmem>>
    %dma_start3A_183 = arith.constant 0 : i32
    %dma_start3A_184 = arith.constant 0 : i32
    %dma_start3A_185 = tpu.memref_slice %arg5[%dma_start3A_169, %dma_start3A_183, %dma_start3A_184] : memref<4x5x128xi32, #tpu.memory_space<vmem>> -> memref<1x5x128xi32, #tpu.memory_space<vmem>>
    %dma_start3A_186 = tpu.memref_squeeze %dma_start3A_185 : memref<1x5x128xi32, #tpu.memory_space<vmem>> -> memref<5x128xi32, #tpu.memory_space<vmem>>
    %dma_start3A_187 = arith.constant 0 : i32
    %dma_start3A_188 = tpu.memref_slice %dma_start3A_186[%dma_start3A_170, %dma_start3A_187] : memref<5x128xi32, #tpu.memory_space<vmem>> -> memref<1x128xi32, #tpu.memory_space<vmem>>
    %dma_start3A_189 = tpu.memref_squeeze %dma_start3A_188 : memref<1x128xi32, #tpu.memory_space<vmem>> -> memref<128xi32, #tpu.memory_space<vmem>>
    %dma_start3A_190 = arith.constant 0 : i32
    %dma_start3A_191 = arith.constant 0 : i32
    %dma_start3A_192 = tpu.memref_slice %arg3[%dma_start3A_190, %dma_start3A_191] : memref<1000000x32xf32, #tpu.memory_space<hbm>> -> memref<1000000x32xf32, #tpu.memory_space<hbm>>
    %dma_start3A_193 = tpu.memref_slice %arg8[%dma_start3A_173] : memref<4x!tpu.dma_semaphore, #tpu.memory_space<semaphore_mem>> -> memref<1x!tpu.dma_semaphore, #tpu.memory_space<semaphore_mem>>
    %dma_start3A_194 = tpu.memref_squeeze %dma_start3A_193 : memref<1x!tpu.dma_semaphore, #tpu.memory_space<semaphore_mem>> -> memref<!tpu.dma_semaphore, #tpu.memory_space<semaphore_mem>>
    tpu.enqueue_indirect_dma source(%dma_start3A_192 : memref<1000000x32xf32, #tpu.memory_space<hbm>>) target(%dma_start3A_182 : memref<128x32xf32, #tpu.memory_space<vmem>>) offsets(%dma_start3A_189 : memref<128xi32, #tpu.memory_space<vmem>>) semaphore(%dma_start3A_194 : memref<!tpu.dma_semaphore, #tpu.memory_space<semaphore_mem>>)
    %dma_start3A_195 = arith.constant 0 : i32
    %dma_start3A_196 = arith.constant 4 : i32
    %dma_start3A_197 = arith.constant 0 : i32
    %dma_start3A_198 = arith.constant 4 : i32
    %dma_start3A_199 = arith.constant 0 : i32
    %dma_start3A_200 = arith.constant 0 : i32
    %dma_start3A_201 = arith.constant 0 : i32
    %dma_start3A_202 = arith.constant 0 : i32
    %dma_start3A_203 = tpu.memref_slice %arg6[%dma_start3A_197, %dma_start3A_200, %dma_start3A_201, %dma_start3A_202] : memref<4x5x128x32xf32, #tpu.memory_space<vmem>> -> memref<1x5x128x32xf32, #tpu.memory_space<vmem>>
    %dma_start3A_204 = tpu.memref_squeeze %dma_start3A_203 : memref<1x5x128x32xf32, #tpu.memory_space<vmem>> -> memref<5x128x32xf32, #tpu.memory_space<vmem>>
    %dma_start3A_205 = arith.constant 0 : i32
    %dma_start3A_206 = arith.constant 0 : i32
    %dma_start3A_207 = tpu.memref_slice %dma_start3A_204[%dma_start3A_198, %dma_start3A_205, %dma_start3A_206] : memref<5x128x32xf32, #tpu.memory_space<vmem>> -> memref<1x128x32xf32, #tpu.memory_space<vmem>>
    %dma_start3A_208 = tpu.memref_squeeze %dma_start3A_207 : memref<1x128x32xf32, #tpu.memory_space<vmem>> -> memref<128x32xf32, #tpu.memory_space<vmem>>
    %dma_start3A_209 = arith.constant 0 : i32
    %dma_start3A_210 = arith.constant 0 : i32
    %dma_start3A_211 = tpu.memref_slice %arg5[%dma_start3A_195, %dma_start3A_209, %dma_start3A_210] : memref<4x5x128xi32, #tpu.memory_space<vmem>> -> memref<1x5x128xi32, #tpu.memory_space<vmem>>
    %dma_start3A_212 = tpu.memref_squeeze %dma_start3A_211 : memref<1x5x128xi32, #tpu.memory_space<vmem>> -> memref<5x128xi32, #tpu.memory_space<vmem>>
    %dma_start3A_213 = arith.constant 0 : i32
    %dma_start3A_214 = tpu.memref_slice %dma_start3A_212[%dma_start3A_196, %dma_start3A_213] : memref<5x128xi32, #tpu.memory_space<vmem>> -> memref<1x128xi32, #tpu.memory_space<vmem>>
    %dma_start3A_215 = tpu.memref_squeeze %dma_start3A_214 : memref<1x128xi32, #tpu.memory_space<vmem>> -> memref<128xi32, #tpu.memory_space<vmem>>
    %dma_start3A_216 = arith.constant 0 : i32
    %dma_start3A_217 = arith.constant 0 : i32
    %dma_start3A_218 = tpu.memref_slice %arg3[%dma_start3A_216, %dma_start3A_217] : memref<1000000x32xf32, #tpu.memory_space<hbm>> -> memref<1000000x32xf32, #tpu.memory_space<hbm>>
    %dma_start3A_219 = tpu.memref_slice %arg8[%dma_start3A_199] : memref<4x!tpu.dma_semaphore, #tpu.memory_space<semaphore_mem>> -> memref<1x!tpu.dma_semaphore, #tpu.memory_space<semaphore_mem>>
    %dma_start3A_220 = tpu.memref_squeeze %dma_start3A_219 : memref<1x!tpu.dma_semaphore, #tpu.memory_space<semaphore_mem>> -> memref<!tpu.dma_semaphore, #tpu.memory_space<semaphore_mem>>
    tpu.enqueue_indirect_dma source(%dma_start3A_218 : memref<1000000x32xf32, #tpu.memory_space<hbm>>) target(%dma_start3A_208 : memref<128x32xf32, #tpu.memory_space<vmem>>) offsets(%dma_start3A_215 : memref<128xi32, #tpu.memory_space<vmem>>) semaphore(%dma_start3A_220 : memref<!tpu.dma_semaphore, #tpu.memory_space<semaphore_mem>>)
    %scan3A = arith.constant 0 : i32
    %scan3A_221 = arith.constant 0 : i32
    %scan3A_222 = arith.constant 10 : i32
    %scan3A_223 = arith.addi %scan3A_221, %scan3A_222 : i32
    %scan3A_224 = arith.constant 1 : i32
    scf.for %scan3A_336 = %scan3A_221 to %scan3A_223 step %scan3A_224  : i32 {
      %mul3A_337 = arith.constant 4 : i32
      %mul3A_338 = arith.muli %scan3A_336, %mul3A_337 : i32
      %add3A_339 = arith.constant 0 : i32
      %add3A_340 = arith.addi %mul3A_338, %add3A_339 : i32
      %add3A_341 = arith.constant 1 : i32
      %add3A_342 = arith.addi %add3A_340, %add3A_341 : i32
      %mul3A_343 = arith.constant 5 : i32
      %mul3A_344 = arith.muli %add3A_342, %mul3A_343 : i32
      %add3A_345 = arith.addi %mul3A_2, %mul3A_344 : i32
      %dma_wait3A_346 = arith.constant 1 : i32
      %dma_wait3A_347 = arith.constant 1 : i32
      %dma_wait3A_348 = arith.constant 0 : i32
      %dma_wait3A_349 = arith.constant 0 : i32
      %dma_wait3A_350 = tpu.memref_slice %arg5[%dma_wait3A_346, %dma_wait3A_348, %dma_wait3A_349] : memref<4x5x128xi32, #tpu.memory_space<vmem>> -> memref<1x5x128xi32, #tpu.memory_space<vmem>>
      %dma_wait3A_351 = tpu.memref_squeeze %dma_wait3A_350 : memref<1x5x128xi32, #tpu.memory_space<vmem>> -> memref<5x128xi32, #tpu.memory_space<vmem>>
      %dma_wait3A_352 = arith.constant 0 : i32
      %dma_wait3A_353 = tpu.memref_slice %arg2[%add3A_345, %dma_wait3A_352] : memref<6400x128xi32, #tpu.memory_space<hbm>> -> memref<5x128xi32, #tpu.memory_space<hbm>>
      %dma_wait3A_354 = tpu.memref_slice %arg7[%dma_wait3A_347] : memref<4x!tpu.dma_semaphore, #tpu.memory_space<semaphore_mem>> -> memref<1x!tpu.dma_semaphore, #tpu.memory_space<semaphore_mem>>
      %dma_wait3A_355 = tpu.memref_squeeze %dma_wait3A_354 : memref<1x!tpu.dma_semaphore, #tpu.memory_space<semaphore_mem>> -> memref<!tpu.dma_semaphore, #tpu.memory_space<semaphore_mem>>
      %dma_wait3A_356 = arith.constant 0 : i32
      %dma_wait3A_357 = arith.constant 0 : i32
      %dma_wait3A_358 = tpu.memref_slice %arg5[%dma_wait3A_346, %dma_wait3A_356, %dma_wait3A_357] : memref<4x5x128xi32, #tpu.memory_space<vmem>> -> memref<1x5x128xi32, #tpu.memory_space<vmem>>
      %dma_wait3A_359 = tpu.memref_squeeze %dma_wait3A_358 : memref<1x5x128xi32, #tpu.memory_space<vmem>> -> memref<5x128xi32, #tpu.memory_space<vmem>>
      %dma_wait3A_360 = arith.constant 0 : i32
      %dma_wait3A_361 = tpu.memref_slice %arg2[%add3A_345, %dma_wait3A_360] : memref<6400x128xi32, #tpu.memory_space<hbm>> -> memref<5x128xi32, #tpu.memory_space<hbm>>
      tpu.wait_dma2 semaphore(%dma_wait3A_355 : memref<!tpu.dma_semaphore, #tpu.memory_space<semaphore_mem>>) src(%dma_wait3A_361 : memref<5x128xi32, #tpu.memory_space<hbm>>) dst(%dma_wait3A_359 : memref<5x128xi32, #tpu.memory_space<vmem>>)
      %gt3A = arith.constant 0 : i32
      %gt3A_362 = arith.cmpi sgt, %scan3A_336, %gt3A : i32
      %convert_element_type3A = arith.extui %gt3A_362 : i1 to i32
      %cond3A = arith.constant 0 : i32
      %cond3A_363 = arith.cmpi ne, %convert_element_type3A, %cond3A : i32
      scf.if %cond3A_363 {
        %add3A_1013 = arith.constant 1 : i32
        %add3A_1014 = arith.addi %add3A_340, %add3A_1013 : i32
        %sub3A_1015 = arith.constant 4 : i32
        %sub3A_1016 = arith.subi %add3A_1014, %sub3A_1015 : i32
        %mul3A_1017 = arith.constant 5 : i32
        %mul3A_1018 = arith.muli %sub3A_1016, %mul3A_1017 : i32
        %add3A_1019 = arith.addi %mul3A_2, %mul3A_1018 : i32
        %dma_wait3A_1020 = arith.constant 1 : i32
        %dma_wait3A_1021 = arith.constant 1 : i32
        %dma_wait3A_1022 = arith.constant 0 : i32
        %dma_wait3A_1023 = arith.constant 0 : i32
        %dma_wait3A_1024 = arith.constant 0 : i32
        %dma_wait3A_1025 = tpu.memref_slice %arg6[%dma_wait3A_1020, %dma_wait3A_1022, %dma_wait3A_1023, %dma_wait3A_1024] : memref<4x5x128x32xf32, #tpu.memory_space<vmem>> -> memref<1x5x128x32xf32, #tpu.memory_space<vmem>>
        %dma_wait3A_1026 = tpu.memref_squeeze %dma_wait3A_1025 : memref<1x5x128x32xf32, #tpu.memory_space<vmem>> -> memref<5x128x32xf32, #tpu.memory_space<vmem>>
        %dma_wait3A_1027 = arith.constant 0 : i32
        %dma_wait3A_1028 = arith.constant 0 : i32
        %dma_wait3A_1029 = tpu.memref_slice %arg4[%add3A_1019, %dma_wait3A_1027, %dma_wait3A_1028] : memref<6400x128x32xf32, #tpu.memory_space<hbm>> -> memref<5x128x32xf32, #tpu.memory_space<hbm>>
        %dma_wait3A_1030 = tpu.memref_slice %arg9[%dma_wait3A_1021] : memref<4x!tpu.dma_semaphore, #tpu.memory_space<semaphore_mem>> -> memref<1x!tpu.dma_semaphore, #tpu.memory_space<semaphore_mem>>
        %dma_wait3A_1031 = tpu.memref_squeeze %dma_wait3A_1030 : memref<1x!tpu.dma_semaphore, #tpu.memory_space<semaphore_mem>> -> memref<!tpu.dma_semaphore, #tpu.memory_space<semaphore_mem>>
        %dma_wait3A_1032 = arith.constant 0 : i32
        %dma_wait3A_1033 = arith.constant 0 : i32
        %dma_wait3A_1034 = tpu.memref_slice %arg4[%add3A_1019, %dma_wait3A_1032, %dma_wait3A_1033] : memref<6400x128x32xf32, #tpu.memory_space<hbm>> -> memref<5x128x32xf32, #tpu.memory_space<hbm>>
        %dma_wait3A_1035 = arith.constant 0 : i32
        %dma_wait3A_1036 = arith.constant 0 : i32
        %dma_wait3A_1037 = arith.constant 0 : i32
        %dma_wait3A_1038 = tpu.memref_slice %arg6[%dma_wait3A_1020, %dma_wait3A_1035, %dma_wait3A_1036, %dma_wait3A_1037] : memref<4x5x128x32xf32, #tpu.memory_space<vmem>> -> memref<1x5x128x32xf32, #tpu.memory_space<vmem>>
        %dma_wait3A_1039 = tpu.memref_squeeze %dma_wait3A_1038 : memref<1x5x128x32xf32, #tpu.memory_space<vmem>> -> memref<5x128x32xf32, #tpu.memory_space<vmem>>
        tpu.wait_dma2 semaphore(%dma_wait3A_1031 : memref<!tpu.dma_semaphore, #tpu.memory_space<semaphore_mem>>) src(%dma_wait3A_1039 : memref<5x128x32xf32, #tpu.memory_space<vmem>>) dst(%dma_wait3A_1034 : memref<5x128x32xf32, #tpu.memory_space<hbm>>)
      } else {
      }
      %dma_start3A_364 = arith.constant 1 : i32
      %dma_start3A_365 = arith.constant 0 : i32
      %dma_start3A_366 = arith.constant 1 : i32
      %dma_start3A_367 = arith.constant 0 : i32
      %dma_start3A_368 = arith.constant 1 : i32
      %dma_start3A_369 = arith.constant 0 : i32
      %dma_start3A_370 = arith.constant 0 : i32
      %dma_start3A_371 = arith.constant 0 : i32
      %dma_start3A_372 = tpu.memref_slice %arg6[%dma_start3A_366, %dma_start3A_369, %dma_start3A_370, %dma_start3A_371] : memref<4x5x128x32xf32, #tpu.memory_space<vmem>> -> memref<1x5x128x32xf32, #tpu.memory_space<vmem>>
      %dma_start3A_373 = tpu.memref_squeeze %dma_start3A_372 : memref<1x5x128x32xf32, #tpu.memory_space<vmem>> -> memref<5x128x32xf32, #tpu.memory_space<vmem>>
      %dma_start3A_374 = arith.constant 0 : i32
      %dma_start3A_375 = arith.constant 0 : i32
      %dma_start3A_376 = tpu.memref_slice %dma_start3A_373[%dma_start3A_367, %dma_start3A_374, %dma_start3A_375] : memref<5x128x32xf32, #tpu.memory_space<vmem>> -> memref<1x128x32xf32, #tpu.memory_space<vmem>>
      %dma_start3A_377 = tpu.memref_squeeze %dma_start3A_376 : memref<1x128x32xf32, #tpu.memory_space<vmem>> -> memref<128x32xf32, #tpu.memory_space<vmem>>
      %dma_start3A_378 = arith.constant 0 : i32
      %dma_start3A_379 = arith.constant 0 : i32
      %dma_start3A_380 = tpu.memref_slice %arg5[%dma_start3A_364, %dma_start3A_378, %dma_start3A_379] : memref<4x5x128xi32, #tpu.memory_space<vmem>> -> memref<1x5x128xi32, #tpu.memory_space<vmem>>
      %dma_start3A_381 = tpu.memref_squeeze %dma_start3A_380 : memref<1x5x128xi32, #tpu.memory_space<vmem>> -> memref<5x128xi32, #tpu.memory_space<vmem>>
      %dma_start3A_382 = arith.constant 0 : i32
      %dma_start3A_383 = tpu.memref_slice %dma_start3A_381[%dma_start3A_365, %dma_start3A_382] : memref<5x128xi32, #tpu.memory_space<vmem>> -> memref<1x128xi32, #tpu.memory_space<vmem>>
      %dma_start3A_384 = tpu.memref_squeeze %dma_start3A_383 : memref<1x128xi32, #tpu.memory_space<vmem>> -> memref<128xi32, #tpu.memory_space<vmem>>
      %dma_start3A_385 = arith.constant 0 : i32
      %dma_start3A_386 = arith.constant 0 : i32
      %dma_start3A_387 = tpu.memref_slice %arg3[%dma_start3A_385, %dma_start3A_386] : memref<1000000x32xf32, #tpu.memory_space<hbm>> -> memref<1000000x32xf32, #tpu.memory_space<hbm>>
      %dma_start3A_388 = tpu.memref_slice %arg8[%dma_start3A_368] : memref<4x!tpu.dma_semaphore, #tpu.memory_space<semaphore_mem>> -> memref<1x!tpu.dma_semaphore, #tpu.memory_space<semaphore_mem>>
      %dma_start3A_389 = tpu.memref_squeeze %dma_start3A_388 : memref<1x!tpu.dma_semaphore, #tpu.memory_space<semaphore_mem>> -> memref<!tpu.dma_semaphore, #tpu.memory_space<semaphore_mem>>
      tpu.enqueue_indirect_dma source(%dma_start3A_387 : memref<1000000x32xf32, #tpu.memory_space<hbm>>) target(%dma_start3A_377 : memref<128x32xf32, #tpu.memory_space<vmem>>) offsets(%dma_start3A_384 : memref<128xi32, #tpu.memory_space<vmem>>) semaphore(%dma_start3A_389 : memref<!tpu.dma_semaphore, #tpu.memory_space<semaphore_mem>>)
      %dma_start3A_390 = arith.constant 1 : i32
      %dma_start3A_391 = arith.constant 1 : i32
      %dma_start3A_392 = arith.constant 1 : i32
      %dma_start3A_393 = arith.constant 1 : i32
      %dma_start3A_394 = arith.constant 1 : i32
      %dma_start3A_395 = arith.constant 0 : i32
      %dma_start3A_396 = arith.constant 0 : i32
      %dma_start3A_397 = arith.constant 0 : i32
      %dma_start3A_398 = tpu.memref_slice %arg6[%dma_start3A_392, %dma_start3A_395, %dma_start3A_396, %dma_start3A_397] : memref<4x5x128x32xf32, #tpu.memory_space<vmem>> -> memref<1x5x128x32xf32, #tpu.memory_space<vmem>>
      %dma_start3A_399 = tpu.memref_squeeze %dma_start3A_398 : memref<1x5x128x32xf32, #tpu.memory_space<vmem>> -> memref<5x128x32xf32, #tpu.memory_space<vmem>>
      %dma_start3A_400 = arith.constant 0 : i32
      %dma_start3A_401 = arith.constant 0 : i32
      %dma_start3A_402 = tpu.memref_slice %dma_start3A_399[%dma_start3A_393, %dma_start3A_400, %dma_start3A_401] : memref<5x128x32xf32, #tpu.memory_space<vmem>> -> memref<1x128x32xf32, #tpu.memory_space<vmem>>
      %dma_start3A_403 = tpu.memref_squeeze %dma_start3A_402 : memref<1x128x32xf32, #tpu.memory_space<vmem>> -> memref<128x32xf32, #tpu.memory_space<vmem>>
      %dma_start3A_404 = arith.constant 0 : i32
      %dma_start3A_405 = arith.constant 0 : i32
      %dma_start3A_406 = tpu.memref_slice %arg5[%dma_start3A_390, %dma_start3A_404, %dma_start3A_405] : memref<4x5x128xi32, #tpu.memory_space<vmem>> -> memref<1x5x128xi32, #tpu.memory_space<vmem>>
      %dma_start3A_407 = tpu.memref_squeeze %dma_start3A_406 : memref<1x5x128xi32, #tpu.memory_space<vmem>> -> memref<5x128xi32, #tpu.memory_space<vmem>>
      %dma_start3A_408 = arith.constant 0 : i32
      %dma_start3A_409 = tpu.memref_slice %dma_start3A_407[%dma_start3A_391, %dma_start3A_408] : memref<5x128xi32, #tpu.memory_space<vmem>> -> memref<1x128xi32, #tpu.memory_space<vmem>>
      %dma_start3A_410 = tpu.memref_squeeze %dma_start3A_409 : memref<1x128xi32, #tpu.memory_space<vmem>> -> memref<128xi32, #tpu.memory_space<vmem>>
      %dma_start3A_411 = arith.constant 0 : i32
      %dma_start3A_412 = arith.constant 0 : i32
      %dma_start3A_413 = tpu.memref_slice %arg3[%dma_start3A_411, %dma_start3A_412] : memref<1000000x32xf32, #tpu.memory_space<hbm>> -> memref<1000000x32xf32, #tpu.memory_space<hbm>>
      %dma_start3A_414 = tpu.memref_slice %arg8[%dma_start3A_394] : memref<4x!tpu.dma_semaphore, #tpu.memory_space<semaphore_mem>> -> memref<1x!tpu.dma_semaphore, #tpu.memory_space<semaphore_mem>>
      %dma_start3A_415 = tpu.memref_squeeze %dma_start3A_414 : memref<1x!tpu.dma_semaphore, #tpu.memory_space<semaphore_mem>> -> memref<!tpu.dma_semaphore, #tpu.memory_space<semaphore_mem>>
      tpu.enqueue_indirect_dma source(%dma_start3A_413 : memref<1000000x32xf32, #tpu.memory_space<hbm>>) target(%dma_start3A_403 : memref<128x32xf32, #tpu.memory_space<vmem>>) offsets(%dma_start3A_410 : memref<128xi32, #tpu.memory_space<vmem>>) semaphore(%dma_start3A_415 : memref<!tpu.dma_semaphore, #tpu.memory_space<semaphore_mem>>)
      %dma_start3A_416 = arith.constant 1 : i32
      %dma_start3A_417 = arith.constant 2 : i32
      %dma_start3A_418 = arith.constant 1 : i32
      %dma_start3A_419 = arith.constant 2 : i32
      %dma_start3A_420 = arith.constant 1 : i32
      %dma_start3A_421 = arith.constant 0 : i32
      %dma_start3A_422 = arith.constant 0 : i32
      %dma_start3A_423 = arith.constant 0 : i32
      %dma_start3A_424 = tpu.memref_slice %arg6[%dma_start3A_418, %dma_start3A_421, %dma_start3A_422, %dma_start3A_423] : memref<4x5x128x32xf32, #tpu.memory_space<vmem>> -> memref<1x5x128x32xf32, #tpu.memory_space<vmem>>
      %dma_start3A_425 = tpu.memref_squeeze %dma_start3A_424 : memref<1x5x128x32xf32, #tpu.memory_space<vmem>> -> memref<5x128x32xf32, #tpu.memory_space<vmem>>
      %dma_start3A_426 = arith.constant 0 : i32
      %dma_start3A_427 = arith.constant 0 : i32
      %dma_start3A_428 = tpu.memref_slice %dma_start3A_425[%dma_start3A_419, %dma_start3A_426, %dma_start3A_427] : memref<5x128x32xf32, #tpu.memory_space<vmem>> -> memref<1x128x32xf32, #tpu.memory_space<vmem>>
      %dma_start3A_429 = tpu.memref_squeeze %dma_start3A_428 : memref<1x128x32xf32, #tpu.memory_space<vmem>> -> memref<128x32xf32, #tpu.memory_space<vmem>>
      %dma_start3A_430 = arith.constant 0 : i32
      %dma_start3A_431 = arith.constant 0 : i32
      %dma_start3A_432 = tpu.memref_slice %arg5[%dma_start3A_416, %dma_start3A_430, %dma_start3A_431] : memref<4x5x128xi32, #tpu.memory_space<vmem>> -> memref<1x5x128xi32, #tpu.memory_space<vmem>>
      %dma_start3A_433 = tpu.memref_squeeze %dma_start3A_432 : memref<1x5x128xi32, #tpu.memory_space<vmem>> -> memref<5x128xi32, #tpu.memory_space<vmem>>
      %dma_start3A_434 = arith.constant 0 : i32
      %dma_start3A_435 = tpu.memref_slice %dma_start3A_433[%dma_start3A_417, %dma_start3A_434] : memref<5x128xi32, #tpu.memory_space<vmem>> -> memref<1x128xi32, #tpu.memory_space<vmem>>
      %dma_start3A_436 = tpu.memref_squeeze %dma_start3A_435 : memref<1x128xi32, #tpu.memory_space<vmem>> -> memref<128xi32, #tpu.memory_space<vmem>>
      %dma_start3A_437 = arith.constant 0 : i32
      %dma_start3A_438 = arith.constant 0 : i32
      %dma_start3A_439 = tpu.memref_slice %arg3[%dma_start3A_437, %dma_start3A_438] : memref<1000000x32xf32, #tpu.memory_space<hbm>> -> memref<1000000x32xf32, #tpu.memory_space<hbm>>
      %dma_start3A_440 = tpu.memref_slice %arg8[%dma_start3A_420] : memref<4x!tpu.dma_semaphore, #tpu.memory_space<semaphore_mem>> -> memref<1x!tpu.dma_semaphore, #tpu.memory_space<semaphore_mem>>
      %dma_start3A_441 = tpu.memref_squeeze %dma_start3A_440 : memref<1x!tpu.dma_semaphore, #tpu.memory_space<semaphore_mem>> -> memref<!tpu.dma_semaphore, #tpu.memory_space<semaphore_mem>>
      tpu.enqueue_indirect_dma source(%dma_start3A_439 : memref<1000000x32xf32, #tpu.memory_space<hbm>>) target(%dma_start3A_429 : memref<128x32xf32, #tpu.memory_space<vmem>>) offsets(%dma_start3A_436 : memref<128xi32, #tpu.memory_space<vmem>>) semaphore(%dma_start3A_441 : memref<!tpu.dma_semaphore, #tpu.memory_space<semaphore_mem>>)
      %dma_start3A_442 = arith.constant 1 : i32
      %dma_start3A_443 = arith.constant 3 : i32
      %dma_start3A_444 = arith.constant 1 : i32
      %dma_start3A_445 = arith.constant 3 : i32
      %dma_start3A_446 = arith.constant 1 : i32
      %dma_start3A_447 = arith.constant 0 : i32
      %dma_start3A_448 = arith.constant 0 : i32
      %dma_start3A_449 = arith.constant 0 : i32
      %dma_start3A_450 = tpu.memref_slice %arg6[%dma_start3A_444, %dma_start3A_447, %dma_start3A_448, %dma_start3A_449] : memref<4x5x128x32xf32, #tpu.memory_space<vmem>> -> memref<1x5x128x32xf32, #tpu.memory_space<vmem>>
      %dma_start3A_451 = tpu.memref_squeeze %dma_start3A_450 : memref<1x5x128x32xf32, #tpu.memory_space<vmem>> -> memref<5x128x32xf32, #tpu.memory_space<vmem>>
      %dma_start3A_452 = arith.constant 0 : i32
      %dma_start3A_453 = arith.constant 0 : i32
      %dma_start3A_454 = tpu.memref_slice %dma_start3A_451[%dma_start3A_445, %dma_start3A_452, %dma_start3A_453] : memref<5x128x32xf32, #tpu.memory_space<vmem>> -> memref<1x128x32xf32, #tpu.memory_space<vmem>>
      %dma_start3A_455 = tpu.memref_squeeze %dma_start3A_454 : memref<1x128x32xf32, #tpu.memory_space<vmem>> -> memref<128x32xf32, #tpu.memory_space<vmem>>
      %dma_start3A_456 = arith.constant 0 : i32
      %dma_start3A_457 = arith.constant 0 : i32
      %dma_start3A_458 = tpu.memref_slice %arg5[%dma_start3A_442, %dma_start3A_456, %dma_start3A_457] : memref<4x5x128xi32, #tpu.memory_space<vmem>> -> memref<1x5x128xi32, #tpu.memory_space<vmem>>
      %dma_start3A_459 = tpu.memref_squeeze %dma_start3A_458 : memref<1x5x128xi32, #tpu.memory_space<vmem>> -> memref<5x128xi32, #tpu.memory_space<vmem>>
      %dma_start3A_460 = arith.constant 0 : i32
      %dma_start3A_461 = tpu.memref_slice %dma_start3A_459[%dma_start3A_443, %dma_start3A_460] : memref<5x128xi32, #tpu.memory_space<vmem>> -> memref<1x128xi32, #tpu.memory_space<vmem>>
      %dma_start3A_462 = tpu.memref_squeeze %dma_start3A_461 : memref<1x128xi32, #tpu.memory_space<vmem>> -> memref<128xi32, #tpu.memory_space<vmem>>
      %dma_start3A_463 = arith.constant 0 : i32
      %dma_start3A_464 = arith.constant 0 : i32
      %dma_start3A_465 = tpu.memref_slice %arg3[%dma_start3A_463, %dma_start3A_464] : memref<1000000x32xf32, #tpu.memory_space<hbm>> -> memref<1000000x32xf32, #tpu.memory_space<hbm>>
      %dma_start3A_466 = tpu.memref_slice %arg8[%dma_start3A_446] : memref<4x!tpu.dma_semaphore, #tpu.memory_space<semaphore_mem>> -> memref<1x!tpu.dma_semaphore, #tpu.memory_space<semaphore_mem>>
      %dma_start3A_467 = tpu.memref_squeeze %dma_start3A_466 : memref<1x!tpu.dma_semaphore, #tpu.memory_space<semaphore_mem>> -> memref<!tpu.dma_semaphore, #tpu.memory_space<semaphore_mem>>
      tpu.enqueue_indirect_dma source(%dma_start3A_465 : memref<1000000x32xf32, #tpu.memory_space<hbm>>) target(%dma_start3A_455 : memref<128x32xf32, #tpu.memory_space<vmem>>) offsets(%dma_start3A_462 : memref<128xi32, #tpu.memory_space<vmem>>) semaphore(%dma_start3A_467 : memref<!tpu.dma_semaphore, #tpu.memory_space<semaphore_mem>>)
      %dma_start3A_468 = arith.constant 1 : i32
      %dma_start3A_469 = arith.constant 4 : i32
      %dma_start3A_470 = arith.constant 1 : i32
      %dma_start3A_471 = arith.constant 4 : i32
      %dma_start3A_472 = arith.constant 1 : i32
      %dma_start3A_473 = arith.constant 0 : i32
      %dma_start3A_474 = arith.constant 0 : i32
      %dma_start3A_475 = arith.constant 0 : i32
      %dma_start3A_476 = tpu.memref_slice %arg6[%dma_start3A_470, %dma_start3A_473, %dma_start3A_474, %dma_start3A_475] : memref<4x5x128x32xf32, #tpu.memory_space<vmem>> -> memref<1x5x128x32xf32, #tpu.memory_space<vmem>>
      %dma_start3A_477 = tpu.memref_squeeze %dma_start3A_476 : memref<1x5x128x32xf32, #tpu.memory_space<vmem>> -> memref<5x128x32xf32, #tpu.memory_space<vmem>>
      %dma_start3A_478 = arith.constant 0 : i32
      %dma_start3A_479 = arith.constant 0 : i32
      %dma_start3A_480 = tpu.memref_slice %dma_start3A_477[%dma_start3A_471, %dma_start3A_478, %dma_start3A_479] : memref<5x128x32xf32, #tpu.memory_space<vmem>> -> memref<1x128x32xf32, #tpu.memory_space<vmem>>
      %dma_start3A_481 = tpu.memref_squeeze %dma_start3A_480 : memref<1x128x32xf32, #tpu.memory_space<vmem>> -> memref<128x32xf32, #tpu.memory_space<vmem>>
      %dma_start3A_482 = arith.constant 0 : i32
      %dma_start3A_483 = arith.constant 0 : i32
      %dma_start3A_484 = tpu.memref_slice %arg5[%dma_start3A_468, %dma_start3A_482, %dma_start3A_483] : memref<4x5x128xi32, #tpu.memory_space<vmem>> -> memref<1x5x128xi32, #tpu.memory_space<vmem>>
      %dma_start3A_485 = tpu.memref_squeeze %dma_start3A_484 : memref<1x5x128xi32, #tpu.memory_space<vmem>> -> memref<5x128xi32, #tpu.memory_space<vmem>>
      %dma_start3A_486 = arith.constant 0 : i32
      %dma_start3A_487 = tpu.memref_slice %dma_start3A_485[%dma_start3A_469, %dma_start3A_486] : memref<5x128xi32, #tpu.memory_space<vmem>> -> memref<1x128xi32, #tpu.memory_space<vmem>>
      %dma_start3A_488 = tpu.memref_squeeze %dma_start3A_487 : memref<1x128xi32, #tpu.memory_space<vmem>> -> memref<128xi32, #tpu.memory_space<vmem>>
      %dma_start3A_489 = arith.constant 0 : i32
      %dma_start3A_490 = arith.constant 0 : i32
      %dma_start3A_491 = tpu.memref_slice %arg3[%dma_start3A_489, %dma_start3A_490] : memref<1000000x32xf32, #tpu.memory_space<hbm>> -> memref<1000000x32xf32, #tpu.memory_space<hbm>>
      %dma_start3A_492 = tpu.memref_slice %arg8[%dma_start3A_472] : memref<4x!tpu.dma_semaphore, #tpu.memory_space<semaphore_mem>> -> memref<1x!tpu.dma_semaphore, #tpu.memory_space<semaphore_mem>>
      %dma_start3A_493 = tpu.memref_squeeze %dma_start3A_492 : memref<1x!tpu.dma_semaphore, #tpu.memory_space<semaphore_mem>> -> memref<!tpu.dma_semaphore, #tpu.memory_space<semaphore_mem>>
      tpu.enqueue_indirect_dma source(%dma_start3A_491 : memref<1000000x32xf32, #tpu.memory_space<hbm>>) target(%dma_start3A_481 : memref<128x32xf32, #tpu.memory_space<vmem>>) offsets(%dma_start3A_488 : memref<128xi32, #tpu.memory_space<vmem>>) semaphore(%dma_start3A_493 : memref<!tpu.dma_semaphore, #tpu.memory_space<semaphore_mem>>)
      %mul3A_494 = arith.constant 5 : i32
      %mul3A_495 = arith.muli %add3A_340, %mul3A_494 : i32
      %add3A_496 = arith.addi %mul3A_2, %mul3A_495 : i32
      %dma_wait3A_497 = arith.constant 0 : i32
      %dma_wait3A_498 = arith.constant 0 : i32
      %dma_wait3A_499 = arith.constant 0 : i32
      %dma_wait3A_500 = arith.constant 0 : i32
      %dma_wait3A_501 = arith.constant 0 : i32
      %dma_wait3A_502 = tpu.memref_slice %arg6[%dma_wait3A_497, %dma_wait3A_499, %dma_wait3A_500, %dma_wait3A_501] : memref<4x5x128x32xf32, #tpu.memory_space<vmem>> -> memref<1x5x128x32xf32, #tpu.memory_space<vmem>>
      %dma_wait3A_503 = tpu.memref_squeeze %dma_wait3A_502 : memref<1x5x128x32xf32, #tpu.memory_space<vmem>> -> memref<5x128x32xf32, #tpu.memory_space<vmem>>
      %dma_wait3A_504 = arith.constant 0 : i32
      %dma_wait3A_505 = arith.constant 0 : i32
      %dma_wait3A_506 = tpu.memref_slice %arg4[%add3A_496, %dma_wait3A_504, %dma_wait3A_505] : memref<6400x128x32xf32, #tpu.memory_space<hbm>> -> memref<5x128x32xf32, #tpu.memory_space<hbm>>
      %dma_wait3A_507 = tpu.memref_slice %arg8[%dma_wait3A_498] : memref<4x!tpu.dma_semaphore, #tpu.memory_space<semaphore_mem>> -> memref<1x!tpu.dma_semaphore, #tpu.memory_space<semaphore_mem>>
      %dma_wait3A_508 = tpu.memref_squeeze %dma_wait3A_507 : memref<1x!tpu.dma_semaphore, #tpu.memory_space<semaphore_mem>> -> memref<!tpu.dma_semaphore, #tpu.memory_space<semaphore_mem>>
      %dma_wait3A_509 = arith.constant 0 : i32
      %dma_wait3A_510 = arith.constant 0 : i32
      %dma_wait3A_511 = arith.constant 0 : i32
      %dma_wait3A_512 = tpu.memref_slice %arg6[%dma_wait3A_497, %dma_wait3A_509, %dma_wait3A_510, %dma_wait3A_511] : memref<4x5x128x32xf32, #tpu.memory_space<vmem>> -> memref<1x5x128x32xf32, #tpu.memory_space<vmem>>
      %dma_wait3A_513 = tpu.memref_squeeze %dma_wait3A_512 : memref<1x5x128x32xf32, #tpu.memory_space<vmem>> -> memref<5x128x32xf32, #tpu.memory_space<vmem>>
      %dma_wait3A_514 = arith.constant 0 : i32
      %dma_wait3A_515 = arith.constant 0 : i32
      %dma_wait3A_516 = tpu.memref_slice %arg4[%add3A_496, %dma_wait3A_514, %dma_wait3A_515] : memref<6400x128x32xf32, #tpu.memory_space<hbm>> -> memref<5x128x32xf32, #tpu.memory_space<hbm>>
      tpu.wait_dma2 semaphore(%dma_wait3A_508 : memref<!tpu.dma_semaphore, #tpu.memory_space<semaphore_mem>>) src(%dma_wait3A_516 : memref<5x128x32xf32, #tpu.memory_space<hbm>>) dst(%dma_wait3A_513 : memref<5x128x32xf32, #tpu.memory_space<vmem>>)
      %lt3A = arith.constant 9 : i32
      %lt3A_517 = arith.cmpi slt, %scan3A_336, %lt3A : i32
      %convert_element_type3A_518 = arith.extui %lt3A_517 : i1 to i32
      %cond3A_519 = arith.constant 0 : i32
      %cond3A_520 = arith.cmpi ne, %convert_element_type3A_518, %cond3A_519 : i32
      scf.if %cond3A_520 {
        %add3A_1013 = arith.constant 4 : i32
        %add3A_1014 = arith.addi %add3A_340, %add3A_1013 : i32
        %mul3A_1015 = arith.constant 5 : i32
        %mul3A_1016 = arith.muli %add3A_1014, %mul3A_1015 : i32
        %add3A_1017 = arith.addi %mul3A_2, %mul3A_1016 : i32
        %dma_start3A_1018 = arith.constant 0 : i32
        %dma_start3A_1019 = arith.constant 0 : i32
        %dma_start3A_1020 = arith.constant 0 : i32
        %dma_start3A_1021 = arith.constant 0 : i32
        %dma_start3A_1022 = tpu.memref_slice %arg5[%dma_start3A_1018, %dma_start3A_1020, %dma_start3A_1021] : memref<4x5x128xi32, #tpu.memory_space<vmem>> -> memref<1x5x128xi32, #tpu.memory_space<vmem>>
        %dma_start3A_1023 = tpu.memref_squeeze %dma_start3A_1022 : memref<1x5x128xi32, #tpu.memory_space<vmem>> -> memref<5x128xi32, #tpu.memory_space<vmem>>
        %dma_start3A_1024 = arith.constant 0 : i32
        %dma_start3A_1025 = tpu.memref_slice %arg2[%add3A_1017, %dma_start3A_1024] : memref<6400x128xi32, #tpu.memory_space<hbm>> -> memref<5x128xi32, #tpu.memory_space<hbm>>
        %dma_start3A_1026 = tpu.memref_slice %arg7[%dma_start3A_1019] : memref<4x!tpu.dma_semaphore, #tpu.memory_space<semaphore_mem>> -> memref<1x!tpu.dma_semaphore, #tpu.memory_space<semaphore_mem>>
        %dma_start3A_1027 = tpu.memref_squeeze %dma_start3A_1026 : memref<1x!tpu.dma_semaphore, #tpu.memory_space<semaphore_mem>> -> memref<!tpu.dma_semaphore, #tpu.memory_space<semaphore_mem>>
        %dma_start3A_1028 = arith.constant 0 : i32
        %dma_start3A_1029 = arith.constant 0 : i32
        %dma_start3A_1030 = tpu.memref_slice %arg5[%dma_start3A_1018, %dma_start3A_1028, %dma_start3A_1029] : memref<4x5x128xi32, #tpu.memory_space<vmem>> -> memref<1x5x128xi32, #tpu.memory_space<vmem>>
        %dma_start3A_1031 = tpu.memref_squeeze %dma_start3A_1030 : memref<1x5x128xi32, #tpu.memory_space<vmem>> -> memref<5x128xi32, #tpu.memory_space<vmem>>
        %dma_start3A_1032 = arith.constant 0 : i32
        %dma_start3A_1033 = tpu.memref_slice %arg2[%add3A_1017, %dma_start3A_1032] : memref<6400x128xi32, #tpu.memory_space<hbm>> -> memref<5x128xi32, #tpu.memory_space<hbm>>
        tpu.enqueue_dma source(%dma_start3A_1033 : memref<5x128xi32, #tpu.memory_space<hbm>>) target(%dma_start3A_1031 : memref<5x128xi32, #tpu.memory_space<vmem>>) target_semaphore(%dma_start3A_1027 : memref<!tpu.dma_semaphore, #tpu.memory_space<semaphore_mem>>)
      } else {
      }
      %gt3A_521 = arith.constant 0 : i32
      %gt3A_522 = arith.cmpi sgt, %scan3A_336, %gt3A_521 : i32
      %convert_element_type3A_523 = arith.extui %gt3A_522 : i1 to i32
      %cond3A_524 = arith.constant 0 : i32
      %cond3A_525 = arith.cmpi ne, %convert_element_type3A_523, %cond3A_524 : i32
      scf.if %cond3A_525 {
        %sub3A_1013 = arith.constant 1 : i32
        %sub3A_1014 = arith.subi %add3A_340, %sub3A_1013 : i32
        %mul3A_1015 = arith.constant 5 : i32
        %mul3A_1016 = arith.muli %sub3A_1014, %mul3A_1015 : i32
        %add3A_1017 = arith.addi %mul3A_2, %mul3A_1016 : i32
        %dma_start3A_1018 = arith.constant 3 : i32
        %dma_start3A_1019 = arith.constant 3 : i32
        %dma_start3A_1020 = arith.constant 0 : i32
        %dma_start3A_1021 = arith.constant 0 : i32
        %dma_start3A_1022 = arith.constant 0 : i32
        %dma_start3A_1023 = tpu.memref_slice %arg6[%dma_start3A_1018, %dma_start3A_1020, %dma_start3A_1021, %dma_start3A_1022] : memref<4x5x128x32xf32, #tpu.memory_space<vmem>> -> memref<1x5x128x32xf32, #tpu.memory_space<vmem>>
        %dma_start3A_1024 = tpu.memref_squeeze %dma_start3A_1023 : memref<1x5x128x32xf32, #tpu.memory_space<vmem>> -> memref<5x128x32xf32, #tpu.memory_space<vmem>>
        %dma_start3A_1025 = arith.constant 0 : i32
        %dma_start3A_1026 = arith.constant 0 : i32
        %dma_start3A_1027 = tpu.memref_slice %arg4[%add3A_1017, %dma_start3A_1025, %dma_start3A_1026] : memref<6400x128x32xf32, #tpu.memory_space<hbm>> -> memref<5x128x32xf32, #tpu.memory_space<hbm>>
        %dma_start3A_1028 = tpu.memref_slice %arg9[%dma_start3A_1019] : memref<4x!tpu.dma_semaphore, #tpu.memory_space<semaphore_mem>> -> memref<1x!tpu.dma_semaphore, #tpu.memory_space<semaphore_mem>>
        %dma_start3A_1029 = tpu.memref_squeeze %dma_start3A_1028 : memref<1x!tpu.dma_semaphore, #tpu.memory_space<semaphore_mem>> -> memref<!tpu.dma_semaphore, #tpu.memory_space<semaphore_mem>>
        %dma_start3A_1030 = arith.constant 0 : i32
        %dma_start3A_1031 = arith.constant 0 : i32
        %dma_start3A_1032 = tpu.memref_slice %arg4[%add3A_1017, %dma_start3A_1030, %dma_start3A_1031] : memref<6400x128x32xf32, #tpu.memory_space<hbm>> -> memref<5x128x32xf32, #tpu.memory_space<hbm>>
        %dma_start3A_1033 = arith.constant 0 : i32
        %dma_start3A_1034 = arith.constant 0 : i32
        %dma_start3A_1035 = arith.constant 0 : i32
        %dma_start3A_1036 = tpu.memref_slice %arg6[%dma_start3A_1018, %dma_start3A_1033, %dma_start3A_1034, %dma_start3A_1035] : memref<4x5x128x32xf32, #tpu.memory_space<vmem>> -> memref<1x5x128x32xf32, #tpu.memory_space<vmem>>
        %dma_start3A_1037 = tpu.memref_squeeze %dma_start3A_1036 : memref<1x5x128x32xf32, #tpu.memory_space<vmem>> -> memref<5x128x32xf32, #tpu.memory_space<vmem>>
        tpu.enqueue_dma source(%dma_start3A_1037 : memref<5x128x32xf32, #tpu.memory_space<vmem>>) target(%dma_start3A_1032 : memref<5x128x32xf32, #tpu.memory_space<hbm>>) target_semaphore(%dma_start3A_1029 : memref<!tpu.dma_semaphore, #tpu.memory_space<semaphore_mem>>)
      } else {
      }
      %mul3A_526 = arith.constant 4 : i32
      %mul3A_527 = arith.muli %scan3A_336, %mul3A_526 : i32
      %add3A_528 = arith.constant 1 : i32
      %add3A_529 = arith.addi %mul3A_527, %add3A_528 : i32
      %add3A_530 = arith.constant 1 : i32
      %add3A_531 = arith.addi %add3A_529, %add3A_530 : i32
      %mul3A_532 = arith.constant 5 : i32
      %mul3A_533 = arith.muli %add3A_531, %mul3A_532 : i32
      %add3A_534 = arith.addi %mul3A_2, %mul3A_533 : i32
      %dma_wait3A_535 = arith.constant 2 : i32
      %dma_wait3A_536 = arith.constant 2 : i32
      %dma_wait3A_537 = arith.constant 0 : i32
      %dma_wait3A_538 = arith.constant 0 : i32
      %dma_wait3A_539 = tpu.memref_slice %arg5[%dma_wait3A_535, %dma_wait3A_537, %dma_wait3A_538] : memref<4x5x128xi32, #tpu.memory_space<vmem>> -> memref<1x5x128xi32, #tpu.memory_space<vmem>>
      %dma_wait3A_540 = tpu.memref_squeeze %dma_wait3A_539 : memref<1x5x128xi32, #tpu.memory_space<vmem>> -> memref<5x128xi32, #tpu.memory_space<vmem>>
      %dma_wait3A_541 = arith.constant 0 : i32
      %dma_wait3A_542 = tpu.memref_slice %arg2[%add3A_534, %dma_wait3A_541] : memref<6400x128xi32, #tpu.memory_space<hbm>> -> memref<5x128xi32, #tpu.memory_space<hbm>>
      %dma_wait3A_543 = tpu.memref_slice %arg7[%dma_wait3A_536] : memref<4x!tpu.dma_semaphore, #tpu.memory_space<semaphore_mem>> -> memref<1x!tpu.dma_semaphore, #tpu.memory_space<semaphore_mem>>
      %dma_wait3A_544 = tpu.memref_squeeze %dma_wait3A_543 : memref<1x!tpu.dma_semaphore, #tpu.memory_space<semaphore_mem>> -> memref<!tpu.dma_semaphore, #tpu.memory_space<semaphore_mem>>
      %dma_wait3A_545 = arith.constant 0 : i32
      %dma_wait3A_546 = arith.constant 0 : i32
      %dma_wait3A_547 = tpu.memref_slice %arg5[%dma_wait3A_535, %dma_wait3A_545, %dma_wait3A_546] : memref<4x5x128xi32, #tpu.memory_space<vmem>> -> memref<1x5x128xi32, #tpu.memory_space<vmem>>
      %dma_wait3A_548 = tpu.memref_squeeze %dma_wait3A_547 : memref<1x5x128xi32, #tpu.memory_space<vmem>> -> memref<5x128xi32, #tpu.memory_space<vmem>>
      %dma_wait3A_549 = arith.constant 0 : i32
      %dma_wait3A_550 = tpu.memref_slice %arg2[%add3A_534, %dma_wait3A_549] : memref<6400x128xi32, #tpu.memory_space<hbm>> -> memref<5x128xi32, #tpu.memory_space<hbm>>
      tpu.wait_dma2 semaphore(%dma_wait3A_544 : memref<!tpu.dma_semaphore, #tpu.memory_space<semaphore_mem>>) src(%dma_wait3A_550 : memref<5x128xi32, #tpu.memory_space<hbm>>) dst(%dma_wait3A_548 : memref<5x128xi32, #tpu.memory_space<vmem>>)
      %gt3A_551 = arith.constant 0 : i32
      %gt3A_552 = arith.cmpi sgt, %scan3A_336, %gt3A_551 : i32
      %convert_element_type3A_553 = arith.extui %gt3A_552 : i1 to i32
      %cond3A_554 = arith.constant 0 : i32
      %cond3A_555 = arith.cmpi ne, %convert_element_type3A_553, %cond3A_554 : i32
      scf.if %cond3A_555 {
        %add3A_1013 = arith.constant 1 : i32
        %add3A_1014 = arith.addi %add3A_529, %add3A_1013 : i32
        %sub3A_1015 = arith.constant 4 : i32
        %sub3A_1016 = arith.subi %add3A_1014, %sub3A_1015 : i32
        %mul3A_1017 = arith.constant 5 : i32
        %mul3A_1018 = arith.muli %sub3A_1016, %mul3A_1017 : i32
        %add3A_1019 = arith.addi %mul3A_2, %mul3A_1018 : i32
        %dma_wait3A_1020 = arith.constant 2 : i32
        %dma_wait3A_1021 = arith.constant 2 : i32
        %dma_wait3A_1022 = arith.constant 0 : i32
        %dma_wait3A_1023 = arith.constant 0 : i32
        %dma_wait3A_1024 = arith.constant 0 : i32
        %dma_wait3A_1025 = tpu.memref_slice %arg6[%dma_wait3A_1020, %dma_wait3A_1022, %dma_wait3A_1023, %dma_wait3A_1024] : memref<4x5x128x32xf32, #tpu.memory_space<vmem>> -> memref<1x5x128x32xf32, #tpu.memory_space<vmem>>
        %dma_wait3A_1026 = tpu.memref_squeeze %dma_wait3A_1025 : memref<1x5x128x32xf32, #tpu.memory_space<vmem>> -> memref<5x128x32xf32, #tpu.memory_space<vmem>>
        %dma_wait3A_1027 = arith.constant 0 : i32
        %dma_wait3A_1028 = arith.constant 0 : i32
        %dma_wait3A_1029 = tpu.memref_slice %arg4[%add3A_1019, %dma_wait3A_1027, %dma_wait3A_1028] : memref<6400x128x32xf32, #tpu.memory_space<hbm>> -> memref<5x128x32xf32, #tpu.memory_space<hbm>>
        %dma_wait3A_1030 = tpu.memref_slice %arg9[%dma_wait3A_1021] : memref<4x!tpu.dma_semaphore, #tpu.memory_space<semaphore_mem>> -> memref<1x!tpu.dma_semaphore, #tpu.memory_space<semaphore_mem>>
        %dma_wait3A_1031 = tpu.memref_squeeze %dma_wait3A_1030 : memref<1x!tpu.dma_semaphore, #tpu.memory_space<semaphore_mem>> -> memref<!tpu.dma_semaphore, #tpu.memory_space<semaphore_mem>>
        %dma_wait3A_1032 = arith.constant 0 : i32
        %dma_wait3A_1033 = arith.constant 0 : i32
        %dma_wait3A_1034 = tpu.memref_slice %arg4[%add3A_1019, %dma_wait3A_1032, %dma_wait3A_1033] : memref<6400x128x32xf32, #tpu.memory_space<hbm>> -> memref<5x128x32xf32, #tpu.memory_space<hbm>>
        %dma_wait3A_1035 = arith.constant 0 : i32
        %dma_wait3A_1036 = arith.constant 0 : i32
        %dma_wait3A_1037 = arith.constant 0 : i32
        %dma_wait3A_1038 = tpu.memref_slice %arg6[%dma_wait3A_1020, %dma_wait3A_1035, %dma_wait3A_1036, %dma_wait3A_1037] : memref<4x5x128x32xf32, #tpu.memory_space<vmem>> -> memref<1x5x128x32xf32, #tpu.memory_space<vmem>>
        %dma_wait3A_1039 = tpu.memref_squeeze %dma_wait3A_1038 : memref<1x5x128x32xf32, #tpu.memory_space<vmem>> -> memref<5x128x32xf32, #tpu.memory_space<vmem>>
        tpu.wait_dma2 semaphore(%dma_wait3A_1031 : memref<!tpu.dma_semaphore, #tpu.memory_space<semaphore_mem>>) src(%dma_wait3A_1039 : memref<5x128x32xf32, #tpu.memory_space<vmem>>) dst(%dma_wait3A_1034 : memref<5x128x32xf32, #tpu.memory_space<hbm>>)
      } else {
      }
      %dma_start3A_556 = arith.constant 2 : i32
      %dma_start3A_557 = arith.constant 0 : i32
      %dma_start3A_558 = arith.constant 2 : i32
      %dma_start3A_559 = arith.constant 0 : i32
      %dma_start3A_560 = arith.constant 2 : i32
      %dma_start3A_561 = arith.constant 0 : i32
      %dma_start3A_562 = arith.constant 0 : i32
      %dma_start3A_563 = arith.constant 0 : i32
      %dma_start3A_564 = tpu.memref_slice %arg6[%dma_start3A_558, %dma_start3A_561, %dma_start3A_562, %dma_start3A_563] : memref<4x5x128x32xf32, #tpu.memory_space<vmem>> -> memref<1x5x128x32xf32, #tpu.memory_space<vmem>>
      %dma_start3A_565 = tpu.memref_squeeze %dma_start3A_564 : memref<1x5x128x32xf32, #tpu.memory_space<vmem>> -> memref<5x128x32xf32, #tpu.memory_space<vmem>>
      %dma_start3A_566 = arith.constant 0 : i32
      %dma_start3A_567 = arith.constant 0 : i32
      %dma_start3A_568 = tpu.memref_slice %dma_start3A_565[%dma_start3A_559, %dma_start3A_566, %dma_start3A_567] : memref<5x128x32xf32, #tpu.memory_space<vmem>> -> memref<1x128x32xf32, #tpu.memory_space<vmem>>
      %dma_start3A_569 = tpu.memref_squeeze %dma_start3A_568 : memref<1x128x32xf32, #tpu.memory_space<vmem>> -> memref<128x32xf32, #tpu.memory_space<vmem>>
      %dma_start3A_570 = arith.constant 0 : i32
      %dma_start3A_571 = arith.constant 0 : i32
      %dma_start3A_572 = tpu.memref_slice %arg5[%dma_start3A_556, %dma_start3A_570, %dma_start3A_571] : memref<4x5x128xi32, #tpu.memory_space<vmem>> -> memref<1x5x128xi32, #tpu.memory_space<vmem>>
      %dma_start3A_573 = tpu.memref_squeeze %dma_start3A_572 : memref<1x5x128xi32, #tpu.memory_space<vmem>> -> memref<5x128xi32, #tpu.memory_space<vmem>>
      %dma_start3A_574 = arith.constant 0 : i32
      %dma_start3A_575 = tpu.memref_slice %dma_start3A_573[%dma_start3A_557, %dma_start3A_574] : memref<5x128xi32, #tpu.memory_space<vmem>> -> memref<1x128xi32, #tpu.memory_space<vmem>>
      %dma_start3A_576 = tpu.memref_squeeze %dma_start3A_575 : memref<1x128xi32, #tpu.memory_space<vmem>> -> memref<128xi32, #tpu.memory_space<vmem>>
      %dma_start3A_577 = arith.constant 0 : i32
      %dma_start3A_578 = arith.constant 0 : i32
      %dma_start3A_579 = tpu.memref_slice %arg3[%dma_start3A_577, %dma_start3A_578] : memref<1000000x32xf32, #tpu.memory_space<hbm>> -> memref<1000000x32xf32, #tpu.memory_space<hbm>>
      %dma_start3A_580 = tpu.memref_slice %arg8[%dma_start3A_560] : memref<4x!tpu.dma_semaphore, #tpu.memory_space<semaphore_mem>> -> memref<1x!tpu.dma_semaphore, #tpu.memory_space<semaphore_mem>>
      %dma_start3A_581 = tpu.memref_squeeze %dma_start3A_580 : memref<1x!tpu.dma_semaphore, #tpu.memory_space<semaphore_mem>> -> memref<!tpu.dma_semaphore, #tpu.memory_space<semaphore_mem>>
      tpu.enqueue_indirect_dma source(%dma_start3A_579 : memref<1000000x32xf32, #tpu.memory_space<hbm>>) target(%dma_start3A_569 : memref<128x32xf32, #tpu.memory_space<vmem>>) offsets(%dma_start3A_576 : memref<128xi32, #tpu.memory_space<vmem>>) semaphore(%dma_start3A_581 : memref<!tpu.dma_semaphore, #tpu.memory_space<semaphore_mem>>)
      %dma_start3A_582 = arith.constant 2 : i32
      %dma_start3A_583 = arith.constant 1 : i32
      %dma_start3A_584 = arith.constant 2 : i32
      %dma_start3A_585 = arith.constant 1 : i32
      %dma_start3A_586 = arith.constant 2 : i32
      %dma_start3A_587 = arith.constant 0 : i32
      %dma_start3A_588 = arith.constant 0 : i32
      %dma_start3A_589 = arith.constant 0 : i32
      %dma_start3A_590 = tpu.memref_slice %arg6[%dma_start3A_584, %dma_start3A_587, %dma_start3A_588, %dma_start3A_589] : memref<4x5x128x32xf32, #tpu.memory_space<vmem>> -> memref<1x5x128x32xf32, #tpu.memory_space<vmem>>
      %dma_start3A_591 = tpu.memref_squeeze %dma_start3A_590 : memref<1x5x128x32xf32, #tpu.memory_space<vmem>> -> memref<5x128x32xf32, #tpu.memory_space<vmem>>
      %dma_start3A_592 = arith.constant 0 : i32
      %dma_start3A_593 = arith.constant 0 : i32
      %dma_start3A_594 = tpu.memref_slice %dma_start3A_591[%dma_start3A_585, %dma_start3A_592, %dma_start3A_593] : memref<5x128x32xf32, #tpu.memory_space<vmem>> -> memref<1x128x32xf32, #tpu.memory_space<vmem>>
      %dma_start3A_595 = tpu.memref_squeeze %dma_start3A_594 : memref<1x128x32xf32, #tpu.memory_space<vmem>> -> memref<128x32xf32, #tpu.memory_space<vmem>>
      %dma_start3A_596 = arith.constant 0 : i32
      %dma_start3A_597 = arith.constant 0 : i32
      %dma_start3A_598 = tpu.memref_slice %arg5[%dma_start3A_582, %dma_start3A_596, %dma_start3A_597] : memref<4x5x128xi32, #tpu.memory_space<vmem>> -> memref<1x5x128xi32, #tpu.memory_space<vmem>>
      %dma_start3A_599 = tpu.memref_squeeze %dma_start3A_598 : memref<1x5x128xi32, #tpu.memory_space<vmem>> -> memref<5x128xi32, #tpu.memory_space<vmem>>
      %dma_start3A_600 = arith.constant 0 : i32
      %dma_start3A_601 = tpu.memref_slice %dma_start3A_599[%dma_start3A_583, %dma_start3A_600] : memref<5x128xi32, #tpu.memory_space<vmem>> -> memref<1x128xi32, #tpu.memory_space<vmem>>
      %dma_start3A_602 = tpu.memref_squeeze %dma_start3A_601 : memref<1x128xi32, #tpu.memory_space<vmem>> -> memref<128xi32, #tpu.memory_space<vmem>>
      %dma_start3A_603 = arith.constant 0 : i32
      %dma_start3A_604 = arith.constant 0 : i32
      %dma_start3A_605 = tpu.memref_slice %arg3[%dma_start3A_603, %dma_start3A_604] : memref<1000000x32xf32, #tpu.memory_space<hbm>> -> memref<1000000x32xf32, #tpu.memory_space<hbm>>
      %dma_start3A_606 = tpu.memref_slice %arg8[%dma_start3A_586] : memref<4x!tpu.dma_semaphore, #tpu.memory_space<semaphore_mem>> -> memref<1x!tpu.dma_semaphore, #tpu.memory_space<semaphore_mem>>
      %dma_start3A_607 = tpu.memref_squeeze %dma_start3A_606 : memref<1x!tpu.dma_semaphore, #tpu.memory_space<semaphore_mem>> -> memref<!tpu.dma_semaphore, #tpu.memory_space<semaphore_mem>>
      tpu.enqueue_indirect_dma source(%dma_start3A_605 : memref<1000000x32xf32, #tpu.memory_space<hbm>>) target(%dma_start3A_595 : memref<128x32xf32, #tpu.memory_space<vmem>>) offsets(%dma_start3A_602 : memref<128xi32, #tpu.memory_space<vmem>>) semaphore(%dma_start3A_607 : memref<!tpu.dma_semaphore, #tpu.memory_space<semaphore_mem>>)
      %dma_start3A_608 = arith.constant 2 : i32
      %dma_start3A_609 = arith.constant 2 : i32
      %dma_start3A_610 = arith.constant 2 : i32
      %dma_start3A_611 = arith.constant 2 : i32
      %dma_start3A_612 = arith.constant 2 : i32
      %dma_start3A_613 = arith.constant 0 : i32
      %dma_start3A_614 = arith.constant 0 : i32
      %dma_start3A_615 = arith.constant 0 : i32
      %dma_start3A_616 = tpu.memref_slice %arg6[%dma_start3A_610, %dma_start3A_613, %dma_start3A_614, %dma_start3A_615] : memref<4x5x128x32xf32, #tpu.memory_space<vmem>> -> memref<1x5x128x32xf32, #tpu.memory_space<vmem>>
      %dma_start3A_617 = tpu.memref_squeeze %dma_start3A_616 : memref<1x5x128x32xf32, #tpu.memory_space<vmem>> -> memref<5x128x32xf32, #tpu.memory_space<vmem>>
      %dma_start3A_618 = arith.constant 0 : i32
      %dma_start3A_619 = arith.constant 0 : i32
      %dma_start3A_620 = tpu.memref_slice %dma_start3A_617[%dma_start3A_611, %dma_start3A_618, %dma_start3A_619] : memref<5x128x32xf32, #tpu.memory_space<vmem>> -> memref<1x128x32xf32, #tpu.memory_space<vmem>>
      %dma_start3A_621 = tpu.memref_squeeze %dma_start3A_620 : memref<1x128x32xf32, #tpu.memory_space<vmem>> -> memref<128x32xf32, #tpu.memory_space<vmem>>
      %dma_start3A_622 = arith.constant 0 : i32
      %dma_start3A_623 = arith.constant 0 : i32
      %dma_start3A_624 = tpu.memref_slice %arg5[%dma_start3A_608, %dma_start3A_622, %dma_start3A_623] : memref<4x5x128xi32, #tpu.memory_space<vmem>> -> memref<1x5x128xi32, #tpu.memory_space<vmem>>
      %dma_start3A_625 = tpu.memref_squeeze %dma_start3A_624 : memref<1x5x128xi32, #tpu.memory_space<vmem>> -> memref<5x128xi32, #tpu.memory_space<vmem>>
      %dma_start3A_626 = arith.constant 0 : i32
      %dma_start3A_627 = tpu.memref_slice %dma_start3A_625[%dma_start3A_609, %dma_start3A_626] : memref<5x128xi32, #tpu.memory_space<vmem>> -> memref<1x128xi32, #tpu.memory_space<vmem>>
      %dma_start3A_628 = tpu.memref_squeeze %dma_start3A_627 : memref<1x128xi32, #tpu.memory_space<vmem>> -> memref<128xi32, #tpu.memory_space<vmem>>
      %dma_start3A_629 = arith.constant 0 : i32
      %dma_start3A_630 = arith.constant 0 : i32
      %dma_start3A_631 = tpu.memref_slice %arg3[%dma_start3A_629, %dma_start3A_630] : memref<1000000x32xf32, #tpu.memory_space<hbm>> -> memref<1000000x32xf32, #tpu.memory_space<hbm>>
      %dma_start3A_632 = tpu.memref_slice %arg8[%dma_start3A_612] : memref<4x!tpu.dma_semaphore, #tpu.memory_space<semaphore_mem>> -> memref<1x!tpu.dma_semaphore, #tpu.memory_space<semaphore_mem>>
      %dma_start3A_633 = tpu.memref_squeeze %dma_start3A_632 : memref<1x!tpu.dma_semaphore, #tpu.memory_space<semaphore_mem>> -> memref<!tpu.dma_semaphore, #tpu.memory_space<semaphore_mem>>
      tpu.enqueue_indirect_dma source(%dma_start3A_631 : memref<1000000x32xf32, #tpu.memory_space<hbm>>) target(%dma_start3A_621 : memref<128x32xf32, #tpu.memory_space<vmem>>) offsets(%dma_start3A_628 : memref<128xi32, #tpu.memory_space<vmem>>) semaphore(%dma_start3A_633 : memref<!tpu.dma_semaphore, #tpu.memory_space<semaphore_mem>>)
      %dma_start3A_634 = arith.constant 2 : i32
      %dma_start3A_635 = arith.constant 3 : i32
      %dma_start3A_636 = arith.constant 2 : i32
      %dma_start3A_637 = arith.constant 3 : i32
      %dma_start3A_638 = arith.constant 2 : i32
      %dma_start3A_639 = arith.constant 0 : i32
      %dma_start3A_640 = arith.constant 0 : i32
      %dma_start3A_641 = arith.constant 0 : i32
      %dma_start3A_642 = tpu.memref_slice %arg6[%dma_start3A_636, %dma_start3A_639, %dma_start3A_640, %dma_start3A_641] : memref<4x5x128x32xf32, #tpu.memory_space<vmem>> -> memref<1x5x128x32xf32, #tpu.memory_space<vmem>>
      %dma_start3A_643 = tpu.memref_squeeze %dma_start3A_642 : memref<1x5x128x32xf32, #tpu.memory_space<vmem>> -> memref<5x128x32xf32, #tpu.memory_space<vmem>>
      %dma_start3A_644 = arith.constant 0 : i32
      %dma_start3A_645 = arith.constant 0 : i32
      %dma_start3A_646 = tpu.memref_slice %dma_start3A_643[%dma_start3A_637, %dma_start3A_644, %dma_start3A_645] : memref<5x128x32xf32, #tpu.memory_space<vmem>> -> memref<1x128x32xf32, #tpu.memory_space<vmem>>
      %dma_start3A_647 = tpu.memref_squeeze %dma_start3A_646 : memref<1x128x32xf32, #tpu.memory_space<vmem>> -> memref<128x32xf32, #tpu.memory_space<vmem>>
      %dma_start3A_648 = arith.constant 0 : i32
      %dma_start3A_649 = arith.constant 0 : i32
      %dma_start3A_650 = tpu.memref_slice %arg5[%dma_start3A_634, %dma_start3A_648, %dma_start3A_649] : memref<4x5x128xi32, #tpu.memory_space<vmem>> -> memref<1x5x128xi32, #tpu.memory_space<vmem>>
      %dma_start3A_651 = tpu.memref_squeeze %dma_start3A_650 : memref<1x5x128xi32, #tpu.memory_space<vmem>> -> memref<5x128xi32, #tpu.memory_space<vmem>>
      %dma_start3A_652 = arith.constant 0 : i32
      %dma_start3A_653 = tpu.memref_slice %dma_start3A_651[%dma_start3A_635, %dma_start3A_652] : memref<5x128xi32, #tpu.memory_space<vmem>> -> memref<1x128xi32, #tpu.memory_space<vmem>>
      %dma_start3A_654 = tpu.memref_squeeze %dma_start3A_653 : memref<1x128xi32, #tpu.memory_space<vmem>> -> memref<128xi32, #tpu.memory_space<vmem>>
      %dma_start3A_655 = arith.constant 0 : i32
      %dma_start3A_656 = arith.constant 0 : i32
      %dma_start3A_657 = tpu.memref_slice %arg3[%dma_start3A_655, %dma_start3A_656] : memref<1000000x32xf32, #tpu.memory_space<hbm>> -> memref<1000000x32xf32, #tpu.memory_space<hbm>>
      %dma_start3A_658 = tpu.memref_slice %arg8[%dma_start3A_638] : memref<4x!tpu.dma_semaphore, #tpu.memory_space<semaphore_mem>> -> memref<1x!tpu.dma_semaphore, #tpu.memory_space<semaphore_mem>>
      %dma_start3A_659 = tpu.memref_squeeze %dma_start3A_658 : memref<1x!tpu.dma_semaphore, #tpu.memory_space<semaphore_mem>> -> memref<!tpu.dma_semaphore, #tpu.memory_space<semaphore_mem>>
      tpu.enqueue_indirect_dma source(%dma_start3A_657 : memref<1000000x32xf32, #tpu.memory_space<hbm>>) target(%dma_start3A_647 : memref<128x32xf32, #tpu.memory_space<vmem>>) offsets(%dma_start3A_654 : memref<128xi32, #tpu.memory_space<vmem>>) semaphore(%dma_start3A_659 : memref<!tpu.dma_semaphore, #tpu.memory_space<semaphore_mem>>)
      %dma_start3A_660 = arith.constant 2 : i32
      %dma_start3A_661 = arith.constant 4 : i32
      %dma_start3A_662 = arith.constant 2 : i32
      %dma_start3A_663 = arith.constant 4 : i32
      %dma_start3A_664 = arith.constant 2 : i32
      %dma_start3A_665 = arith.constant 0 : i32
      %dma_start3A_666 = arith.constant 0 : i32
      %dma_start3A_667 = arith.constant 0 : i32
      %dma_start3A_668 = tpu.memref_slice %arg6[%dma_start3A_662, %dma_start3A_665, %dma_start3A_666, %dma_start3A_667] : memref<4x5x128x32xf32, #tpu.memory_space<vmem>> -> memref<1x5x128x32xf32, #tpu.memory_space<vmem>>
      %dma_start3A_669 = tpu.memref_squeeze %dma_start3A_668 : memref<1x5x128x32xf32, #tpu.memory_space<vmem>> -> memref<5x128x32xf32, #tpu.memory_space<vmem>>
      %dma_start3A_670 = arith.constant 0 : i32
      %dma_start3A_671 = arith.constant 0 : i32
      %dma_start3A_672 = tpu.memref_slice %dma_start3A_669[%dma_start3A_663, %dma_start3A_670, %dma_start3A_671] : memref<5x128x32xf32, #tpu.memory_space<vmem>> -> memref<1x128x32xf32, #tpu.memory_space<vmem>>
      %dma_start3A_673 = tpu.memref_squeeze %dma_start3A_672 : memref<1x128x32xf32, #tpu.memory_space<vmem>> -> memref<128x32xf32, #tpu.memory_space<vmem>>
      %dma_start3A_674 = arith.constant 0 : i32
      %dma_start3A_675 = arith.constant 0 : i32
      %dma_start3A_676 = tpu.memref_slice %arg5[%dma_start3A_660, %dma_start3A_674, %dma_start3A_675] : memref<4x5x128xi32, #tpu.memory_space<vmem>> -> memref<1x5x128xi32, #tpu.memory_space<vmem>>
      %dma_start3A_677 = tpu.memref_squeeze %dma_start3A_676 : memref<1x5x128xi32, #tpu.memory_space<vmem>> -> memref<5x128xi32, #tpu.memory_space<vmem>>
      %dma_start3A_678 = arith.constant 0 : i32
      %dma_start3A_679 = tpu.memref_slice %dma_start3A_677[%dma_start3A_661, %dma_start3A_678] : memref<5x128xi32, #tpu.memory_space<vmem>> -> memref<1x128xi32, #tpu.memory_space<vmem>>
      %dma_start3A_680 = tpu.memref_squeeze %dma_start3A_679 : memref<1x128xi32, #tpu.memory_space<vmem>> -> memref<128xi32, #tpu.memory_space<vmem>>
      %dma_start3A_681 = arith.constant 0 : i32
      %dma_start3A_682 = arith.constant 0 : i32
      %dma_start3A_683 = tpu.memref_slice %arg3[%dma_start3A_681, %dma_start3A_682] : memref<1000000x32xf32, #tpu.memory_space<hbm>> -> memref<1000000x32xf32, #tpu.memory_space<hbm>>
      %dma_start3A_684 = tpu.memref_slice %arg8[%dma_start3A_664] : memref<4x!tpu.dma_semaphore, #tpu.memory_space<semaphore_mem>> -> memref<1x!tpu.dma_semaphore, #tpu.memory_space<semaphore_mem>>
      %dma_start3A_685 = tpu.memref_squeeze %dma_start3A_684 : memref<1x!tpu.dma_semaphore, #tpu.memory_space<semaphore_mem>> -> memref<!tpu.dma_semaphore, #tpu.memory_space<semaphore_mem>>
      tpu.enqueue_indirect_dma source(%dma_start3A_683 : memref<1000000x32xf32, #tpu.memory_space<hbm>>) target(%dma_start3A_673 : memref<128x32xf32, #tpu.memory_space<vmem>>) offsets(%dma_start3A_680 : memref<128xi32, #tpu.memory_space<vmem>>) semaphore(%dma_start3A_685 : memref<!tpu.dma_semaphore, #tpu.memory_space<semaphore_mem>>)
      %mul3A_686 = arith.constant 5 : i32
      %mul3A_687 = arith.muli %add3A_529, %mul3A_686 : i32
      %add3A_688 = arith.addi %mul3A_2, %mul3A_687 : i32
      %dma_wait3A_689 = arith.constant 1 : i32
      %dma_wait3A_690 = arith.constant 1 : i32
      %dma_wait3A_691 = arith.constant 0 : i32
      %dma_wait3A_692 = arith.constant 0 : i32
      %dma_wait3A_693 = arith.constant 0 : i32
      %dma_wait3A_694 = tpu.memref_slice %arg6[%dma_wait3A_689, %dma_wait3A_691, %dma_wait3A_692, %dma_wait3A_693] : memref<4x5x128x32xf32, #tpu.memory_space<vmem>> -> memref<1x5x128x32xf32, #tpu.memory_space<vmem>>
      %dma_wait3A_695 = tpu.memref_squeeze %dma_wait3A_694 : memref<1x5x128x32xf32, #tpu.memory_space<vmem>> -> memref<5x128x32xf32, #tpu.memory_space<vmem>>
      %dma_wait3A_696 = arith.constant 0 : i32
      %dma_wait3A_697 = arith.constant 0 : i32
      %dma_wait3A_698 = tpu.memref_slice %arg4[%add3A_688, %dma_wait3A_696, %dma_wait3A_697] : memref<6400x128x32xf32, #tpu.memory_space<hbm>> -> memref<5x128x32xf32, #tpu.memory_space<hbm>>
      %dma_wait3A_699 = tpu.memref_slice %arg8[%dma_wait3A_690] : memref<4x!tpu.dma_semaphore, #tpu.memory_space<semaphore_mem>> -> memref<1x!tpu.dma_semaphore, #tpu.memory_space<semaphore_mem>>
      %dma_wait3A_700 = tpu.memref_squeeze %dma_wait3A_699 : memref<1x!tpu.dma_semaphore, #tpu.memory_space<semaphore_mem>> -> memref<!tpu.dma_semaphore, #tpu.memory_space<semaphore_mem>>
      %dma_wait3A_701 = arith.constant 0 : i32
      %dma_wait3A_702 = arith.constant 0 : i32
      %dma_wait3A_703 = arith.constant 0 : i32
      %dma_wait3A_704 = tpu.memref_slice %arg6[%dma_wait3A_689, %dma_wait3A_701, %dma_wait3A_702, %dma_wait3A_703] : memref<4x5x128x32xf32, #tpu.memory_space<vmem>> -> memref<1x5x128x32xf32, #tpu.memory_space<vmem>>
      %dma_wait3A_705 = tpu.memref_squeeze %dma_wait3A_704 : memref<1x5x128x32xf32, #tpu.memory_space<vmem>> -> memref<5x128x32xf32, #tpu.memory_space<vmem>>
      %dma_wait3A_706 = arith.constant 0 : i32
      %dma_wait3A_707 = arith.constant 0 : i32
      %dma_wait3A_708 = tpu.memref_slice %arg4[%add3A_688, %dma_wait3A_706, %dma_wait3A_707] : memref<6400x128x32xf32, #tpu.memory_space<hbm>> -> memref<5x128x32xf32, #tpu.memory_space<hbm>>
      tpu.wait_dma2 semaphore(%dma_wait3A_700 : memref<!tpu.dma_semaphore, #tpu.memory_space<semaphore_mem>>) src(%dma_wait3A_708 : memref<5x128x32xf32, #tpu.memory_space<hbm>>) dst(%dma_wait3A_705 : memref<5x128x32xf32, #tpu.memory_space<vmem>>)
      %lt3A_709 = arith.constant 9 : i32
      %lt3A_710 = arith.cmpi slt, %scan3A_336, %lt3A_709 : i32
      %convert_element_type3A_711 = arith.extui %lt3A_710 : i1 to i32
      %cond3A_712 = arith.constant 0 : i32
      %cond3A_713 = arith.cmpi ne, %convert_element_type3A_711, %cond3A_712 : i32
      scf.if %cond3A_713 {
        %add3A_1013 = arith.constant 4 : i32
        %add3A_1014 = arith.addi %add3A_529, %add3A_1013 : i32
        %mul3A_1015 = arith.constant 5 : i32
        %mul3A_1016 = arith.muli %add3A_1014, %mul3A_1015 : i32
        %add3A_1017 = arith.addi %mul3A_2, %mul3A_1016 : i32
        %dma_start3A_1018 = arith.constant 1 : i32
        %dma_start3A_1019 = arith.constant 1 : i32
        %dma_start3A_1020 = arith.constant 0 : i32
        %dma_start3A_1021 = arith.constant 0 : i32
        %dma_start3A_1022 = tpu.memref_slice %arg5[%dma_start3A_1018, %dma_start3A_1020, %dma_start3A_1021] : memref<4x5x128xi32, #tpu.memory_space<vmem>> -> memref<1x5x128xi32, #tpu.memory_space<vmem>>
        %dma_start3A_1023 = tpu.memref_squeeze %dma_start3A_1022 : memref<1x5x128xi32, #tpu.memory_space<vmem>> -> memref<5x128xi32, #tpu.memory_space<vmem>>
        %dma_start3A_1024 = arith.constant 0 : i32
        %dma_start3A_1025 = tpu.memref_slice %arg2[%add3A_1017, %dma_start3A_1024] : memref<6400x128xi32, #tpu.memory_space<hbm>> -> memref<5x128xi32, #tpu.memory_space<hbm>>
        %dma_start3A_1026 = tpu.memref_slice %arg7[%dma_start3A_1019] : memref<4x!tpu.dma_semaphore, #tpu.memory_space<semaphore_mem>> -> memref<1x!tpu.dma_semaphore, #tpu.memory_space<semaphore_mem>>
        %dma_start3A_1027 = tpu.memref_squeeze %dma_start3A_1026 : memref<1x!tpu.dma_semaphore, #tpu.memory_space<semaphore_mem>> -> memref<!tpu.dma_semaphore, #tpu.memory_space<semaphore_mem>>
        %dma_start3A_1028 = arith.constant 0 : i32
        %dma_start3A_1029 = arith.constant 0 : i32
        %dma_start3A_1030 = tpu.memref_slice %arg5[%dma_start3A_1018, %dma_start3A_1028, %dma_start3A_1029] : memref<4x5x128xi32, #tpu.memory_space<vmem>> -> memref<1x5x128xi32, #tpu.memory_space<vmem>>
        %dma_start3A_1031 = tpu.memref_squeeze %dma_start3A_1030 : memref<1x5x128xi32, #tpu.memory_space<vmem>> -> memref<5x128xi32, #tpu.memory_space<vmem>>
        %dma_start3A_1032 = arith.constant 0 : i32
        %dma_start3A_1033 = tpu.memref_slice %arg2[%add3A_1017, %dma_start3A_1032] : memref<6400x128xi32, #tpu.memory_space<hbm>> -> memref<5x128xi32, #tpu.memory_space<hbm>>
        tpu.enqueue_dma source(%dma_start3A_1033 : memref<5x128xi32, #tpu.memory_space<hbm>>) target(%dma_start3A_1031 : memref<5x128xi32, #tpu.memory_space<vmem>>) target_semaphore(%dma_start3A_1027 : memref<!tpu.dma_semaphore, #tpu.memory_space<semaphore_mem>>)
      } else {
      }
      %sub3A = arith.constant 1 : i32
      %sub3A_714 = arith.subi %add3A_529, %sub3A : i32
      %mul3A_715 = arith.constant 5 : i32
      %mul3A_716 = arith.muli %sub3A_714, %mul3A_715 : i32
      %add3A_717 = arith.addi %mul3A_2, %mul3A_716 : i32
      %dma_start3A_718 = arith.constant 0 : i32
      %dma_start3A_719 = arith.constant 0 : i32
      %dma_start3A_720 = arith.constant 0 : i32
      %dma_start3A_721 = arith.constant 0 : i32
      %dma_start3A_722 = arith.constant 0 : i32
      %dma_start3A_723 = tpu.memref_slice %arg6[%dma_start3A_718, %dma_start3A_720, %dma_start3A_721, %dma_start3A_722] : memref<4x5x128x32xf32, #tpu.memory_space<vmem>> -> memref<1x5x128x32xf32, #tpu.memory_space<vmem>>
      %dma_start3A_724 = tpu.memref_squeeze %dma_start3A_723 : memref<1x5x128x32xf32, #tpu.memory_space<vmem>> -> memref<5x128x32xf32, #tpu.memory_space<vmem>>
      %dma_start3A_725 = arith.constant 0 : i32
      %dma_start3A_726 = arith.constant 0 : i32
      %dma_start3A_727 = tpu.memref_slice %arg4[%add3A_717, %dma_start3A_725, %dma_start3A_726] : memref<6400x128x32xf32, #tpu.memory_space<hbm>> -> memref<5x128x32xf32, #tpu.memory_space<hbm>>
      %dma_start3A_728 = tpu.memref_slice %arg9[%dma_start3A_719] : memref<4x!tpu.dma_semaphore, #tpu.memory_space<semaphore_mem>> -> memref<1x!tpu.dma_semaphore, #tpu.memory_space<semaphore_mem>>
      %dma_start3A_729 = tpu.memref_squeeze %dma_start3A_728 : memref<1x!tpu.dma_semaphore, #tpu.memory_space<semaphore_mem>> -> memref<!tpu.dma_semaphore, #tpu.memory_space<semaphore_mem>>
      %dma_start3A_730 = arith.constant 0 : i32
      %dma_start3A_731 = arith.constant 0 : i32
      %dma_start3A_732 = tpu.memref_slice %arg4[%add3A_717, %dma_start3A_730, %dma_start3A_731] : memref<6400x128x32xf32, #tpu.memory_space<hbm>> -> memref<5x128x32xf32, #tpu.memory_space<hbm>>
      %dma_start3A_733 = arith.constant 0 : i32
      %dma_start3A_734 = arith.constant 0 : i32
      %dma_start3A_735 = arith.constant 0 : i32
      %dma_start3A_736 = tpu.memref_slice %arg6[%dma_start3A_718, %dma_start3A_733, %dma_start3A_734, %dma_start3A_735] : memref<4x5x128x32xf32, #tpu.memory_space<vmem>> -> memref<1x5x128x32xf32, #tpu.memory_space<vmem>>
      %dma_start3A_737 = tpu.memref_squeeze %dma_start3A_736 : memref<1x5x128x32xf32, #tpu.memory_space<vmem>> -> memref<5x128x32xf32, #tpu.memory_space<vmem>>
      tpu.enqueue_dma source(%dma_start3A_737 : memref<5x128x32xf32, #tpu.memory_space<vmem>>) target(%dma_start3A_732 : memref<5x128x32xf32, #tpu.memory_space<hbm>>) target_semaphore(%dma_start3A_729 : memref<!tpu.dma_semaphore, #tpu.memory_space<semaphore_mem>>)
      %mul3A_738 = arith.constant 4 : i32
      %mul3A_739 = arith.muli %scan3A_336, %mul3A_738 : i32
      %add3A_740 = arith.constant 2 : i32
      %add3A_741 = arith.addi %mul3A_739, %add3A_740 : i32
      %add3A_742 = arith.constant 1 : i32
      %add3A_743 = arith.addi %add3A_741, %add3A_742 : i32
      %mul3A_744 = arith.constant 5 : i32
      %mul3A_745 = arith.muli %add3A_743, %mul3A_744 : i32
      %add3A_746 = arith.addi %mul3A_2, %mul3A_745 : i32
      %dma_wait3A_747 = arith.constant 3 : i32
      %dma_wait3A_748 = arith.constant 3 : i32
      %dma_wait3A_749 = arith.constant 0 : i32
      %dma_wait3A_750 = arith.constant 0 : i32
      %dma_wait3A_751 = tpu.memref_slice %arg5[%dma_wait3A_747, %dma_wait3A_749, %dma_wait3A_750] : memref<4x5x128xi32, #tpu.memory_space<vmem>> -> memref<1x5x128xi32, #tpu.memory_space<vmem>>
      %dma_wait3A_752 = tpu.memref_squeeze %dma_wait3A_751 : memref<1x5x128xi32, #tpu.memory_space<vmem>> -> memref<5x128xi32, #tpu.memory_space<vmem>>
      %dma_wait3A_753 = arith.constant 0 : i32
      %dma_wait3A_754 = tpu.memref_slice %arg2[%add3A_746, %dma_wait3A_753] : memref<6400x128xi32, #tpu.memory_space<hbm>> -> memref<5x128xi32, #tpu.memory_space<hbm>>
      %dma_wait3A_755 = tpu.memref_slice %arg7[%dma_wait3A_748] : memref<4x!tpu.dma_semaphore, #tpu.memory_space<semaphore_mem>> -> memref<1x!tpu.dma_semaphore, #tpu.memory_space<semaphore_mem>>
      %dma_wait3A_756 = tpu.memref_squeeze %dma_wait3A_755 : memref<1x!tpu.dma_semaphore, #tpu.memory_space<semaphore_mem>> -> memref<!tpu.dma_semaphore, #tpu.memory_space<semaphore_mem>>
      %dma_wait3A_757 = arith.constant 0 : i32
      %dma_wait3A_758 = arith.constant 0 : i32
      %dma_wait3A_759 = tpu.memref_slice %arg5[%dma_wait3A_747, %dma_wait3A_757, %dma_wait3A_758] : memref<4x5x128xi32, #tpu.memory_space<vmem>> -> memref<1x5x128xi32, #tpu.memory_space<vmem>>
      %dma_wait3A_760 = tpu.memref_squeeze %dma_wait3A_759 : memref<1x5x128xi32, #tpu.memory_space<vmem>> -> memref<5x128xi32, #tpu.memory_space<vmem>>
      %dma_wait3A_761 = arith.constant 0 : i32
      %dma_wait3A_762 = tpu.memref_slice %arg2[%add3A_746, %dma_wait3A_761] : memref<6400x128xi32, #tpu.memory_space<hbm>> -> memref<5x128xi32, #tpu.memory_space<hbm>>
      tpu.wait_dma2 semaphore(%dma_wait3A_756 : memref<!tpu.dma_semaphore, #tpu.memory_space<semaphore_mem>>) src(%dma_wait3A_762 : memref<5x128xi32, #tpu.memory_space<hbm>>) dst(%dma_wait3A_760 : memref<5x128xi32, #tpu.memory_space<vmem>>)
      %gt3A_763 = arith.constant 0 : i32
      %gt3A_764 = arith.cmpi sgt, %scan3A_336, %gt3A_763 : i32
      %convert_element_type3A_765 = arith.extui %gt3A_764 : i1 to i32
      %cond3A_766 = arith.constant 0 : i32
      %cond3A_767 = arith.cmpi ne, %convert_element_type3A_765, %cond3A_766 : i32
      scf.if %cond3A_767 {
        %add3A_1013 = arith.constant 1 : i32
        %add3A_1014 = arith.addi %add3A_741, %add3A_1013 : i32
        %sub3A_1015 = arith.constant 4 : i32
        %sub3A_1016 = arith.subi %add3A_1014, %sub3A_1015 : i32
        %mul3A_1017 = arith.constant 5 : i32
        %mul3A_1018 = arith.muli %sub3A_1016, %mul3A_1017 : i32
        %add3A_1019 = arith.addi %mul3A_2, %mul3A_1018 : i32
        %dma_wait3A_1020 = arith.constant 3 : i32
        %dma_wait3A_1021 = arith.constant 3 : i32
        %dma_wait3A_1022 = arith.constant 0 : i32
        %dma_wait3A_1023 = arith.constant 0 : i32
        %dma_wait3A_1024 = arith.constant 0 : i32
        %dma_wait3A_1025 = tpu.memref_slice %arg6[%dma_wait3A_1020, %dma_wait3A_1022, %dma_wait3A_1023, %dma_wait3A_1024] : memref<4x5x128x32xf32, #tpu.memory_space<vmem>> -> memref<1x5x128x32xf32, #tpu.memory_space<vmem>>
        %dma_wait3A_1026 = tpu.memref_squeeze %dma_wait3A_1025 : memref<1x5x128x32xf32, #tpu.memory_space<vmem>> -> memref<5x128x32xf32, #tpu.memory_space<vmem>>
        %dma_wait3A_1027 = arith.constant 0 : i32
        %dma_wait3A_1028 = arith.constant 0 : i32
        %dma_wait3A_1029 = tpu.memref_slice %arg4[%add3A_1019, %dma_wait3A_1027, %dma_wait3A_1028] : memref<6400x128x32xf32, #tpu.memory_space<hbm>> -> memref<5x128x32xf32, #tpu.memory_space<hbm>>
        %dma_wait3A_1030 = tpu.memref_slice %arg9[%dma_wait3A_1021] : memref<4x!tpu.dma_semaphore, #tpu.memory_space<semaphore_mem>> -> memref<1x!tpu.dma_semaphore, #tpu.memory_space<semaphore_mem>>
        %dma_wait3A_1031 = tpu.memref_squeeze %dma_wait3A_1030 : memref<1x!tpu.dma_semaphore, #tpu.memory_space<semaphore_mem>> -> memref<!tpu.dma_semaphore, #tpu.memory_space<semaphore_mem>>
        %dma_wait3A_1032 = arith.constant 0 : i32
        %dma_wait3A_1033 = arith.constant 0 : i32
        %dma_wait3A_1034 = tpu.memref_slice %arg4[%add3A_1019, %dma_wait3A_1032, %dma_wait3A_1033] : memref<6400x128x32xf32, #tpu.memory_space<hbm>> -> memref<5x128x32xf32, #tpu.memory_space<hbm>>
        %dma_wait3A_1035 = arith.constant 0 : i32
        %dma_wait3A_1036 = arith.constant 0 : i32
        %dma_wait3A_1037 = arith.constant 0 : i32
        %dma_wait3A_1038 = tpu.memref_slice %arg6[%dma_wait3A_1020, %dma_wait3A_1035, %dma_wait3A_1036, %dma_wait3A_1037] : memref<4x5x128x32xf32, #tpu.memory_space<vmem>> -> memref<1x5x128x32xf32, #tpu.memory_space<vmem>>
        %dma_wait3A_1039 = tpu.memref_squeeze %dma_wait3A_1038 : memref<1x5x128x32xf32, #tpu.memory_space<vmem>> -> memref<5x128x32xf32, #tpu.memory_space<vmem>>
        tpu.wait_dma2 semaphore(%dma_wait3A_1031 : memref<!tpu.dma_semaphore, #tpu.memory_space<semaphore_mem>>) src(%dma_wait3A_1039 : memref<5x128x32xf32, #tpu.memory_space<vmem>>) dst(%dma_wait3A_1034 : memref<5x128x32xf32, #tpu.memory_space<hbm>>)
      } else {
      }
      %dma_start3A_768 = arith.constant 3 : i32
      %dma_start3A_769 = arith.constant 0 : i32
      %dma_start3A_770 = arith.constant 3 : i32
      %dma_start3A_771 = arith.constant 0 : i32
      %dma_start3A_772 = arith.constant 3 : i32
      %dma_start3A_773 = arith.constant 0 : i32
      %dma_start3A_774 = arith.constant 0 : i32
      %dma_start3A_775 = arith.constant 0 : i32
      %dma_start3A_776 = tpu.memref_slice %arg6[%dma_start3A_770, %dma_start3A_773, %dma_start3A_774, %dma_start3A_775] : memref<4x5x128x32xf32, #tpu.memory_space<vmem>> -> memref<1x5x128x32xf32, #tpu.memory_space<vmem>>
      %dma_start3A_777 = tpu.memref_squeeze %dma_start3A_776 : memref<1x5x128x32xf32, #tpu.memory_space<vmem>> -> memref<5x128x32xf32, #tpu.memory_space<vmem>>
      %dma_start3A_778 = arith.constant 0 : i32
      %dma_start3A_779 = arith.constant 0 : i32
      %dma_start3A_780 = tpu.memref_slice %dma_start3A_777[%dma_start3A_771, %dma_start3A_778, %dma_start3A_779] : memref<5x128x32xf32, #tpu.memory_space<vmem>> -> memref<1x128x32xf32, #tpu.memory_space<vmem>>
      %dma_start3A_781 = tpu.memref_squeeze %dma_start3A_780 : memref<1x128x32xf32, #tpu.memory_space<vmem>> -> memref<128x32xf32, #tpu.memory_space<vmem>>
      %dma_start3A_782 = arith.constant 0 : i32
      %dma_start3A_783 = arith.constant 0 : i32
      %dma_start3A_784 = tpu.memref_slice %arg5[%dma_start3A_768, %dma_start3A_782, %dma_start3A_783] : memref<4x5x128xi32, #tpu.memory_space<vmem>> -> memref<1x5x128xi32, #tpu.memory_space<vmem>>
      %dma_start3A_785 = tpu.memref_squeeze %dma_start3A_784 : memref<1x5x128xi32, #tpu.memory_space<vmem>> -> memref<5x128xi32, #tpu.memory_space<vmem>>
      %dma_start3A_786 = arith.constant 0 : i32
      %dma_start3A_787 = tpu.memref_slice %dma_start3A_785[%dma_start3A_769, %dma_start3A_786] : memref<5x128xi32, #tpu.memory_space<vmem>> -> memref<1x128xi32, #tpu.memory_space<vmem>>
      %dma_start3A_788 = tpu.memref_squeeze %dma_start3A_787 : memref<1x128xi32, #tpu.memory_space<vmem>> -> memref<128xi32, #tpu.memory_space<vmem>>
      %dma_start3A_789 = arith.constant 0 : i32
      %dma_start3A_790 = arith.constant 0 : i32
      %dma_start3A_791 = tpu.memref_slice %arg3[%dma_start3A_789, %dma_start3A_790] : memref<1000000x32xf32, #tpu.memory_space<hbm>> -> memref<1000000x32xf32, #tpu.memory_space<hbm>>
      %dma_start3A_792 = tpu.memref_slice %arg8[%dma_start3A_772] : memref<4x!tpu.dma_semaphore, #tpu.memory_space<semaphore_mem>> -> memref<1x!tpu.dma_semaphore, #tpu.memory_space<semaphore_mem>>
      %dma_start3A_793 = tpu.memref_squeeze %dma_start3A_792 : memref<1x!tpu.dma_semaphore, #tpu.memory_space<semaphore_mem>> -> memref<!tpu.dma_semaphore, #tpu.memory_space<semaphore_mem>>
      tpu.enqueue_indirect_dma source(%dma_start3A_791 : memref<1000000x32xf32, #tpu.memory_space<hbm>>) target(%dma_start3A_781 : memref<128x32xf32, #tpu.memory_space<vmem>>) offsets(%dma_start3A_788 : memref<128xi32, #tpu.memory_space<vmem>>) semaphore(%dma_start3A_793 : memref<!tpu.dma_semaphore, #tpu.memory_space<semaphore_mem>>)
      %dma_start3A_794 = arith.constant 3 : i32
      %dma_start3A_795 = arith.constant 1 : i32
      %dma_start3A_796 = arith.constant 3 : i32
      %dma_start3A_797 = arith.constant 1 : i32
      %dma_start3A_798 = arith.constant 3 : i32
      %dma_start3A_799 = arith.constant 0 : i32
      %dma_start3A_800 = arith.constant 0 : i32
      %dma_start3A_801 = arith.constant 0 : i32
      %dma_start3A_802 = tpu.memref_slice %arg6[%dma_start3A_796, %dma_start3A_799, %dma_start3A_800, %dma_start3A_801] : memref<4x5x128x32xf32, #tpu.memory_space<vmem>> -> memref<1x5x128x32xf32, #tpu.memory_space<vmem>>
      %dma_start3A_803 = tpu.memref_squeeze %dma_start3A_802 : memref<1x5x128x32xf32, #tpu.memory_space<vmem>> -> memref<5x128x32xf32, #tpu.memory_space<vmem>>
      %dma_start3A_804 = arith.constant 0 : i32
      %dma_start3A_805 = arith.constant 0 : i32
      %dma_start3A_806 = tpu.memref_slice %dma_start3A_803[%dma_start3A_797, %dma_start3A_804, %dma_start3A_805] : memref<5x128x32xf32, #tpu.memory_space<vmem>> -> memref<1x128x32xf32, #tpu.memory_space<vmem>>
      %dma_start3A_807 = tpu.memref_squeeze %dma_start3A_806 : memref<1x128x32xf32, #tpu.memory_space<vmem>> -> memref<128x32xf32, #tpu.memory_space<vmem>>
      %dma_start3A_808 = arith.constant 0 : i32
      %dma_start3A_809 = arith.constant 0 : i32
      %dma_start3A_810 = tpu.memref_slice %arg5[%dma_start3A_794, %dma_start3A_808, %dma_start3A_809] : memref<4x5x128xi32, #tpu.memory_space<vmem>> -> memref<1x5x128xi32, #tpu.memory_space<vmem>>
      %dma_start3A_811 = tpu.memref_squeeze %dma_start3A_810 : memref<1x5x128xi32, #tpu.memory_space<vmem>> -> memref<5x128xi32, #tpu.memory_space<vmem>>
      %dma_start3A_812 = arith.constant 0 : i32
      %dma_start3A_813 = tpu.memref_slice %dma_start3A_811[%dma_start3A_795, %dma_start3A_812] : memref<5x128xi32, #tpu.memory_space<vmem>> -> memref<1x128xi32, #tpu.memory_space<vmem>>
      %dma_start3A_814 = tpu.memref_squeeze %dma_start3A_813 : memref<1x128xi32, #tpu.memory_space<vmem>> -> memref<128xi32, #tpu.memory_space<vmem>>
      %dma_start3A_815 = arith.constant 0 : i32
      %dma_start3A_816 = arith.constant 0 : i32
      %dma_start3A_817 = tpu.memref_slice %arg3[%dma_start3A_815, %dma_start3A_816] : memref<1000000x32xf32, #tpu.memory_space<hbm>> -> memref<1000000x32xf32, #tpu.memory_space<hbm>>
      %dma_start3A_818 = tpu.memref_slice %arg8[%dma_start3A_798] : memref<4x!tpu.dma_semaphore, #tpu.memory_space<semaphore_mem>> -> memref<1x!tpu.dma_semaphore, #tpu.memory_space<semaphore_mem>>
      %dma_start3A_819 = tpu.memref_squeeze %dma_start3A_818 : memref<1x!tpu.dma_semaphore, #tpu.memory_space<semaphore_mem>> -> memref<!tpu.dma_semaphore, #tpu.memory_space<semaphore_mem>>
      tpu.enqueue_indirect_dma source(%dma_start3A_817 : memref<1000000x32xf32, #tpu.memory_space<hbm>>) target(%dma_start3A_807 : memref<128x32xf32, #tpu.memory_space<vmem>>) offsets(%dma_start3A_814 : memref<128xi32, #tpu.memory_space<vmem>>) semaphore(%dma_start3A_819 : memref<!tpu.dma_semaphore, #tpu.memory_space<semaphore_mem>>)
      %dma_start3A_820 = arith.constant 3 : i32
      %dma_start3A_821 = arith.constant 2 : i32
      %dma_start3A_822 = arith.constant 3 : i32
      %dma_start3A_823 = arith.constant 2 : i32
      %dma_start3A_824 = arith.constant 3 : i32
      %dma_start3A_825 = arith.constant 0 : i32
      %dma_start3A_826 = arith.constant 0 : i32
      %dma_start3A_827 = arith.constant 0 : i32
      %dma_start3A_828 = tpu.memref_slice %arg6[%dma_start3A_822, %dma_start3A_825, %dma_start3A_826, %dma_start3A_827] : memref<4x5x128x32xf32, #tpu.memory_space<vmem>> -> memref<1x5x128x32xf32, #tpu.memory_space<vmem>>
      %dma_start3A_829 = tpu.memref_squeeze %dma_start3A_828 : memref<1x5x128x32xf32, #tpu.memory_space<vmem>> -> memref<5x128x32xf32, #tpu.memory_space<vmem>>
      %dma_start3A_830 = arith.constant 0 : i32
      %dma_start3A_831 = arith.constant 0 : i32
      %dma_start3A_832 = tpu.memref_slice %dma_start3A_829[%dma_start3A_823, %dma_start3A_830, %dma_start3A_831] : memref<5x128x32xf32, #tpu.memory_space<vmem>> -> memref<1x128x32xf32, #tpu.memory_space<vmem>>
      %dma_start3A_833 = tpu.memref_squeeze %dma_start3A_832 : memref<1x128x32xf32, #tpu.memory_space<vmem>> -> memref<128x32xf32, #tpu.memory_space<vmem>>
      %dma_start3A_834 = arith.constant 0 : i32
      %dma_start3A_835 = arith.constant 0 : i32
      %dma_start3A_836 = tpu.memref_slice %arg5[%dma_start3A_820, %dma_start3A_834, %dma_start3A_835] : memref<4x5x128xi32, #tpu.memory_space<vmem>> -> memref<1x5x128xi32, #tpu.memory_space<vmem>>
      %dma_start3A_837 = tpu.memref_squeeze %dma_start3A_836 : memref<1x5x128xi32, #tpu.memory_space<vmem>> -> memref<5x128xi32, #tpu.memory_space<vmem>>
      %dma_start3A_838 = arith.constant 0 : i32
      %dma_start3A_839 = tpu.memref_slice %dma_start3A_837[%dma_start3A_821, %dma_start3A_838] : memref<5x128xi32, #tpu.memory_space<vmem>> -> memref<1x128xi32, #tpu.memory_space<vmem>>
      %dma_start3A_840 = tpu.memref_squeeze %dma_start3A_839 : memref<1x128xi32, #tpu.memory_space<vmem>> -> memref<128xi32, #tpu.memory_space<vmem>>
      %dma_start3A_841 = arith.constant 0 : i32
      %dma_start3A_842 = arith.constant 0 : i32
      %dma_start3A_843 = tpu.memref_slice %arg3[%dma_start3A_841, %dma_start3A_842] : memref<1000000x32xf32, #tpu.memory_space<hbm>> -> memref<1000000x32xf32, #tpu.memory_space<hbm>>
      %dma_start3A_844 = tpu.memref_slice %arg8[%dma_start3A_824] : memref<4x!tpu.dma_semaphore, #tpu.memory_space<semaphore_mem>> -> memref<1x!tpu.dma_semaphore, #tpu.memory_space<semaphore_mem>>
      %dma_start3A_845 = tpu.memref_squeeze %dma_start3A_844 : memref<1x!tpu.dma_semaphore, #tpu.memory_space<semaphore_mem>> -> memref<!tpu.dma_semaphore, #tpu.memory_space<semaphore_mem>>
      tpu.enqueue_indirect_dma source(%dma_start3A_843 : memref<1000000x32xf32, #tpu.memory_space<hbm>>) target(%dma_start3A_833 : memref<128x32xf32, #tpu.memory_space<vmem>>) offsets(%dma_start3A_840 : memref<128xi32, #tpu.memory_space<vmem>>) semaphore(%dma_start3A_845 : memref<!tpu.dma_semaphore, #tpu.memory_space<semaphore_mem>>)
      %dma_start3A_846 = arith.constant 3 : i32
      %dma_start3A_847 = arith.constant 3 : i32
      %dma_start3A_848 = arith.constant 3 : i32
      %dma_start3A_849 = arith.constant 3 : i32
      %dma_start3A_850 = arith.constant 3 : i32
      %dma_start3A_851 = arith.constant 0 : i32
      %dma_start3A_852 = arith.constant 0 : i32
      %dma_start3A_853 = arith.constant 0 : i32
      %dma_start3A_854 = tpu.memref_slice %arg6[%dma_start3A_848, %dma_start3A_851, %dma_start3A_852, %dma_start3A_853] : memref<4x5x128x32xf32, #tpu.memory_space<vmem>> -> memref<1x5x128x32xf32, #tpu.memory_space<vmem>>
      %dma_start3A_855 = tpu.memref_squeeze %dma_start3A_854 : memref<1x5x128x32xf32, #tpu.memory_space<vmem>> -> memref<5x128x32xf32, #tpu.memory_space<vmem>>
      %dma_start3A_856 = arith.constant 0 : i32
      %dma_start3A_857 = arith.constant 0 : i32
      %dma_start3A_858 = tpu.memref_slice %dma_start3A_855[%dma_start3A_849, %dma_start3A_856, %dma_start3A_857] : memref<5x128x32xf32, #tpu.memory_space<vmem>> -> memref<1x128x32xf32, #tpu.memory_space<vmem>>
      %dma_start3A_859 = tpu.memref_squeeze %dma_start3A_858 : memref<1x128x32xf32, #tpu.memory_space<vmem>> -> memref<128x32xf32, #tpu.memory_space<vmem>>
      %dma_start3A_860 = arith.constant 0 : i32
      %dma_start3A_861 = arith.constant 0 : i32
      %dma_start3A_862 = tpu.memref_slice %arg5[%dma_start3A_846, %dma_start3A_860, %dma_start3A_861] : memref<4x5x128xi32, #tpu.memory_space<vmem>> -> memref<1x5x128xi32, #tpu.memory_space<vmem>>
      %dma_start3A_863 = tpu.memref_squeeze %dma_start3A_862 : memref<1x5x128xi32, #tpu.memory_space<vmem>> -> memref<5x128xi32, #tpu.memory_space<vmem>>
      %dma_start3A_864 = arith.constant 0 : i32
      %dma_start3A_865 = tpu.memref_slice %dma_start3A_863[%dma_start3A_847, %dma_start3A_864] : memref<5x128xi32, #tpu.memory_space<vmem>> -> memref<1x128xi32, #tpu.memory_space<vmem>>
      %dma_start3A_866 = tpu.memref_squeeze %dma_start3A_865 : memref<1x128xi32, #tpu.memory_space<vmem>> -> memref<128xi32, #tpu.memory_space<vmem>>
      %dma_start3A_867 = arith.constant 0 : i32
      %dma_start3A_868 = arith.constant 0 : i32
      %dma_start3A_869 = tpu.memref_slice %arg3[%dma_start3A_867, %dma_start3A_868] : memref<1000000x32xf32, #tpu.memory_space<hbm>> -> memref<1000000x32xf32, #tpu.memory_space<hbm>>
      %dma_start3A_870 = tpu.memref_slice %arg8[%dma_start3A_850] : memref<4x!tpu.dma_semaphore, #tpu.memory_space<semaphore_mem>> -> memref<1x!tpu.dma_semaphore, #tpu.memory_space<semaphore_mem>>
      %dma_start3A_871 = tpu.memref_squeeze %dma_start3A_870 : memref<1x!tpu.dma_semaphore, #tpu.memory_space<semaphore_mem>> -> memref<!tpu.dma_semaphore, #tpu.memory_space<semaphore_mem>>
      tpu.enqueue_indirect_dma source(%dma_start3A_869 : memref<1000000x32xf32, #tpu.memory_space<hbm>>) target(%dma_start3A_859 : memref<128x32xf32, #tpu.memory_space<vmem>>) offsets(%dma_start3A_866 : memref<128xi32, #tpu.memory_space<vmem>>) semaphore(%dma_start3A_871 : memref<!tpu.dma_semaphore, #tpu.memory_space<semaphore_mem>>)
      %dma_start3A_872 = arith.constant 3 : i32
      %dma_start3A_873 = arith.constant 4 : i32
      %dma_start3A_874 = arith.constant 3 : i32
      %dma_start3A_875 = arith.constant 4 : i32
      %dma_start3A_876 = arith.constant 3 : i32
      %dma_start3A_877 = arith.constant 0 : i32
      %dma_start3A_878 = arith.constant 0 : i32
      %dma_start3A_879 = arith.constant 0 : i32
      %dma_start3A_880 = tpu.memref_slice %arg6[%dma_start3A_874, %dma_start3A_877, %dma_start3A_878, %dma_start3A_879] : memref<4x5x128x32xf32, #tpu.memory_space<vmem>> -> memref<1x5x128x32xf32, #tpu.memory_space<vmem>>
      %dma_start3A_881 = tpu.memref_squeeze %dma_start3A_880 : memref<1x5x128x32xf32, #tpu.memory_space<vmem>> -> memref<5x128x32xf32, #tpu.memory_space<vmem>>
      %dma_start3A_882 = arith.constant 0 : i32
      %dma_start3A_883 = arith.constant 0 : i32
      %dma_start3A_884 = tpu.memref_slice %dma_start3A_881[%dma_start3A_875, %dma_start3A_882, %dma_start3A_883] : memref<5x128x32xf32, #tpu.memory_space<vmem>> -> memref<1x128x32xf32, #tpu.memory_space<vmem>>
      %dma_start3A_885 = tpu.memref_squeeze %dma_start3A_884 : memref<1x128x32xf32, #tpu.memory_space<vmem>> -> memref<128x32xf32, #tpu.memory_space<vmem>>
      %dma_start3A_886 = arith.constant 0 : i32
      %dma_start3A_887 = arith.constant 0 : i32
      %dma_start3A_888 = tpu.memref_slice %arg5[%dma_start3A_872, %dma_start3A_886, %dma_start3A_887] : memref<4x5x128xi32, #tpu.memory_space<vmem>> -> memref<1x5x128xi32, #tpu.memory_space<vmem>>
      %dma_start3A_889 = tpu.memref_squeeze %dma_start3A_888 : memref<1x5x128xi32, #tpu.memory_space<vmem>> -> memref<5x128xi32, #tpu.memory_space<vmem>>
      %dma_start3A_890 = arith.constant 0 : i32
      %dma_start3A_891 = tpu.memref_slice %dma_start3A_889[%dma_start3A_873, %dma_start3A_890] : memref<5x128xi32, #tpu.memory_space<vmem>> -> memref<1x128xi32, #tpu.memory_space<vmem>>
      %dma_start3A_892 = tpu.memref_squeeze %dma_start3A_891 : memref<1x128xi32, #tpu.memory_space<vmem>> -> memref<128xi32, #tpu.memory_space<vmem>>
      %dma_start3A_893 = arith.constant 0 : i32
      %dma_start3A_894 = arith.constant 0 : i32
      %dma_start3A_895 = tpu.memref_slice %arg3[%dma_start3A_893, %dma_start3A_894] : memref<1000000x32xf32, #tpu.memory_space<hbm>> -> memref<1000000x32xf32, #tpu.memory_space<hbm>>
      %dma_start3A_896 = tpu.memref_slice %arg8[%dma_start3A_876] : memref<4x!tpu.dma_semaphore, #tpu.memory_space<semaphore_mem>> -> memref<1x!tpu.dma_semaphore, #tpu.memory_space<semaphore_mem>>
      %dma_start3A_897 = tpu.memref_squeeze %dma_start3A_896 : memref<1x!tpu.dma_semaphore, #tpu.memory_space<semaphore_mem>> -> memref<!tpu.dma_semaphore, #tpu.memory_space<semaphore_mem>>
      tpu.enqueue_indirect_dma source(%dma_start3A_895 : memref<1000000x32xf32, #tpu.memory_space<hbm>>) target(%dma_start3A_885 : memref<128x32xf32, #tpu.memory_space<vmem>>) offsets(%dma_start3A_892 : memref<128xi32, #tpu.memory_space<vmem>>) semaphore(%dma_start3A_897 : memref<!tpu.dma_semaphore, #tpu.memory_space<semaphore_mem>>)
      %mul3A_898 = arith.constant 5 : i32
      %mul3A_899 = arith.muli %add3A_741, %mul3A_898 : i32
      %add3A_900 = arith.addi %mul3A_2, %mul3A_899 : i32
      %dma_wait3A_901 = arith.constant 2 : i32
      %dma_wait3A_902 = arith.constant 2 : i32
      %dma_wait3A_903 = arith.constant 0 : i32
      %dma_wait3A_904 = arith.constant 0 : i32
      %dma_wait3A_905 = arith.constant 0 : i32
      %dma_wait3A_906 = tpu.memref_slice %arg6[%dma_wait3A_901, %dma_wait3A_903, %dma_wait3A_904, %dma_wait3A_905] : memref<4x5x128x32xf32, #tpu.memory_space<vmem>> -> memref<1x5x128x32xf32, #tpu.memory_space<vmem>>
      %dma_wait3A_907 = tpu.memref_squeeze %dma_wait3A_906 : memref<1x5x128x32xf32, #tpu.memory_space<vmem>> -> memref<5x128x32xf32, #tpu.memory_space<vmem>>
      %dma_wait3A_908 = arith.constant 0 : i32
      %dma_wait3A_909 = arith.constant 0 : i32
      %dma_wait3A_910 = tpu.memref_slice %arg4[%add3A_900, %dma_wait3A_908, %dma_wait3A_909] : memref<6400x128x32xf32, #tpu.memory_space<hbm>> -> memref<5x128x32xf32, #tpu.memory_space<hbm>>
      %dma_wait3A_911 = tpu.memref_slice %arg8[%dma_wait3A_902] : memref<4x!tpu.dma_semaphore, #tpu.memory_space<semaphore_mem>> -> memref<1x!tpu.dma_semaphore, #tpu.memory_space<semaphore_mem>>
      %dma_wait3A_912 = tpu.memref_squeeze %dma_wait3A_911 : memref<1x!tpu.dma_semaphore, #tpu.memory_space<semaphore_mem>> -> memref<!tpu.dma_semaphore, #tpu.memory_space<semaphore_mem>>
      %dma_wait3A_913 = arith.constant 0 : i32
      %dma_wait3A_914 = arith.constant 0 : i32
      %dma_wait3A_915 = arith.constant 0 : i32
      %dma_wait3A_916 = tpu.memref_slice %arg6[%dma_wait3A_901, %dma_wait3A_913, %dma_wait3A_914, %dma_wait3A_915] : memref<4x5x128x32xf32, #tpu.memory_space<vmem>> -> memref<1x5x128x32xf32, #tpu.memory_space<vmem>>
      %dma_wait3A_917 = tpu.memref_squeeze %dma_wait3A_916 : memref<1x5x128x32xf32, #tpu.memory_space<vmem>> -> memref<5x128x32xf32, #tpu.memory_space<vmem>>
      %dma_wait3A_918 = arith.constant 0 : i32
      %dma_wait3A_919 = arith.constant 0 : i32
      %dma_wait3A_920 = tpu.memref_slice %arg4[%add3A_900, %dma_wait3A_918, %dma_wait3A_919] : memref<6400x128x32xf32, #tpu.memory_space<hbm>> -> memref<5x128x32xf32, #tpu.memory_space<hbm>>
      tpu.wait_dma2 semaphore(%dma_wait3A_912 : memref<!tpu.dma_semaphore, #tpu.memory_space<semaphore_mem>>) src(%dma_wait3A_920 : memref<5x128x32xf32, #tpu.memory_space<hbm>>) dst(%dma_wait3A_917 : memref<5x128x32xf32, #tpu.memory_space<vmem>>)
      %lt3A_921 = arith.constant 9 : i32
      %lt3A_922 = arith.cmpi slt, %scan3A_336, %lt3A_921 : i32
      %convert_element_type3A_923 = arith.extui %lt3A_922 : i1 to i32
      %cond3A_924 = arith.constant 0 : i32
      %cond3A_925 = arith.cmpi ne, %convert_element_type3A_923, %cond3A_924 : i32
      scf.if %cond3A_925 {
        %add3A_1013 = arith.constant 4 : i32
        %add3A_1014 = arith.addi %add3A_741, %add3A_1013 : i32
        %mul3A_1015 = arith.constant 5 : i32
        %mul3A_1016 = arith.muli %add3A_1014, %mul3A_1015 : i32
        %add3A_1017 = arith.addi %mul3A_2, %mul3A_1016 : i32
        %dma_start3A_1018 = arith.constant 2 : i32
        %dma_start3A_1019 = arith.constant 2 : i32
        %dma_start3A_1020 = arith.constant 0 : i32
        %dma_start3A_1021 = arith.constant 0 : i32
        %dma_start3A_1022 = tpu.memref_slice %arg5[%dma_start3A_1018, %dma_start3A_1020, %dma_start3A_1021] : memref<4x5x128xi32, #tpu.memory_space<vmem>> -> memref<1x5x128xi32, #tpu.memory_space<vmem>>
        %dma_start3A_1023 = tpu.memref_squeeze %dma_start3A_1022 : memref<1x5x128xi32, #tpu.memory_space<vmem>> -> memref<5x128xi32, #tpu.memory_space<vmem>>
        %dma_start3A_1024 = arith.constant 0 : i32
        %dma_start3A_1025 = tpu.memref_slice %arg2[%add3A_1017, %dma_start3A_1024] : memref<6400x128xi32, #tpu.memory_space<hbm>> -> memref<5x128xi32, #tpu.memory_space<hbm>>
        %dma_start3A_1026 = tpu.memref_slice %arg7[%dma_start3A_1019] : memref<4x!tpu.dma_semaphore, #tpu.memory_space<semaphore_mem>> -> memref<1x!tpu.dma_semaphore, #tpu.memory_space<semaphore_mem>>
        %dma_start3A_1027 = tpu.memref_squeeze %dma_start3A_1026 : memref<1x!tpu.dma_semaphore, #tpu.memory_space<semaphore_mem>> -> memref<!tpu.dma_semaphore, #tpu.memory_space<semaphore_mem>>
        %dma_start3A_1028 = arith.constant 0 : i32
        %dma_start3A_1029 = arith.constant 0 : i32
        %dma_start3A_1030 = tpu.memref_slice %arg5[%dma_start3A_1018, %dma_start3A_1028, %dma_start3A_1029] : memref<4x5x128xi32, #tpu.memory_space<vmem>> -> memref<1x5x128xi32, #tpu.memory_space<vmem>>
        %dma_start3A_1031 = tpu.memref_squeeze %dma_start3A_1030 : memref<1x5x128xi32, #tpu.memory_space<vmem>> -> memref<5x128xi32, #tpu.memory_space<vmem>>
        %dma_start3A_1032 = arith.constant 0 : i32
        %dma_start3A_1033 = tpu.memref_slice %arg2[%add3A_1017, %dma_start3A_1032] : memref<6400x128xi32, #tpu.memory_space<hbm>> -> memref<5x128xi32, #tpu.memory_space<hbm>>
        tpu.enqueue_dma source(%dma_start3A_1033 : memref<5x128xi32, #tpu.memory_space<hbm>>) target(%dma_start3A_1031 : memref<5x128xi32, #tpu.memory_space<vmem>>) target_semaphore(%dma_start3A_1027 : memref<!tpu.dma_semaphore, #tpu.memory_space<semaphore_mem>>)
      } else {
      }
      %sub3A_926 = arith.constant 1 : i32
      %sub3A_927 = arith.subi %add3A_741, %sub3A_926 : i32
      %mul3A_928 = arith.constant 5 : i32
      %mul3A_929 = arith.muli %sub3A_927, %mul3A_928 : i32
      %add3A_930 = arith.addi %mul3A_2, %mul3A_929 : i32
      %dma_start3A_931 = arith.constant 1 : i32
      %dma_start3A_932 = arith.constant 1 : i32
      %dma_start3A_933 = arith.constant 0 : i32
      %dma_start3A_934 = arith.constant 0 : i32
      %dma_start3A_935 = arith.constant 0 : i32
      %dma_start3A_936 = tpu.memref_slice %arg6[%dma_start3A_931, %dma_start3A_933, %dma_start3A_934, %dma_start3A_935] : memref<4x5x128x32xf32, #tpu.memory_space<vmem>> -> memref<1x5x128x32xf32, #tpu.memory_space<vmem>>
      %dma_start3A_937 = tpu.memref_squeeze %dma_start3A_936 : memref<1x5x128x32xf32, #tpu.memory_space<vmem>> -> memref<5x128x32xf32, #tpu.memory_space<vmem>>
      %dma_start3A_938 = arith.constant 0 : i32
      %dma_start3A_939 = arith.constant 0 : i32
      %dma_start3A_940 = tpu.memref_slice %arg4[%add3A_930, %dma_start3A_938, %dma_start3A_939] : memref<6400x128x32xf32, #tpu.memory_space<hbm>> -> memref<5x128x32xf32, #tpu.memory_space<hbm>>
      %dma_start3A_941 = tpu.memref_slice %arg9[%dma_start3A_932] : memref<4x!tpu.dma_semaphore, #tpu.memory_space<semaphore_mem>> -> memref<1x!tpu.dma_semaphore, #tpu.memory_space<semaphore_mem>>
      %dma_start3A_942 = tpu.memref_squeeze %dma_start3A_941 : memref<1x!tpu.dma_semaphore, #tpu.memory_space<semaphore_mem>> -> memref<!tpu.dma_semaphore, #tpu.memory_space<semaphore_mem>>
      %dma_start3A_943 = arith.constant 0 : i32
      %dma_start3A_944 = arith.constant 0 : i32
      %dma_start3A_945 = tpu.memref_slice %arg4[%add3A_930, %dma_start3A_943, %dma_start3A_944] : memref<6400x128x32xf32, #tpu.memory_space<hbm>> -> memref<5x128x32xf32, #tpu.memory_space<hbm>>
      %dma_start3A_946 = arith.constant 0 : i32
      %dma_start3A_947 = arith.constant 0 : i32
      %dma_start3A_948 = arith.constant 0 : i32
      %dma_start3A_949 = tpu.memref_slice %arg6[%dma_start3A_931, %dma_start3A_946, %dma_start3A_947, %dma_start3A_948] : memref<4x5x128x32xf32, #tpu.memory_space<vmem>> -> memref<1x5x128x32xf32, #tpu.memory_space<vmem>>
      %dma_start3A_950 = tpu.memref_squeeze %dma_start3A_949 : memref<1x5x128x32xf32, #tpu.memory_space<vmem>> -> memref<5x128x32xf32, #tpu.memory_space<vmem>>
      tpu.enqueue_dma source(%dma_start3A_950 : memref<5x128x32xf32, #tpu.memory_space<vmem>>) target(%dma_start3A_945 : memref<5x128x32xf32, #tpu.memory_space<hbm>>) target_semaphore(%dma_start3A_942 : memref<!tpu.dma_semaphore, #tpu.memory_space<semaphore_mem>>)
      %mul3A_951 = arith.constant 4 : i32
      %mul3A_952 = arith.muli %scan3A_336, %mul3A_951 : i32
      %add3A_953 = arith.constant 3 : i32
      %add3A_954 = arith.addi %mul3A_952, %add3A_953 : i32
      %lt3A_955 = arith.constant 9 : i32
      %lt3A_956 = arith.cmpi slt, %scan3A_336, %lt3A_955 : i32
      %convert_element_type3A_957 = arith.extui %lt3A_956 : i1 to i32
      %cond3A_958 = arith.constant 0 : i32
      %cond3A_959 = arith.cmpi ne, %convert_element_type3A_957, %cond3A_958 : i32
      scf.if %cond3A_959 {
        %add3A_1013 = arith.constant 1 : i32
        %add3A_1014 = arith.addi %add3A_954, %add3A_1013 : i32
        %mul3A_1015 = arith.constant 5 : i32
        %mul3A_1016 = arith.muli %add3A_1014, %mul3A_1015 : i32
        %add3A_1017 = arith.addi %mul3A_2, %mul3A_1016 : i32
        %dma_wait3A_1018 = arith.constant 0 : i32
        %dma_wait3A_1019 = arith.constant 0 : i32
        %dma_wait3A_1020 = arith.constant 0 : i32
        %dma_wait3A_1021 = arith.constant 0 : i32
        %dma_wait3A_1022 = tpu.memref_slice %arg5[%dma_wait3A_1018, %dma_wait3A_1020, %dma_wait3A_1021] : memref<4x5x128xi32, #tpu.memory_space<vmem>> -> memref<1x5x128xi32, #tpu.memory_space<vmem>>
        %dma_wait3A_1023 = tpu.memref_squeeze %dma_wait3A_1022 : memref<1x5x128xi32, #tpu.memory_space<vmem>> -> memref<5x128xi32, #tpu.memory_space<vmem>>
        %dma_wait3A_1024 = arith.constant 0 : i32
        %dma_wait3A_1025 = tpu.memref_slice %arg2[%add3A_1017, %dma_wait3A_1024] : memref<6400x128xi32, #tpu.memory_space<hbm>> -> memref<5x128xi32, #tpu.memory_space<hbm>>
        %dma_wait3A_1026 = tpu.memref_slice %arg7[%dma_wait3A_1019] : memref<4x!tpu.dma_semaphore, #tpu.memory_space<semaphore_mem>> -> memref<1x!tpu.dma_semaphore, #tpu.memory_space<semaphore_mem>>
        %dma_wait3A_1027 = tpu.memref_squeeze %dma_wait3A_1026 : memref<1x!tpu.dma_semaphore, #tpu.memory_space<semaphore_mem>> -> memref<!tpu.dma_semaphore, #tpu.memory_space<semaphore_mem>>
        %dma_wait3A_1028 = arith.constant 0 : i32
        %dma_wait3A_1029 = arith.constant 0 : i32
        %dma_wait3A_1030 = tpu.memref_slice %arg5[%dma_wait3A_1018, %dma_wait3A_1028, %dma_wait3A_1029] : memref<4x5x128xi32, #tpu.memory_space<vmem>> -> memref<1x5x128xi32, #tpu.memory_space<vmem>>
        %dma_wait3A_1031 = tpu.memref_squeeze %dma_wait3A_1030 : memref<1x5x128xi32, #tpu.memory_space<vmem>> -> memref<5x128xi32, #tpu.memory_space<vmem>>
        %dma_wait3A_1032 = arith.constant 0 : i32
        %dma_wait3A_1033 = tpu.memref_slice %arg2[%add3A_1017, %dma_wait3A_1032] : memref<6400x128xi32, #tpu.memory_space<hbm>> -> memref<5x128xi32, #tpu.memory_space<hbm>>
        tpu.wait_dma2 semaphore(%dma_wait3A_1027 : memref<!tpu.dma_semaphore, #tpu.memory_space<semaphore_mem>>) src(%dma_wait3A_1033 : memref<5x128xi32, #tpu.memory_space<hbm>>) dst(%dma_wait3A_1031 : memref<5x128xi32, #tpu.memory_space<vmem>>)
        %add3A_1034 = arith.constant 1 : i32
        %add3A_1035 = arith.addi %add3A_954, %add3A_1034 : i32
        %sub3A_1036 = arith.constant 4 : i32
        %sub3A_1037 = arith.subi %add3A_1035, %sub3A_1036 : i32
        %mul3A_1038 = arith.constant 5 : i32
        %mul3A_1039 = arith.muli %sub3A_1037, %mul3A_1038 : i32
        %add3A_1040 = arith.addi %mul3A_2, %mul3A_1039 : i32
        %dma_wait3A_1041 = arith.constant 0 : i32
        %dma_wait3A_1042 = arith.constant 0 : i32
        %dma_wait3A_1043 = arith.constant 0 : i32
        %dma_wait3A_1044 = arith.constant 0 : i32
        %dma_wait3A_1045 = arith.constant 0 : i32
        %dma_wait3A_1046 = tpu.memref_slice %arg6[%dma_wait3A_1041, %dma_wait3A_1043, %dma_wait3A_1044, %dma_wait3A_1045] : memref<4x5x128x32xf32, #tpu.memory_space<vmem>> -> memref<1x5x128x32xf32, #tpu.memory_space<vmem>>
        %dma_wait3A_1047 = tpu.memref_squeeze %dma_wait3A_1046 : memref<1x5x128x32xf32, #tpu.memory_space<vmem>> -> memref<5x128x32xf32, #tpu.memory_space<vmem>>
        %dma_wait3A_1048 = arith.constant 0 : i32
        %dma_wait3A_1049 = arith.constant 0 : i32
        %dma_wait3A_1050 = tpu.memref_slice %arg4[%add3A_1040, %dma_wait3A_1048, %dma_wait3A_1049] : memref<6400x128x32xf32, #tpu.memory_space<hbm>> -> memref<5x128x32xf32, #tpu.memory_space<hbm>>
        %dma_wait3A_1051 = tpu.memref_slice %arg9[%dma_wait3A_1042] : memref<4x!tpu.dma_semaphore, #tpu.memory_space<semaphore_mem>> -> memref<1x!tpu.dma_semaphore, #tpu.memory_space<semaphore_mem>>
        %dma_wait3A_1052 = tpu.memref_squeeze %dma_wait3A_1051 : memref<1x!tpu.dma_semaphore, #tpu.memory_space<semaphore_mem>> -> memref<!tpu.dma_semaphore, #tpu.memory_space<semaphore_mem>>
        %dma_wait3A_1053 = arith.constant 0 : i32
        %dma_wait3A_1054 = arith.constant 0 : i32
        %dma_wait3A_1055 = tpu.memref_slice %arg4[%add3A_1040, %dma_wait3A_1053, %dma_wait3A_1054] : memref<6400x128x32xf32, #tpu.memory_space<hbm>> -> memref<5x128x32xf32, #tpu.memory_space<hbm>>
        %dma_wait3A_1056 = arith.constant 0 : i32
        %dma_wait3A_1057 = arith.constant 0 : i32
        %dma_wait3A_1058 = arith.constant 0 : i32
        %dma_wait3A_1059 = tpu.memref_slice %arg6[%dma_wait3A_1041, %dma_wait3A_1056, %dma_wait3A_1057, %dma_wait3A_1058] : memref<4x5x128x32xf32, #tpu.memory_space<vmem>> -> memref<1x5x128x32xf32, #tpu.memory_space<vmem>>
        %dma_wait3A_1060 = tpu.memref_squeeze %dma_wait3A_1059 : memref<1x5x128x32xf32, #tpu.memory_space<vmem>> -> memref<5x128x32xf32, #tpu.memory_space<vmem>>
        tpu.wait_dma2 semaphore(%dma_wait3A_1052 : memref<!tpu.dma_semaphore, #tpu.memory_space<semaphore_mem>>) src(%dma_wait3A_1060 : memref<5x128x32xf32, #tpu.memory_space<vmem>>) dst(%dma_wait3A_1055 : memref<5x128x32xf32, #tpu.memory_space<hbm>>)
        %dma_start3A_1061 = arith.constant 0 : i32
        %dma_start3A_1062 = arith.constant 0 : i32
        %dma_start3A_1063 = arith.constant 0 : i32
        %dma_start3A_1064 = arith.constant 0 : i32
        %dma_start3A_1065 = arith.constant 0 : i32
        %dma_start3A_1066 = arith.constant 0 : i32
        %dma_start3A_1067 = arith.constant 0 : i32
        %dma_start3A_1068 = arith.constant 0 : i32
        %dma_start3A_1069 = tpu.memref_slice %arg6[%dma_start3A_1063, %dma_start3A_1066, %dma_start3A_1067, %dma_start3A_1068] : memref<4x5x128x32xf32, #tpu.memory_space<vmem>> -> memref<1x5x128x32xf32, #tpu.memory_space<vmem>>
        %dma_start3A_1070 = tpu.memref_squeeze %dma_start3A_1069 : memref<1x5x128x32xf32, #tpu.memory_space<vmem>> -> memref<5x128x32xf32, #tpu.memory_space<vmem>>
        %dma_start3A_1071 = arith.constant 0 : i32
        %dma_start3A_1072 = arith.constant 0 : i32
        %dma_start3A_1073 = tpu.memref_slice %dma_start3A_1070[%dma_start3A_1064, %dma_start3A_1071, %dma_start3A_1072] : memref<5x128x32xf32, #tpu.memory_space<vmem>> -> memref<1x128x32xf32, #tpu.memory_space<vmem>>
        %dma_start3A_1074 = tpu.memref_squeeze %dma_start3A_1073 : memref<1x128x32xf32, #tpu.memory_space<vmem>> -> memref<128x32xf32, #tpu.memory_space<vmem>>
        %dma_start3A_1075 = arith.constant 0 : i32
        %dma_start3A_1076 = arith.constant 0 : i32
        %dma_start3A_1077 = tpu.memref_slice %arg5[%dma_start3A_1061, %dma_start3A_1075, %dma_start3A_1076] : memref<4x5x128xi32, #tpu.memory_space<vmem>> -> memref<1x5x128xi32, #tpu.memory_space<vmem>>
        %dma_start3A_1078 = tpu.memref_squeeze %dma_start3A_1077 : memref<1x5x128xi32, #tpu.memory_space<vmem>> -> memref<5x128xi32, #tpu.memory_space<vmem>>
        %dma_start3A_1079 = arith.constant 0 : i32
        %dma_start3A_1080 = tpu.memref_slice %dma_start3A_1078[%dma_start3A_1062, %dma_start3A_1079] : memref<5x128xi32, #tpu.memory_space<vmem>> -> memref<1x128xi32, #tpu.memory_space<vmem>>
        %dma_start3A_1081 = tpu.memref_squeeze %dma_start3A_1080 : memref<1x128xi32, #tpu.memory_space<vmem>> -> memref<128xi32, #tpu.memory_space<vmem>>
        %dma_start3A_1082 = arith.constant 0 : i32
        %dma_start3A_1083 = arith.constant 0 : i32
        %dma_start3A_1084 = tpu.memref_slice %arg3[%dma_start3A_1082, %dma_start3A_1083] : memref<1000000x32xf32, #tpu.memory_space<hbm>> -> memref<1000000x32xf32, #tpu.memory_space<hbm>>
        %dma_start3A_1085 = tpu.memref_slice %arg8[%dma_start3A_1065] : memref<4x!tpu.dma_semaphore, #tpu.memory_space<semaphore_mem>> -> memref<1x!tpu.dma_semaphore, #tpu.memory_space<semaphore_mem>>
        %dma_start3A_1086 = tpu.memref_squeeze %dma_start3A_1085 : memref<1x!tpu.dma_semaphore, #tpu.memory_space<semaphore_mem>> -> memref<!tpu.dma_semaphore, #tpu.memory_space<semaphore_mem>>
        tpu.enqueue_indirect_dma source(%dma_start3A_1084 : memref<1000000x32xf32, #tpu.memory_space<hbm>>) target(%dma_start3A_1074 : memref<128x32xf32, #tpu.memory_space<vmem>>) offsets(%dma_start3A_1081 : memref<128xi32, #tpu.memory_space<vmem>>) semaphore(%dma_start3A_1086 : memref<!tpu.dma_semaphore, #tpu.memory_space<semaphore_mem>>)
        %dma_start3A_1087 = arith.constant 0 : i32
        %dma_start3A_1088 = arith.constant 1 : i32
        %dma_start3A_1089 = arith.constant 0 : i32
        %dma_start3A_1090 = arith.constant 1 : i32
        %dma_start3A_1091 = arith.constant 0 : i32
        %dma_start3A_1092 = arith.constant 0 : i32
        %dma_start3A_1093 = arith.constant 0 : i32
        %dma_start3A_1094 = arith.constant 0 : i32
        %dma_start3A_1095 = tpu.memref_slice %arg6[%dma_start3A_1089, %dma_start3A_1092, %dma_start3A_1093, %dma_start3A_1094] : memref<4x5x128x32xf32, #tpu.memory_space<vmem>> -> memref<1x5x128x32xf32, #tpu.memory_space<vmem>>
        %dma_start3A_1096 = tpu.memref_squeeze %dma_start3A_1095 : memref<1x5x128x32xf32, #tpu.memory_space<vmem>> -> memref<5x128x32xf32, #tpu.memory_space<vmem>>
        %dma_start3A_1097 = arith.constant 0 : i32
        %dma_start3A_1098 = arith.constant 0 : i32
        %dma_start3A_1099 = tpu.memref_slice %dma_start3A_1096[%dma_start3A_1090, %dma_start3A_1097, %dma_start3A_1098] : memref<5x128x32xf32, #tpu.memory_space<vmem>> -> memref<1x128x32xf32, #tpu.memory_space<vmem>>
        %dma_start3A_1100 = tpu.memref_squeeze %dma_start3A_1099 : memref<1x128x32xf32, #tpu.memory_space<vmem>> -> memref<128x32xf32, #tpu.memory_space<vmem>>
        %dma_start3A_1101 = arith.constant 0 : i32
        %dma_start3A_1102 = arith.constant 0 : i32
        %dma_start3A_1103 = tpu.memref_slice %arg5[%dma_start3A_1087, %dma_start3A_1101, %dma_start3A_1102] : memref<4x5x128xi32, #tpu.memory_space<vmem>> -> memref<1x5x128xi32, #tpu.memory_space<vmem>>
        %dma_start3A_1104 = tpu.memref_squeeze %dma_start3A_1103 : memref<1x5x128xi32, #tpu.memory_space<vmem>> -> memref<5x128xi32, #tpu.memory_space<vmem>>
        %dma_start3A_1105 = arith.constant 0 : i32
        %dma_start3A_1106 = tpu.memref_slice %dma_start3A_1104[%dma_start3A_1088, %dma_start3A_1105] : memref<5x128xi32, #tpu.memory_space<vmem>> -> memref<1x128xi32, #tpu.memory_space<vmem>>
        %dma_start3A_1107 = tpu.memref_squeeze %dma_start3A_1106 : memref<1x128xi32, #tpu.memory_space<vmem>> -> memref<128xi32, #tpu.memory_space<vmem>>
        %dma_start3A_1108 = arith.constant 0 : i32
        %dma_start3A_1109 = arith.constant 0 : i32
        %dma_start3A_1110 = tpu.memref_slice %arg3[%dma_start3A_1108, %dma_start3A_1109] : memref<1000000x32xf32, #tpu.memory_space<hbm>> -> memref<1000000x32xf32, #tpu.memory_space<hbm>>
        %dma_start3A_1111 = tpu.memref_slice %arg8[%dma_start3A_1091] : memref<4x!tpu.dma_semaphore, #tpu.memory_space<semaphore_mem>> -> memref<1x!tpu.dma_semaphore, #tpu.memory_space<semaphore_mem>>
        %dma_start3A_1112 = tpu.memref_squeeze %dma_start3A_1111 : memref<1x!tpu.dma_semaphore, #tpu.memory_space<semaphore_mem>> -> memref<!tpu.dma_semaphore, #tpu.memory_space<semaphore_mem>>
        tpu.enqueue_indirect_dma source(%dma_start3A_1110 : memref<1000000x32xf32, #tpu.memory_space<hbm>>) target(%dma_start3A_1100 : memref<128x32xf32, #tpu.memory_space<vmem>>) offsets(%dma_start3A_1107 : memref<128xi32, #tpu.memory_space<vmem>>) semaphore(%dma_start3A_1112 : memref<!tpu.dma_semaphore, #tpu.memory_space<semaphore_mem>>)
        %dma_start3A_1113 = arith.constant 0 : i32
        %dma_start3A_1114 = arith.constant 2 : i32
        %dma_start3A_1115 = arith.constant 0 : i32
        %dma_start3A_1116 = arith.constant 2 : i32
        %dma_start3A_1117 = arith.constant 0 : i32
        %dma_start3A_1118 = arith.constant 0 : i32
        %dma_start3A_1119 = arith.constant 0 : i32
        %dma_start3A_1120 = arith.constant 0 : i32
        %dma_start3A_1121 = tpu.memref_slice %arg6[%dma_start3A_1115, %dma_start3A_1118, %dma_start3A_1119, %dma_start3A_1120] : memref<4x5x128x32xf32, #tpu.memory_space<vmem>> -> memref<1x5x128x32xf32, #tpu.memory_space<vmem>>
        %dma_start3A_1122 = tpu.memref_squeeze %dma_start3A_1121 : memref<1x5x128x32xf32, #tpu.memory_space<vmem>> -> memref<5x128x32xf32, #tpu.memory_space<vmem>>
        %dma_start3A_1123 = arith.constant 0 : i32
        %dma_start3A_1124 = arith.constant 0 : i32
        %dma_start3A_1125 = tpu.memref_slice %dma_start3A_1122[%dma_start3A_1116, %dma_start3A_1123, %dma_start3A_1124] : memref<5x128x32xf32, #tpu.memory_space<vmem>> -> memref<1x128x32xf32, #tpu.memory_space<vmem>>
        %dma_start3A_1126 = tpu.memref_squeeze %dma_start3A_1125 : memref<1x128x32xf32, #tpu.memory_space<vmem>> -> memref<128x32xf32, #tpu.memory_space<vmem>>
        %dma_start3A_1127 = arith.constant 0 : i32
        %dma_start3A_1128 = arith.constant 0 : i32
        %dma_start3A_1129 = tpu.memref_slice %arg5[%dma_start3A_1113, %dma_start3A_1127, %dma_start3A_1128] : memref<4x5x128xi32, #tpu.memory_space<vmem>> -> memref<1x5x128xi32, #tpu.memory_space<vmem>>
        %dma_start3A_1130 = tpu.memref_squeeze %dma_start3A_1129 : memref<1x5x128xi32, #tpu.memory_space<vmem>> -> memref<5x128xi32, #tpu.memory_space<vmem>>
        %dma_start3A_1131 = arith.constant 0 : i32
        %dma_start3A_1132 = tpu.memref_slice %dma_start3A_1130[%dma_start3A_1114, %dma_start3A_1131] : memref<5x128xi32, #tpu.memory_space<vmem>> -> memref<1x128xi32, #tpu.memory_space<vmem>>
        %dma_start3A_1133 = tpu.memref_squeeze %dma_start3A_1132 : memref<1x128xi32, #tpu.memory_space<vmem>> -> memref<128xi32, #tpu.memory_space<vmem>>
        %dma_start3A_1134 = arith.constant 0 : i32
        %dma_start3A_1135 = arith.constant 0 : i32
        %dma_start3A_1136 = tpu.memref_slice %arg3[%dma_start3A_1134, %dma_start3A_1135] : memref<1000000x32xf32, #tpu.memory_space<hbm>> -> memref<1000000x32xf32, #tpu.memory_space<hbm>>
        %dma_start3A_1137 = tpu.memref_slice %arg8[%dma_start3A_1117] : memref<4x!tpu.dma_semaphore, #tpu.memory_space<semaphore_mem>> -> memref<1x!tpu.dma_semaphore, #tpu.memory_space<semaphore_mem>>
        %dma_start3A_1138 = tpu.memref_squeeze %dma_start3A_1137 : memref<1x!tpu.dma_semaphore, #tpu.memory_space<semaphore_mem>> -> memref<!tpu.dma_semaphore, #tpu.memory_space<semaphore_mem>>
        tpu.enqueue_indirect_dma source(%dma_start3A_1136 : memref<1000000x32xf32, #tpu.memory_space<hbm>>) target(%dma_start3A_1126 : memref<128x32xf32, #tpu.memory_space<vmem>>) offsets(%dma_start3A_1133 : memref<128xi32, #tpu.memory_space<vmem>>) semaphore(%dma_start3A_1138 : memref<!tpu.dma_semaphore, #tpu.memory_space<semaphore_mem>>)
        %dma_start3A_1139 = arith.constant 0 : i32
        %dma_start3A_1140 = arith.constant 3 : i32
        %dma_start3A_1141 = arith.constant 0 : i32
        %dma_start3A_1142 = arith.constant 3 : i32
        %dma_start3A_1143 = arith.constant 0 : i32
        %dma_start3A_1144 = arith.constant 0 : i32
        %dma_start3A_1145 = arith.constant 0 : i32
        %dma_start3A_1146 = arith.constant 0 : i32
        %dma_start3A_1147 = tpu.memref_slice %arg6[%dma_start3A_1141, %dma_start3A_1144, %dma_start3A_1145, %dma_start3A_1146] : memref<4x5x128x32xf32, #tpu.memory_space<vmem>> -> memref<1x5x128x32xf32, #tpu.memory_space<vmem>>
        %dma_start3A_1148 = tpu.memref_squeeze %dma_start3A_1147 : memref<1x5x128x32xf32, #tpu.memory_space<vmem>> -> memref<5x128x32xf32, #tpu.memory_space<vmem>>
        %dma_start3A_1149 = arith.constant 0 : i32
        %dma_start3A_1150 = arith.constant 0 : i32
        %dma_start3A_1151 = tpu.memref_slice %dma_start3A_1148[%dma_start3A_1142, %dma_start3A_1149, %dma_start3A_1150] : memref<5x128x32xf32, #tpu.memory_space<vmem>> -> memref<1x128x32xf32, #tpu.memory_space<vmem>>
        %dma_start3A_1152 = tpu.memref_squeeze %dma_start3A_1151 : memref<1x128x32xf32, #tpu.memory_space<vmem>> -> memref<128x32xf32, #tpu.memory_space<vmem>>
        %dma_start3A_1153 = arith.constant 0 : i32
        %dma_start3A_1154 = arith.constant 0 : i32
        %dma_start3A_1155 = tpu.memref_slice %arg5[%dma_start3A_1139, %dma_start3A_1153, %dma_start3A_1154] : memref<4x5x128xi32, #tpu.memory_space<vmem>> -> memref<1x5x128xi32, #tpu.memory_space<vmem>>
        %dma_start3A_1156 = tpu.memref_squeeze %dma_start3A_1155 : memref<1x5x128xi32, #tpu.memory_space<vmem>> -> memref<5x128xi32, #tpu.memory_space<vmem>>
        %dma_start3A_1157 = arith.constant 0 : i32
        %dma_start3A_1158 = tpu.memref_slice %dma_start3A_1156[%dma_start3A_1140, %dma_start3A_1157] : memref<5x128xi32, #tpu.memory_space<vmem>> -> memref<1x128xi32, #tpu.memory_space<vmem>>
        %dma_start3A_1159 = tpu.memref_squeeze %dma_start3A_1158 : memref<1x128xi32, #tpu.memory_space<vmem>> -> memref<128xi32, #tpu.memory_space<vmem>>
        %dma_start3A_1160 = arith.constant 0 : i32
        %dma_start3A_1161 = arith.constant 0 : i32
        %dma_start3A_1162 = tpu.memref_slice %arg3[%dma_start3A_1160, %dma_start3A_1161] : memref<1000000x32xf32, #tpu.memory_space<hbm>> -> memref<1000000x32xf32, #tpu.memory_space<hbm>>
        %dma_start3A_1163 = tpu.memref_slice %arg8[%dma_start3A_1143] : memref<4x!tpu.dma_semaphore, #tpu.memory_space<semaphore_mem>> -> memref<1x!tpu.dma_semaphore, #tpu.memory_space<semaphore_mem>>
        %dma_start3A_1164 = tpu.memref_squeeze %dma_start3A_1163 : memref<1x!tpu.dma_semaphore, #tpu.memory_space<semaphore_mem>> -> memref<!tpu.dma_semaphore, #tpu.memory_space<semaphore_mem>>
        tpu.enqueue_indirect_dma source(%dma_start3A_1162 : memref<1000000x32xf32, #tpu.memory_space<hbm>>) target(%dma_start3A_1152 : memref<128x32xf32, #tpu.memory_space<vmem>>) offsets(%dma_start3A_1159 : memref<128xi32, #tpu.memory_space<vmem>>) semaphore(%dma_start3A_1164 : memref<!tpu.dma_semaphore, #tpu.memory_space<semaphore_mem>>)
        %dma_start3A_1165 = arith.constant 0 : i32
        %dma_start3A_1166 = arith.constant 4 : i32
        %dma_start3A_1167 = arith.constant 0 : i32
        %dma_start3A_1168 = arith.constant 4 : i32
        %dma_start3A_1169 = arith.constant 0 : i32
        %dma_start3A_1170 = arith.constant 0 : i32
        %dma_start3A_1171 = arith.constant 0 : i32
        %dma_start3A_1172 = arith.constant 0 : i32
        %dma_start3A_1173 = tpu.memref_slice %arg6[%dma_start3A_1167, %dma_start3A_1170, %dma_start3A_1171, %dma_start3A_1172] : memref<4x5x128x32xf32, #tpu.memory_space<vmem>> -> memref<1x5x128x32xf32, #tpu.memory_space<vmem>>
        %dma_start3A_1174 = tpu.memref_squeeze %dma_start3A_1173 : memref<1x5x128x32xf32, #tpu.memory_space<vmem>> -> memref<5x128x32xf32, #tpu.memory_space<vmem>>
        %dma_start3A_1175 = arith.constant 0 : i32
        %dma_start3A_1176 = arith.constant 0 : i32
        %dma_start3A_1177 = tpu.memref_slice %dma_start3A_1174[%dma_start3A_1168, %dma_start3A_1175, %dma_start3A_1176] : memref<5x128x32xf32, #tpu.memory_space<vmem>> -> memref<1x128x32xf32, #tpu.memory_space<vmem>>
        %dma_start3A_1178 = tpu.memref_squeeze %dma_start3A_1177 : memref<1x128x32xf32, #tpu.memory_space<vmem>> -> memref<128x32xf32, #tpu.memory_space<vmem>>
        %dma_start3A_1179 = arith.constant 0 : i32
        %dma_start3A_1180 = arith.constant 0 : i32
        %dma_start3A_1181 = tpu.memref_slice %arg5[%dma_start3A_1165, %dma_start3A_1179, %dma_start3A_1180] : memref<4x5x128xi32, #tpu.memory_space<vmem>> -> memref<1x5x128xi32, #tpu.memory_space<vmem>>
        %dma_start3A_1182 = tpu.memref_squeeze %dma_start3A_1181 : memref<1x5x128xi32, #tpu.memory_space<vmem>> -> memref<5x128xi32, #tpu.memory_space<vmem>>
        %dma_start3A_1183 = arith.constant 0 : i32
        %dma_start3A_1184 = tpu.memref_slice %dma_start3A_1182[%dma_start3A_1166, %dma_start3A_1183] : memref<5x128xi32, #tpu.memory_space<vmem>> -> memref<1x128xi32, #tpu.memory_space<vmem>>
        %dma_start3A_1185 = tpu.memref_squeeze %dma_start3A_1184 : memref<1x128xi32, #tpu.memory_space<vmem>> -> memref<128xi32, #tpu.memory_space<vmem>>
        %dma_start3A_1186 = arith.constant 0 : i32
        %dma_start3A_1187 = arith.constant 0 : i32
        %dma_start3A_1188 = tpu.memref_slice %arg3[%dma_start3A_1186, %dma_start3A_1187] : memref<1000000x32xf32, #tpu.memory_space<hbm>> -> memref<1000000x32xf32, #tpu.memory_space<hbm>>
        %dma_start3A_1189 = tpu.memref_slice %arg8[%dma_start3A_1169] : memref<4x!tpu.dma_semaphore, #tpu.memory_space<semaphore_mem>> -> memref<1x!tpu.dma_semaphore, #tpu.memory_space<semaphore_mem>>
        %dma_start3A_1190 = tpu.memref_squeeze %dma_start3A_1189 : memref<1x!tpu.dma_semaphore, #tpu.memory_space<semaphore_mem>> -> memref<!tpu.dma_semaphore, #tpu.memory_space<semaphore_mem>>
        tpu.enqueue_indirect_dma source(%dma_start3A_1188 : memref<1000000x32xf32, #tpu.memory_space<hbm>>) target(%dma_start3A_1178 : memref<128x32xf32, #tpu.memory_space<vmem>>) offsets(%dma_start3A_1185 : memref<128xi32, #tpu.memory_space<vmem>>) semaphore(%dma_start3A_1190 : memref<!tpu.dma_semaphore, #tpu.memory_space<semaphore_mem>>)
      } else {
      }
      %mul3A_960 = arith.constant 5 : i32
      %mul3A_961 = arith.muli %add3A_954, %mul3A_960 : i32
      %add3A_962 = arith.addi %mul3A_2, %mul3A_961 : i32
      %dma_wait3A_963 = arith.constant 3 : i32
      %dma_wait3A_964 = arith.constant 3 : i32
      %dma_wait3A_965 = arith.constant 0 : i32
      %dma_wait3A_966 = arith.constant 0 : i32
      %dma_wait3A_967 = arith.constant 0 : i32
      %dma_wait3A_968 = tpu.memref_slice %arg6[%dma_wait3A_963, %dma_wait3A_965, %dma_wait3A_966, %dma_wait3A_967] : memref<4x5x128x32xf32, #tpu.memory_space<vmem>> -> memref<1x5x128x32xf32, #tpu.memory_space<vmem>>
      %dma_wait3A_969 = tpu.memref_squeeze %dma_wait3A_968 : memref<1x5x128x32xf32, #tpu.memory_space<vmem>> -> memref<5x128x32xf32, #tpu.memory_space<vmem>>
      %dma_wait3A_970 = arith.constant 0 : i32
      %dma_wait3A_971 = arith.constant 0 : i32
      %dma_wait3A_972 = tpu.memref_slice %arg4[%add3A_962, %dma_wait3A_970, %dma_wait3A_971] : memref<6400x128x32xf32, #tpu.memory_space<hbm>> -> memref<5x128x32xf32, #tpu.memory_space<hbm>>
      %dma_wait3A_973 = tpu.memref_slice %arg8[%dma_wait3A_964] : memref<4x!tpu.dma_semaphore, #tpu.memory_space<semaphore_mem>> -> memref<1x!tpu.dma_semaphore, #tpu.memory_space<semaphore_mem>>
      %dma_wait3A_974 = tpu.memref_squeeze %dma_wait3A_973 : memref<1x!tpu.dma_semaphore, #tpu.memory_space<semaphore_mem>> -> memref<!tpu.dma_semaphore, #tpu.memory_space<semaphore_mem>>
      %dma_wait3A_975 = arith.constant 0 : i32
      %dma_wait3A_976 = arith.constant 0 : i32
      %dma_wait3A_977 = arith.constant 0 : i32
      %dma_wait3A_978 = tpu.memref_slice %arg6[%dma_wait3A_963, %dma_wait3A_975, %dma_wait3A_976, %dma_wait3A_977] : memref<4x5x128x32xf32, #tpu.memory_space<vmem>> -> memref<1x5x128x32xf32, #tpu.memory_space<vmem>>
      %dma_wait3A_979 = tpu.memref_squeeze %dma_wait3A_978 : memref<1x5x128x32xf32, #tpu.memory_space<vmem>> -> memref<5x128x32xf32, #tpu.memory_space<vmem>>
      %dma_wait3A_980 = arith.constant 0 : i32
      %dma_wait3A_981 = arith.constant 0 : i32
      %dma_wait3A_982 = tpu.memref_slice %arg4[%add3A_962, %dma_wait3A_980, %dma_wait3A_981] : memref<6400x128x32xf32, #tpu.memory_space<hbm>> -> memref<5x128x32xf32, #tpu.memory_space<hbm>>
      tpu.wait_dma2 semaphore(%dma_wait3A_974 : memref<!tpu.dma_semaphore, #tpu.memory_space<semaphore_mem>>) src(%dma_wait3A_982 : memref<5x128x32xf32, #tpu.memory_space<hbm>>) dst(%dma_wait3A_979 : memref<5x128x32xf32, #tpu.memory_space<vmem>>)
      %lt3A_983 = arith.constant 9 : i32
      %lt3A_984 = arith.cmpi slt, %scan3A_336, %lt3A_983 : i32
      %convert_element_type3A_985 = arith.extui %lt3A_984 : i1 to i32
      %cond3A_986 = arith.constant 0 : i32
      %cond3A_987 = arith.cmpi ne, %convert_element_type3A_985, %cond3A_986 : i32
      scf.if %cond3A_987 {
        %add3A_1013 = arith.constant 4 : i32
        %add3A_1014 = arith.addi %add3A_954, %add3A_1013 : i32
        %mul3A_1015 = arith.constant 5 : i32
        %mul3A_1016 = arith.muli %add3A_1014, %mul3A_1015 : i32
        %add3A_1017 = arith.addi %mul3A_2, %mul3A_1016 : i32
        %dma_start3A_1018 = arith.constant 3 : i32
        %dma_start3A_1019 = arith.constant 3 : i32
        %dma_start3A_1020 = arith.constant 0 : i32
        %dma_start3A_1021 = arith.constant 0 : i32
        %dma_start3A_1022 = tpu.memref_slice %arg5[%dma_start3A_1018, %dma_start3A_1020, %dma_start3A_1021] : memref<4x5x128xi32, #tpu.memory_space<vmem>> -> memref<1x5x128xi32, #tpu.memory_space<vmem>>
        %dma_start3A_1023 = tpu.memref_squeeze %dma_start3A_1022 : memref<1x5x128xi32, #tpu.memory_space<vmem>> -> memref<5x128xi32, #tpu.memory_space<vmem>>
        %dma_start3A_1024 = arith.constant 0 : i32
        %dma_start3A_1025 = tpu.memref_slice %arg2[%add3A_1017, %dma_start3A_1024] : memref<6400x128xi32, #tpu.memory_space<hbm>> -> memref<5x128xi32, #tpu.memory_space<hbm>>
        %dma_start3A_1026 = tpu.memref_slice %arg7[%dma_start3A_1019] : memref<4x!tpu.dma_semaphore, #tpu.memory_space<semaphore_mem>> -> memref<1x!tpu.dma_semaphore, #tpu.memory_space<semaphore_mem>>
        %dma_start3A_1027 = tpu.memref_squeeze %dma_start3A_1026 : memref<1x!tpu.dma_semaphore, #tpu.memory_space<semaphore_mem>> -> memref<!tpu.dma_semaphore, #tpu.memory_space<semaphore_mem>>
        %dma_start3A_1028 = arith.constant 0 : i32
        %dma_start3A_1029 = arith.constant 0 : i32
        %dma_start3A_1030 = tpu.memref_slice %arg5[%dma_start3A_1018, %dma_start3A_1028, %dma_start3A_1029] : memref<4x5x128xi32, #tpu.memory_space<vmem>> -> memref<1x5x128xi32, #tpu.memory_space<vmem>>
        %dma_start3A_1031 = tpu.memref_squeeze %dma_start3A_1030 : memref<1x5x128xi32, #tpu.memory_space<vmem>> -> memref<5x128xi32, #tpu.memory_space<vmem>>
        %dma_start3A_1032 = arith.constant 0 : i32
        %dma_start3A_1033 = tpu.memref_slice %arg2[%add3A_1017, %dma_start3A_1032] : memref<6400x128xi32, #tpu.memory_space<hbm>> -> memref<5x128xi32, #tpu.memory_space<hbm>>
        tpu.enqueue_dma source(%dma_start3A_1033 : memref<5x128xi32, #tpu.memory_space<hbm>>) target(%dma_start3A_1031 : memref<5x128xi32, #tpu.memory_space<vmem>>) target_semaphore(%dma_start3A_1027 : memref<!tpu.dma_semaphore, #tpu.memory_space<semaphore_mem>>)
      } else {
      }
      %sub3A_988 = arith.constant 1 : i32
      %sub3A_989 = arith.subi %add3A_954, %sub3A_988 : i32
      %mul3A_990 = arith.constant 5 : i32
      %mul3A_991 = arith.muli %sub3A_989, %mul3A_990 : i32
      %add3A_992 = arith.addi %mul3A_2, %mul3A_991 : i32
      %dma_start3A_993 = arith.constant 2 : i32
      %dma_start3A_994 = arith.constant 2 : i32
      %dma_start3A_995 = arith.constant 0 : i32
      %dma_start3A_996 = arith.constant 0 : i32
      %dma_start3A_997 = arith.constant 0 : i32
      %dma_start3A_998 = tpu.memref_slice %arg6[%dma_start3A_993, %dma_start3A_995, %dma_start3A_996, %dma_start3A_997] : memref<4x5x128x32xf32, #tpu.memory_space<vmem>> -> memref<1x5x128x32xf32, #tpu.memory_space<vmem>>
      %dma_start3A_999 = tpu.memref_squeeze %dma_start3A_998 : memref<1x5x128x32xf32, #tpu.memory_space<vmem>> -> memref<5x128x32xf32, #tpu.memory_space<vmem>>
      %dma_start3A_1000 = arith.constant 0 : i32
      %dma_start3A_1001 = arith.constant 0 : i32
      %dma_start3A_1002 = tpu.memref_slice %arg4[%add3A_992, %dma_start3A_1000, %dma_start3A_1001] : memref<6400x128x32xf32, #tpu.memory_space<hbm>> -> memref<5x128x32xf32, #tpu.memory_space<hbm>>
      %dma_start3A_1003 = tpu.memref_slice %arg9[%dma_start3A_994] : memref<4x!tpu.dma_semaphore, #tpu.memory_space<semaphore_mem>> -> memref<1x!tpu.dma_semaphore, #tpu.memory_space<semaphore_mem>>
      %dma_start3A_1004 = tpu.memref_squeeze %dma_start3A_1003 : memref<1x!tpu.dma_semaphore, #tpu.memory_space<semaphore_mem>> -> memref<!tpu.dma_semaphore, #tpu.memory_space<semaphore_mem>>
      %dma_start3A_1005 = arith.constant 0 : i32
      %dma_start3A_1006 = arith.constant 0 : i32
      %dma_start3A_1007 = tpu.memref_slice %arg4[%add3A_992, %dma_start3A_1005, %dma_start3A_1006] : memref<6400x128x32xf32, #tpu.memory_space<hbm>> -> memref<5x128x32xf32, #tpu.memory_space<hbm>>
      %dma_start3A_1008 = arith.constant 0 : i32
      %dma_start3A_1009 = arith.constant 0 : i32
      %dma_start3A_1010 = arith.constant 0 : i32
      %dma_start3A_1011 = tpu.memref_slice %arg6[%dma_start3A_993, %dma_start3A_1008, %dma_start3A_1009, %dma_start3A_1010] : memref<4x5x128x32xf32, #tpu.memory_space<vmem>> -> memref<1x5x128x32xf32, #tpu.memory_space<vmem>>
      %dma_start3A_1012 = tpu.memref_squeeze %dma_start3A_1011 : memref<1x5x128x32xf32, #tpu.memory_space<vmem>> -> memref<5x128x32xf32, #tpu.memory_space<vmem>>
      tpu.enqueue_dma source(%dma_start3A_1012 : memref<5x128x32xf32, #tpu.memory_space<vmem>>) target(%dma_start3A_1007 : memref<5x128x32xf32, #tpu.memory_space<hbm>>) target_semaphore(%dma_start3A_1004 : memref<!tpu.dma_semaphore, #tpu.memory_space<semaphore_mem>>)
    }
    %scan3A_225 = arith.constant 10 : i32
    %add3A_226 = arith.constant 195 : i32
    %add3A_227 = arith.addi %mul3A_2, %add3A_226 : i32
    %dma_start3A_228 = arith.constant 3 : i32
    %dma_start3A_229 = arith.constant 3 : i32
    %dma_start3A_230 = arith.constant 0 : i32
    %dma_start3A_231 = arith.constant 0 : i32
    %dma_start3A_232 = arith.constant 0 : i32
    %dma_start3A_233 = tpu.memref_slice %arg6[%dma_start3A_228, %dma_start3A_230, %dma_start3A_231, %dma_start3A_232] : memref<4x5x128x32xf32, #tpu.memory_space<vmem>> -> memref<1x5x128x32xf32, #tpu.memory_space<vmem>>
    %dma_start3A_234 = tpu.memref_squeeze %dma_start3A_233 : memref<1x5x128x32xf32, #tpu.memory_space<vmem>> -> memref<5x128x32xf32, #tpu.memory_space<vmem>>
    %dma_start3A_235 = arith.constant 0 : i32
    %dma_start3A_236 = arith.constant 0 : i32
    %dma_start3A_237 = tpu.memref_slice %arg4[%add3A_227, %dma_start3A_235, %dma_start3A_236] : memref<6400x128x32xf32, #tpu.memory_space<hbm>> -> memref<5x128x32xf32, #tpu.memory_space<hbm>>
    %dma_start3A_238 = tpu.memref_slice %arg9[%dma_start3A_229] : memref<4x!tpu.dma_semaphore, #tpu.memory_space<semaphore_mem>> -> memref<1x!tpu.dma_semaphore, #tpu.memory_space<semaphore_mem>>
    %dma_start3A_239 = tpu.memref_squeeze %dma_start3A_238 : memref<1x!tpu.dma_semaphore, #tpu.memory_space<semaphore_mem>> -> memref<!tpu.dma_semaphore, #tpu.memory_space<semaphore_mem>>
    %dma_start3A_240 = arith.constant 0 : i32
    %dma_start3A_241 = arith.constant 0 : i32
    %dma_start3A_242 = tpu.memref_slice %arg4[%add3A_227, %dma_start3A_240, %dma_start3A_241] : memref<6400x128x32xf32, #tpu.memory_space<hbm>> -> memref<5x128x32xf32, #tpu.memory_space<hbm>>
    %dma_start3A_243 = arith.constant 0 : i32
    %dma_start3A_244 = arith.constant 0 : i32
    %dma_start3A_245 = arith.constant 0 : i32
    %dma_start3A_246 = tpu.memref_slice %arg6[%dma_start3A_228, %dma_start3A_243, %dma_start3A_244, %dma_start3A_245] : memref<4x5x128x32xf32, #tpu.memory_space<vmem>> -> memref<1x5x128x32xf32, #tpu.memory_space<vmem>>
    %dma_start3A_247 = tpu.memref_squeeze %dma_start3A_246 : memref<1x5x128x32xf32, #tpu.memory_space<vmem>> -> memref<5x128x32xf32, #tpu.memory_space<vmem>>
    tpu.enqueue_dma source(%dma_start3A_247 : memref<5x128x32xf32, #tpu.memory_space<vmem>>) target(%dma_start3A_242 : memref<5x128x32xf32, #tpu.memory_space<hbm>>) target_semaphore(%dma_start3A_239 : memref<!tpu.dma_semaphore, #tpu.memory_space<semaphore_mem>>)
    %add3A_248 = arith.constant 180 : i32
    %add3A_249 = arith.addi %mul3A_2, %add3A_248 : i32
    %dma_wait3A_250 = arith.constant 0 : i32
    %dma_wait3A_251 = arith.constant 0 : i32
    %dma_wait3A_252 = arith.constant 0 : i32
    %dma_wait3A_253 = arith.constant 0 : i32
    %dma_wait3A_254 = arith.constant 0 : i32
    %dma_wait3A_255 = tpu.memref_slice %arg6[%dma_wait3A_250, %dma_wait3A_252, %dma_wait3A_253, %dma_wait3A_254] : memref<4x5x128x32xf32, #tpu.memory_space<vmem>> -> memref<1x5x128x32xf32, #tpu.memory_space<vmem>>
    %dma_wait3A_256 = tpu.memref_squeeze %dma_wait3A_255 : memref<1x5x128x32xf32, #tpu.memory_space<vmem>> -> memref<5x128x32xf32, #tpu.memory_space<vmem>>
    %dma_wait3A_257 = arith.constant 0 : i32
    %dma_wait3A_258 = arith.constant 0 : i32
    %dma_wait3A_259 = tpu.memref_slice %arg4[%add3A_249, %dma_wait3A_257, %dma_wait3A_258] : memref<6400x128x32xf32, #tpu.memory_space<hbm>> -> memref<5x128x32xf32, #tpu.memory_space<hbm>>
    %dma_wait3A_260 = tpu.memref_slice %arg9[%dma_wait3A_251] : memref<4x!tpu.dma_semaphore, #tpu.memory_space<semaphore_mem>> -> memref<1x!tpu.dma_semaphore, #tpu.memory_space<semaphore_mem>>
    %dma_wait3A_261 = tpu.memref_squeeze %dma_wait3A_260 : memref<1x!tpu.dma_semaphore, #tpu.memory_space<semaphore_mem>> -> memref<!tpu.dma_semaphore, #tpu.memory_space<semaphore_mem>>
    %dma_wait3A_262 = arith.constant 0 : i32
    %dma_wait3A_263 = arith.constant 0 : i32
    %dma_wait3A_264 = tpu.memref_slice %arg4[%add3A_249, %dma_wait3A_262, %dma_wait3A_263] : memref<6400x128x32xf32, #tpu.memory_space<hbm>> -> memref<5x128x32xf32, #tpu.memory_space<hbm>>
    %dma_wait3A_265 = arith.constant 0 : i32
    %dma_wait3A_266 = arith.constant 0 : i32
    %dma_wait3A_267 = arith.constant 0 : i32
    %dma_wait3A_268 = tpu.memref_slice %arg6[%dma_wait3A_250, %dma_wait3A_265, %dma_wait3A_266, %dma_wait3A_267] : memref<4x5x128x32xf32, #tpu.memory_space<vmem>> -> memref<1x5x128x32xf32, #tpu.memory_space<vmem>>
    %dma_wait3A_269 = tpu.memref_squeeze %dma_wait3A_268 : memref<1x5x128x32xf32, #tpu.memory_space<vmem>> -> memref<5x128x32xf32, #tpu.memory_space<vmem>>
    tpu.wait_dma2 semaphore(%dma_wait3A_261 : memref<!tpu.dma_semaphore, #tpu.memory_space<semaphore_mem>>) src(%dma_wait3A_269 : memref<5x128x32xf32, #tpu.memory_space<vmem>>) dst(%dma_wait3A_264 : memref<5x128x32xf32, #tpu.memory_space<hbm>>)
    %add3A_270 = arith.constant 185 : i32
    %add3A_271 = arith.addi %mul3A_2, %add3A_270 : i32
    %dma_wait3A_272 = arith.constant 1 : i32
    %dma_wait3A_273 = arith.constant 1 : i32
    %dma_wait3A_274 = arith.constant 0 : i32
    %dma_wait3A_275 = arith.constant 0 : i32
    %dma_wait3A_276 = arith.constant 0 : i32
    %dma_wait3A_277 = tpu.memref_slice %arg6[%dma_wait3A_272, %dma_wait3A_274, %dma_wait3A_275, %dma_wait3A_276] : memref<4x5x128x32xf32, #tpu.memory_space<vmem>> -> memref<1x5x128x32xf32, #tpu.memory_space<vmem>>
    %dma_wait3A_278 = tpu.memref_squeeze %dma_wait3A_277 : memref<1x5x128x32xf32, #tpu.memory_space<vmem>> -> memref<5x128x32xf32, #tpu.memory_space<vmem>>
    %dma_wait3A_279 = arith.constant 0 : i32
    %dma_wait3A_280 = arith.constant 0 : i32
    %dma_wait3A_281 = tpu.memref_slice %arg4[%add3A_271, %dma_wait3A_279, %dma_wait3A_280] : memref<6400x128x32xf32, #tpu.memory_space<hbm>> -> memref<5x128x32xf32, #tpu.memory_space<hbm>>
    %dma_wait3A_282 = tpu.memref_slice %arg9[%dma_wait3A_273] : memref<4x!tpu.dma_semaphore, #tpu.memory_space<semaphore_mem>> -> memref<1x!tpu.dma_semaphore, #tpu.memory_space<semaphore_mem>>
    %dma_wait3A_283 = tpu.memref_squeeze %dma_wait3A_282 : memref<1x!tpu.dma_semaphore, #tpu.memory_space<semaphore_mem>> -> memref<!tpu.dma_semaphore, #tpu.memory_space<semaphore_mem>>
    %dma_wait3A_284 = arith.constant 0 : i32
    %dma_wait3A_285 = arith.constant 0 : i32
    %dma_wait3A_286 = tpu.memref_slice %arg4[%add3A_271, %dma_wait3A_284, %dma_wait3A_285] : memref<6400x128x32xf32, #tpu.memory_space<hbm>> -> memref<5x128x32xf32, #tpu.memory_space<hbm>>
    %dma_wait3A_287 = arith.constant 0 : i32
    %dma_wait3A_288 = arith.constant 0 : i32
    %dma_wait3A_289 = arith.constant 0 : i32
    %dma_wait3A_290 = tpu.memref_slice %arg6[%dma_wait3A_272, %dma_wait3A_287, %dma_wait3A_288, %dma_wait3A_289] : memref<4x5x128x32xf32, #tpu.memory_space<vmem>> -> memref<1x5x128x32xf32, #tpu.memory_space<vmem>>
    %dma_wait3A_291 = tpu.memref_squeeze %dma_wait3A_290 : memref<1x5x128x32xf32, #tpu.memory_space<vmem>> -> memref<5x128x32xf32, #tpu.memory_space<vmem>>
    tpu.wait_dma2 semaphore(%dma_wait3A_283 : memref<!tpu.dma_semaphore, #tpu.memory_space<semaphore_mem>>) src(%dma_wait3A_291 : memref<5x128x32xf32, #tpu.memory_space<vmem>>) dst(%dma_wait3A_286 : memref<5x128x32xf32, #tpu.memory_space<hbm>>)
    %add3A_292 = arith.constant 190 : i32
    %add3A_293 = arith.addi %mul3A_2, %add3A_292 : i32
    %dma_wait3A_294 = arith.constant 2 : i32
    %dma_wait3A_295 = arith.constant 2 : i32
    %dma_wait3A_296 = arith.constant 0 : i32
    %dma_wait3A_297 = arith.constant 0 : i32
    %dma_wait3A_298 = arith.constant 0 : i32
    %dma_wait3A_299 = tpu.memref_slice %arg6[%dma_wait3A_294, %dma_wait3A_296, %dma_wait3A_297, %dma_wait3A_298] : memref<4x5x128x32xf32, #tpu.memory_space<vmem>> -> memref<1x5x128x32xf32, #tpu.memory_space<vmem>>
    %dma_wait3A_300 = tpu.memref_squeeze %dma_wait3A_299 : memref<1x5x128x32xf32, #tpu.memory_space<vmem>> -> memref<5x128x32xf32, #tpu.memory_space<vmem>>
    %dma_wait3A_301 = arith.constant 0 : i32
    %dma_wait3A_302 = arith.constant 0 : i32
    %dma_wait3A_303 = tpu.memref_slice %arg4[%add3A_293, %dma_wait3A_301, %dma_wait3A_302] : memref<6400x128x32xf32, #tpu.memory_space<hbm>> -> memref<5x128x32xf32, #tpu.memory_space<hbm>>
    %dma_wait3A_304 = tpu.memref_slice %arg9[%dma_wait3A_295] : memref<4x!tpu.dma_semaphore, #tpu.memory_space<semaphore_mem>> -> memref<1x!tpu.dma_semaphore, #tpu.memory_space<semaphore_mem>>
    %dma_wait3A_305 = tpu.memref_squeeze %dma_wait3A_304 : memref<1x!tpu.dma_semaphore, #tpu.memory_space<semaphore_mem>> -> memref<!tpu.dma_semaphore, #tpu.memory_space<semaphore_mem>>
    %dma_wait3A_306 = arith.constant 0 : i32
    %dma_wait3A_307 = arith.constant 0 : i32
    %dma_wait3A_308 = tpu.memref_slice %arg4[%add3A_293, %dma_wait3A_306, %dma_wait3A_307] : memref<6400x128x32xf32, #tpu.memory_space<hbm>> -> memref<5x128x32xf32, #tpu.memory_space<hbm>>
    %dma_wait3A_309 = arith.constant 0 : i32
    %dma_wait3A_310 = arith.constant 0 : i32
    %dma_wait3A_311 = arith.constant 0 : i32
    %dma_wait3A_312 = tpu.memref_slice %arg6[%dma_wait3A_294, %dma_wait3A_309, %dma_wait3A_310, %dma_wait3A_311] : memref<4x5x128x32xf32, #tpu.memory_space<vmem>> -> memref<1x5x128x32xf32, #tpu.memory_space<vmem>>
    %dma_wait3A_313 = tpu.memref_squeeze %dma_wait3A_312 : memref<1x5x128x32xf32, #tpu.memory_space<vmem>> -> memref<5x128x32xf32, #tpu.memory_space<vmem>>
    tpu.wait_dma2 semaphore(%dma_wait3A_305 : memref<!tpu.dma_semaphore, #tpu.memory_space<semaphore_mem>>) src(%dma_wait3A_313 : memref<5x128x32xf32, #tpu.memory_space<vmem>>) dst(%dma_wait3A_308 : memref<5x128x32xf32, #tpu.memory_space<hbm>>)
    %add3A_314 = arith.constant 195 : i32
    %add3A_315 = arith.addi %mul3A_2, %add3A_314 : i32
    %dma_wait3A_316 = arith.constant 3 : i32
    %dma_wait3A_317 = arith.constant 3 : i32
    %dma_wait3A_318 = arith.constant 0 : i32
    %dma_wait3A_319 = arith.constant 0 : i32
    %dma_wait3A_320 = arith.constant 0 : i32
    %dma_wait3A_321 = tpu.memref_slice %arg6[%dma_wait3A_316, %dma_wait3A_318, %dma_wait3A_319, %dma_wait3A_320] : memref<4x5x128x32xf32, #tpu.memory_space<vmem>> -> memref<1x5x128x32xf32, #tpu.memory_space<vmem>>
    %dma_wait3A_322 = tpu.memref_squeeze %dma_wait3A_321 : memref<1x5x128x32xf32, #tpu.memory_space<vmem>> -> memref<5x128x32xf32, #tpu.memory_space<vmem>>
    %dma_wait3A_323 = arith.constant 0 : i32
    %dma_wait3A_324 = arith.constant 0 : i32
    %dma_wait3A_325 = tpu.memref_slice %arg4[%add3A_315, %dma_wait3A_323, %dma_wait3A_324] : memref<6400x128x32xf32, #tpu.memory_space<hbm>> -> memref<5x128x32xf32, #tpu.memory_space<hbm>>
    %dma_wait3A_326 = tpu.memref_slice %arg9[%dma_wait3A_317] : memref<4x!tpu.dma_semaphore, #tpu.memory_space<semaphore_mem>> -> memref<1x!tpu.dma_semaphore, #tpu.memory_space<semaphore_mem>>
    %dma_wait3A_327 = tpu.memref_squeeze %dma_wait3A_326 : memref<1x!tpu.dma_semaphore, #tpu.memory_space<semaphore_mem>> -> memref<!tpu.dma_semaphore, #tpu.memory_space<semaphore_mem>>
    %dma_wait3A_328 = arith.constant 0 : i32
    %dma_wait3A_329 = arith.constant 0 : i32
    %dma_wait3A_330 = tpu.memref_slice %arg4[%add3A_315, %dma_wait3A_328, %dma_wait3A_329] : memref<6400x128x32xf32, #tpu.memory_space<hbm>> -> memref<5x128x32xf32, #tpu.memory_space<hbm>>
    %dma_wait3A_331 = arith.constant 0 : i32
    %dma_wait3A_332 = arith.constant 0 : i32
    %dma_wait3A_333 = arith.constant 0 : i32
    %dma_wait3A_334 = tpu.memref_slice %arg6[%dma_wait3A_316, %dma_wait3A_331, %dma_wait3A_332, %dma_wait3A_333] : memref<4x5x128x32xf32, #tpu.memory_space<vmem>> -> memref<1x5x128x32xf32, #tpu.memory_space<vmem>>
    %dma_wait3A_335 = tpu.memref_squeeze %dma_wait3A_334 : memref<1x5x128x32xf32, #tpu.memory_space<vmem>> -> memref<5x128x32xf32, #tpu.memory_space<vmem>>
    tpu.wait_dma2 semaphore(%dma_wait3A_327 : memref<!tpu.dma_semaphore, #tpu.memory_space<semaphore_mem>>) src(%dma_wait3A_335 : memref<5x128x32xf32, #tpu.memory_space<vmem>>) dst(%dma_wait3A_330 : memref<5x128x32xf32, #tpu.memory_space<hbm>>)
    return
  }
}

</mosaic_0001>

<sc_bundles>
// kernel: kernel.3.cloned.1.call-start
scs
__scs_entry_jumppad:
0x0: {  	(pc) =	sbr.rel $0x88, $3  }
0x1: {  	(tag) =	ssettag $0x0;
	lr =	simm.s32 $0x1  }
0x2: {  	[smem:$0x3F9F] =	sst lr;
	_ =	strace $0xD0000000  }
0x3: {  	_ = 	snop  }
0x4: {  	_ = 	snop  }
0x5: {  	_ = 	snop  }
0x6: {  	_ = 	snop  }
0x7: {  	_ = 	snop  }
__scs_overlays_trampoline_lowered:
0x8: {  	[smem:$0x3FAE] =	sst s0  }
0x9: {  	[smem:$0x3FAF] =	sst s1  }
0xa: {  	[smem:$0x3FB0] =	sst s2  }
0xb: {  	[smem:$0x3FB1] =	sst s3  }
0xc: {  	[smem:$0x3FB2] =	sst s4  }
0xd: {  	[smem:$0x3FB3] =	sst s5  }
0xe: {  	[smem:$0x3FB4] =	sst s6  }
0xf: {  	[smem:$0x3FB5] =	sst s7  }
0x10: {  	[smem:$0x3FB6] =	sst s8  }
0x11: {  	[smem:$0x3FB7] =	sst s9;
	s0 =	simm.s32 @!p0 $0x0  }
0x12: {  	s1 =	sld [smem:$0x3F9D];
	s0 =	simm.s32 @p0 $0x1  }
0x13: {  	[smem:$0x3FB8] =	sst s0;
	s0 =	simm.s32 @!p1 $0x0  }
0x14: {  	s2 =	sld [smem:$0x3F9C];
	s0 =	simm.s32 @p1 $0x1  }
0x15: {  	[smem:$0x3FB9] =	sst s0;
	s0 =	simm.s32 @!p2 $0x0  }
0x16: {  	s3 =	sld [smem:$0x3FDB];
	s0 =	simm.s32 @p2 $0x1  }
0x17: {  	s4 =	simm.s32 $0x1BF5;
	[smem:$0x3FBB] =	sst s0  }
0x18: {  	s0 =	sld [smem:$0x3F9E];
	_ =	swait.ge [sflag:s4], $0x0  }
0x19: {  	s7 =	sld [smem:$0x3F9F]  }
0x1a: {  	s8 =	sadd.s32 $0xFFFFE003, lr  }
0x1b: {  	s9 =	sadd.s32 $0xFFFFFEF7, lr;
	s5 =	simm.s32 $0xFFFFFFFF;
	p2 =	slt.u32 s8, $0xFFFFF086  }
0x1c: {  	p1 =	slt.u32 s9, $0xF7A;
	s5 =	simm.s32 @!p2 $0x0  }
0x1d: {  	s5 =	simm.s32 @p1 $0x1;
	p0 =	seq.s32 s7, s2  }
0x1e: {  	s7 =	smul.u32 @!p0 $0xF7A, s2;
	p2 =	seq.s32 @!p0 s5, $0x0  }
0x1f: {  	s9 =	smul.u32 $0xF7A, s1;
	s8 =	simm.s32 @!p0 $0x1BF5;
	p2 =	por !p2, p0  }
0x20: {  	[sflag:s8] =	ssyncset.s32 @!p0 $0xFFFFF086;
	s6 =	sadd.s32 @!p0 s3, s7;
	s7 =	simm.s32 @!p0 $0x108  }
0x21: {  	s3 =	sadd.s32 s3, s9;
	s6 =	sadd.s32 @!p0 $0x88, s6;
	s7 =	simm.s32 @p2 $0x1082  }
0x22: {  	[simem:s7], [sflag:s8] =	dma.local @!p0 [hbm:s6], $0xF7A  }
0x23: {  	s9 =	sor.u32 $0xD0000000, s2;
	s6 =	simm.s32 $0x108;
	_ =	swait.ge @!p0 [sflag:s8], $0x0  }
0x24: {  	s3 =	sadd.s32 $0x88, s3;
	s6 =	simm.s32 @!p1 $0x1082;
	[sflag:s4] =	ssyncset.s32 $0xFFFFF086  }
0x25: {  	[simem:s6], [sflag:s4] =	dma.local [hbm:s3], $0xF7A  }
0x26: {  	[smem:$0x3F9F] =	sst s1;
	(tag) =	ssettag s2;
	_ =	strace s9  }
0x27: {  	s1 =	sld [smem:$0x3FAF]  }
0x28: {  	s2 =	sld [smem:$0x3FB0]  }
0x29: {  	s4 =	sld [smem:$0x3FB2]  }
0x2a: {  	p0 =	seq.s32 s5, $0x0;
	s5 =	sld [smem:$0x3FB3]  }
0x2b: {  	s6 =	sld [smem:$0x3FB4]  }
0x2c: {  	s7 =	sld [smem:$0x3FB5]  }
0x2d: {  	s3 =	simm.s32 $0x108;
	s8 =	sld [smem:$0x3FB6]  }
0x2e: {  	s3 =	simm.s32 @!p0 $0x1082;
	s9 =	sld [smem:$0x3FB7]  }
0x2f: {  	lr =	sadd.s32 s0, s3;
	s0 =	sld [smem:$0x3FAE]  }
0x30: {  	s3 =	sld [smem:$0x3FB1]  }
0x31: {  	[smem:$0x3FBA] =	sst s10  }
0x32: {  	s10 =	sld [smem:$0x3FB8];
	_ =	sdelay $0x3  }
0x33: {  	p0 =	seq.s32 s10, $0x1;
	s10 =	sld [smem:$0x3FBA];
	_ =	sdelay $0x3  }
0x34: {  	[smem:$0x3FBA] =	sst s10  }
0x35: {  	s10 =	sld [smem:$0x3FB9];
	_ =	sdelay $0x3  }
0x36: {  	p1 =	seq.s32 s10, $0x1;
	s10 =	sld [smem:$0x3FBA];
	_ =	sdelay $0x3  }
0x37: {  	[smem:$0x3FBA] =	sst s10  }
0x38: {  	s10 =	sld [smem:$0x3FBB]  }
0x39: {  	_ = 	snop;
	(pc) =	sbr.ind lr, $3  }
0x3a: {  	_ = 	snop  }
0x3b: {  	_ = 	snop  }
0x3c: {  	p2 =	seq.s32 s10, $0x1;
	s10 =	sld [smem:$0x3FBA]  }
0x3d: {  	_ =	shalt  }
0x3e: {  	_ =	shalt  }
0x3f: {  	_ =	shalt  }
0x40: {  	_ =	shalt  }
0x41: {  	_ =	shalt  }
0x42: {  	_ =	shalt  }
0x43: {  	_ =	shalt  }
0x44: {  	_ =	shalt  }
0x45: {  	_ =	shalt  }
0x46: {  	_ =	shalt  }
0x47: {  	_ =	shalt  }
0x48: {  	_ =	shalt  }
0x49: {  	_ =	shalt  }
0x4a: {  	_ =	shalt  }
0x4b: {  	_ =	shalt  }
0x4c: {  	_ =	shalt  }
0x4d: {  	_ =	shalt  }
0x4e: {  	_ =	shalt  }
0x4f: {  	_ =	shalt  }
0x50: {  	_ =	shalt  }
0x51: {  	_ =	shalt  }
0x52: {  	_ =	shalt  }
0x53: {  	_ =	shalt  }
0x54: {  	_ =	shalt  }
0x55: {  	_ =	shalt  }
0x56: {  	_ =	shalt  }
0x57: {  	_ =	shalt  }
0x58: {  	_ =	shalt  }
0x59: {  	_ =	shalt  }
0x5a: {  	_ =	shalt  }
0x5b: {  	_ =	shalt  }
0x5c: {  	_ =	shalt  }
0x5d: {  	_ =	shalt  }
0x5e: {  	_ =	shalt  }
0x5f: {  	_ =	shalt  }
0x60: {  	_ =	shalt  }
0x61: {  	_ =	shalt  }
0x62: {  	_ =	shalt  }
0x63: {  	_ =	shalt  }
0x64: {  	_ =	shalt  }
0x65: {  	_ =	shalt  }
0x66: {  	_ =	shalt  }
0x67: {  	_ =	shalt  }
0x68: {  	_ =	shalt  }
0x69: {  	_ =	shalt  }
0x6a: {  	_ =	shalt  }
0x6b: {  	_ =	shalt  }
0x6c: {  	_ =	shalt  }
0x6d: {  	_ =	shalt  }
0x6e: {  	_ =	shalt  }
0x6f: {  	_ =	shalt  }
0x70: {  	_ =	shalt  }
0x71: {  	_ =	shalt  }
0x72: {  	_ =	shalt  }
0x73: {  	_ =	shalt  }
0x74: {  	_ =	shalt  }
0x75: {  	_ =	shalt  }
0x76: {  	_ =	shalt  }
0x77: {  	_ =	shalt  }
0x78: {  	_ =	shalt  }
0x79: {  	_ =	shalt  }
0x7a: {  	_ =	shalt  }
0x7b: {  	_ =	shalt  }
0x7c: {  	_ =	shalt  }
0x7d: {  	_ =	shalt  }
0x7e: {  	_ =	shalt  }
0x7f: {  	_ =	shalt  }
0x80: {  	_ =	shalt  }
0x81: {  	_ =	shalt  }
0x82: {  	_ =	shalt  }
0x83: {  	_ =	shalt  }
0x84: {  	_ =	shalt  }
0x85: {  	_ =	shalt  }
0x86: {  	_ =	shalt  }
0x87: {  	_ =	shalt  }
.Lfunc_end0:
.L_simem_size_0:
called_computation.2_lowered:
.L_overlay_start_0:
0x88: {  	s2 =	sld [smem:$0x3FD9]  }
0x89: {  	s3 =	sld [smem:$0x3FFE];
	_ =	sdelay $0x1  }
0x8a: {  	s1 =	srdreg.scid  }
0x8b: {  	s0 =	sand.u32 $0x1, s1  }
0x8c: {  	s17 =	sshll.u32 s0, $0xA;
	s2 =	sadd.s32 s3, s2  }
0x8d: {  	s2 =	sadd.s32 s2, s17  }
0x8e: {  	[smem:$0x3FC6] =	sst s2  }
0x8f: {  	_ = 	snop  }
0x90: {  	s2 =	sld [smem:$0x3FD0];
	(tm) =	ssettm $0x1  }
0x91: {  	s18 =	sld [smem:$0x3FFB];
	_ =	sdelay $0x3  }
0x92: {  	_ =	strace s18  }
0x93: {  	s3 =	sld [smem:$0x3FFC];
	_ =	sdelay $0x3  }
0x94: {  	_ =	strace s3  }
0x95: {  	s3 =	sld [smem:$0x3FFD];
	_ =	sdelay $0x3  }
0x96: {  	_ =	strace s3  }
0x97: {  	_ =	strace $0x8FFFFFFF  }
0x98: {  	s19 =	sld [smem:$0x3FDB];
	_ =	sdelay $0x1  }
0x99: {  	s4 =	simm.s32 $_scs_section_size  }
0x9a: {  	s5 =	simm.s32 $_size__tile_overlayer_lowered;
	s6 =	simm.s32 $_tile_overlayer_lowered  }
0x9b: {  	s22 =	simm.s32 $0x1BFF;
	s21 =	sshll.u32 s6, $0x1;
	s3 =	sadd.s32 s4, s19  }
0x9c: {  	s7 =	simm.s32 $0x0;
	s20 =	sshll.u32 s5, $0x1;
	s5 =	sadd.s32 s21, s3  }
0x9d: {  	[timem:s7], [sflag:s22] =	dma.local [hbm:s5], s20  }
0x9e: {  	_ =	swait.ge [sflag:s22], s20  }
0x9f: {  	s4 =	ssub.s32 $0x0, s20;
	[sflag:s22] =	ssyncset.done $0x0  }
0xa0: {  	[sflag:s22] =	ssyncadd.s32 s4;
	_ =	sdelay $0x1  }
0xa1: {  	s23 =	simm.s32 $0x1B8B  }
0xa2: {  	_ =	swait.ge [sflag:s23], $0x1  }
0xa3: {  	[sflag:s23] =	ssyncset.done $0x0  }
0xa4: {  	s25 =	simm.s32 $0x1B8E;
	s24 =	sld [smem:$0x3FFE];
	[sflag:s23] =	ssyncadd.s32 $0xFFFFFFFF  }
0xa5: {  	s26 =	simm.s32 $execute0_lowered;
	[smem:$0x3FD2] =	sst s25  }
0xa6: {  	s5 =	sshll.u32 s26, $0x1;
	_ =	strace $0x80000046;
	[dreg:$0x1] =	wrdreg $0xFFFFFFFF  }
0xa7: {  	s28 =	simm.s32 $_size_execute0_lowered;
	s3 =	sadd.s32 s3, s5;
	[dreg:$0x0] =	wrdreg $0x0  }
0xa8: {  	s5 =	sshll.u32 s28, $0x1;
	[dreg:$0x2] =	wrdreg s3  }
0xa9: {  	[dreg:$0x3] =	wrdreg s5  }
0xaa: {  	[dreg:$0x4] =	wrdreg $0xC0  }
0xab: {  	_ =	task [dreg:s7], $0x5FFFF  }
0xac: {  	[dreg:$0x1] =	wrdreg $0xFFFFFFFF  }
0xad: {  	[dreg:$0x0] =	wrdreg $0x60  }
0xae: {  	[dreg:$0x2] =	wrdreg s24  }
0xaf: {  	[dreg:$0x3] =	wrdreg s2  }
0xb0: {  	[dreg:$0x4] =	wrdreg $0x9  }
0xb1: {  	_ =	task.clear_ibuf [dreg:s7], $0x5FFFF;
	_ =	strace $0x90000046  }
0xb2: {  	s29 =	simm.s32 $0x9;
	_ =	strace $0x80000048  }
0xb3: {  	_ =	swait.ge [sflag:s29], $0x1  }
0xb4: {  	[sflag:s29] =	ssyncadd.s32 $0xFFFFFFFF  }
0xb5: {  	_ =	strace $0x90000048  }
0xb6: {  	_ =	sfence  }
0xb7: {  	s30 =	sld [smem:$0x0];
	_ =	sdelay $0x2  }
0xb8: {  	s31 =	sshll.u32 s1, $0xD;
	s1 =	sshrl.u32 s1, $0x2  }
0xb9: {  	s3 =	sand.u32 $0x4000, s31;
	s1 =	sadd.s32 s1, s30  }
0xba: {  	s0 =	sor.u32 s3, s0;
	s1 =	sshll.u32 s1, $0x11  }
0xbb: {  	s0 =	sor.u32 s1, s0  }
0xbc: {  	s0 =	sadd.s32 $0x8F2B, s0  }
0xbd: {  	[sflag:s0] =	ssyncadd.remote.s32 $0x1  }
0xbe: {  	_ =	sfence.sel $0xFFFF  }
0xbf: {  	[dreg:$0x0] =	wrdreg $0xFFFFFFFF;
	(pc) =	sbr.abs _section_cstart, $3  }
0xc0: {  	[dreg:$0x1] =	wrdreg $0xFFFFFFFF  }
0xc1: {  	_ =	task.clear_ibuf [dreg:s7], $0x2FFFF;
	_ =	strace $0x9FFFFFFF  }
0xc2: {  	(tm) =	ssettm $0x7FFFFFFF  }
0xc3: {  	_ =	shalt  }
tec
execute0_lowered:
.L_overlay_start_1:
0x0: {  	(tag) =	ssettag $0x1  }
0x1: {  	s0 =	rddreg [dreg:$0x0]  }
0x2: {  	s2 =	rddreg [dreg:$0x1]  }
0x3: {  	s1 =	srdreg.scid;
	s10 =	stileid.u32  }
0x4: {  	s3 =	simm.s32 $0x0;
	s28 =	simm.s32 $0x11A00;
	s17 =	smul.u32 $0x190, s10  }
0x5: {  	s29 =	simm.s32 $0x900;
	s1 =	sand.u32 $0x1, s1;
	s24 =	smul.u32 $0x32000, s10  }
0x6: {  	s30 =	simm.s32 $0x12A00;
	s4 =	sshll.u32 s10, $0x1;
	s19 =	smul.u32 $0xC8, s1  }
0x7: {  	s5 =	sor.u32 s1, s4;
	s8 =	ssub.s32 $0x2, s1;
	s1 =	smul.u32 $0x19000, s1  }
0x8: {  	s31 =	simm.s32 $0x980;
	[smem:$0x7FF] =	sst s3;
	s6 =	smul.u32 $0xC80, s5  }
0x9: {  	s7 =	sadd.s32 $0xE00, s0;
	_ =	strace $0x80000047;
	s9 =	smul.u32 $0x6400, s5  }
0xa: {  	s4 =	sadd.s32 $0xF43200, s0;
	s15 =	sshrl.u32 s8, $0x1;
	s5 =	smul.u32 $0xC8000, s5  }
0xb: {  	s0 =	ssub.s32 s8, s15;
	s21 =	sadd.s32 s19, s17;
	s1 =	sadd.s32 s1, s24  }
0xc: {  	s8 =	simm.s32 $0x3;
	s15 =	simm.s32 $0x0;
	s16 =	sshrl.u32 s9, $0x3  }
0xd: {  	s11 =	sadd.s32 s7, s6;
	s5 =	sshrl.u32 s5, $0x3;
	s0 =	smax.u32 s0, $0x1  }
0xe: {  	s22 =	sshll.u32 s21, $0x4;
	s23 =	sshll.u32 s21, $0x9;
	[dreg:$0xa] =	wrdreg s1  }
0xf: {  	s1 =	simm.s32 $0xFA00;
	s9 =	simm.s32 $0x7;
	s18 =	sadd.s32 s7, s16  }
0x10: {  	[dreg:$0x3] =	wrdreg s11;
	s11 =	sadd.s32 $0x50, s11;
	s5 =	sadd.s32 s2, s5  }
0x11: {  	[dreg:$0x8] =	wrdreg s0;
	s0 =	sadd.s32 s7, s22;
	s22 =	simm.s32 $0x80  }
0x12: {  	s7 =	simm.s32 $0x5;
	[dreg:$0x4] =	wrdreg s11;
	s20 =	sadd.s32 $0xA0, s18  }
0x13: {  	s6 =	sadd.s32 $0xF0, s18;
	s5 =	sadd.s32 $0x18600, s5;
	s11 =	sadd.s32 $0x230, s0  }
0x14: {  	s12 =	sadd.s32 $0x1E0, s0;
	s13 =	sadd.s32 $0x190, s0;
	[dreg:$0x5] =	wrdreg s20  }
0x15: {  	s16 =	sadd.s32 $0x140, s0;
	s0 =	simm.s32 $0x2;
	[dreg:$0x6] =	wrdreg s6  }
0x16: {  	[dreg:$0x7] =	wrdreg s5;
	s5 =	sadd.s32 s23, s2;
	s20 =	simm.s32 $0x6  }
0x17: {  	s23 =	simm.s32 $0x4;
	s6 =	simm.s32 $0x13A00;
	s25 =	sadd.s32 $0x1400, s5  }
0x18: {  	s26 =	sadd.s32 $0xA00, s5;
	s5 =	simm.s32 $0xAA00;
	[dreg:$0x9] =	wrdreg s25  }
0x19: {  	[dreg:$0xb] =	wrdreg s26;
	s25 =	simm.s32 $0x10A00;
	s26 =	simm.s32 $0x880  }
.LBB2_1:
0x1a: {  	[dreg:$0xc] =	wrdreg s15  }
0x1b: {  	s10 =	rddreg [dreg:$0x3]  }
0x1c: {  	[tilespmem:s3], [sflag:$0x1] =	stream.linear.gather [hbm4b:s10+s3], $0x280, $0x38;
	[tilespmem:$0x14A00] =	vst v63  }
0x1d: {  	s24 =	rddreg [dreg:$0x4];
	s14 =	simm.s32 $0x280  }
0x1e: {  	[tilespmem:s14], [sflag:$0x2] =	stream.linear.gather [hbm4b:s24+s3], $0x280, $0x38;
	[tilespmem:$0x14A00] =	vst v63  }
0x1f: {  	s15 =	rddreg [dreg:$0x5];
	s17 =	simm.s32 $0x500  }
0x20: {  	[tilespmem:s17], [sflag:$0x3] =	stream.linear.gather [hbm4b:s15+s3], $0x280, $0x38;
	[tilespmem:$0x14A00] =	vst v63  }
0x21: {  	s18 =	rddreg [dreg:$0x6];
	s19 =	simm.s32 $0x780;
	s21 =	simm.s32 $0x1  }
0x22: {  	[tilespmem:s19], [sflag:$0x4] =	stream.linear.gather [hbm4b:s18+s3], $0x280, $0x38;
	[tilespmem:$0x14A00] =	vst v63  }
0x23: {  	_ =	swait.ge [sflag:s21], $0x280  }
0x24: {  	[sflag:s21] =	ssyncset.done $0x0  }
0x25: {  	s24 =	simm.s32 $0xA00;
	[sflag:s21] =	ssyncadd.s32 $0xFFFFFD80  }
0x26: {  	[tilespmem:s24], [sflag:$0x5] =	stream.indirect.gather [hbm4b:s4+s22], $0x20, s3, s22, $0xb8;
	[tilespmem:$0x14A00] =	vst v63  }
0x27: {  	s14 =	simm.s32 $0x1A00;
	s15 =	simm.s32 $0x100  }
0x28: {  	[tilespmem:s14], [sflag:$0x5] =	stream.indirect.gather [hbm4b:s4+s22], $0x20, s22, s22, $0xb8;
	[tilespmem:$0x14A00] =	vst v63  }
0x29: {  	s17 =	simm.s32 $0x2A00;
	s18 =	simm.s32 $0x180;
	s10 =	rddreg [dreg:$0xb]  }
0x2a: {  	[tilespmem:s17], [sflag:$0x5] =	stream.indirect.gather [hbm4b:s4+s22], $0x20, s15, s22, $0xb8;
	[tilespmem:$0x14A00] =	vst v63  }
0x2b: {  	s19 =	simm.s32 $0x3A00;
	s21 =	simm.s32 $0x200;
	s14 =	rddreg [dreg:$0xa]  }
0x2c: {  	[tilespmem:s19], [sflag:$0x5] =	stream.indirect.gather [hbm4b:s4+s22], $0x20, s18, s22, $0xb8;
	[tilespmem:$0x14A00] =	vst v63  }
0x2d: {  	s24 =	simm.s32 $0x4A00;
	s15 =	rddreg [dreg:$0x9];
	s17 =	simm.s32 $0x0  }
0x2e: {  	[tilespmem:s24], [sflag:$0x5] =	stream.indirect.gather [hbm4b:s4+s22], $0x20, s21, s22, $0xb8;
	[tilespmem:$0x14A00] =	vst v63  }
.LBB2_2:
0x2f: {  	_ =	swait.ge [sflag:s0], $0x280  }
0x30: {  	p1 =	seq.s32 s17, $0x0;
	[sflag:s0] =	ssyncset.done $0x0  }
0x31: {  	s21 =	simm.s32 @!p1 $0xA;
	[sflag:s0] =	ssyncadd.s32 $0xFFFFFD80  }
0x32: {  	_ =	swait.ge @!p1 [sflag:s21], $0x5000  }
0x33: {  	[sflag:s21] =	ssyncset.done @!p1 $0x0  }
0x34: {  	s18 =	simm.s32 $0x280;
	s19 =	simm.s32 $0x5A00;
	[sflag:s21] =	ssyncadd.s32 @!p1 $0xFFFFB000  }
0x35: {  	[tilespmem:s19], [sflag:$0x6] =	stream.indirect.gather [hbm4b:s4+s22], $0x20, s18, s22, $0xb8;
	[tilespmem:$0x14A00] =	vst v63  }
0x36: {  	s24 =	simm.s32 $0x6A00;
	s21 =	simm.s32 $0x300  }
0x37: {  	[tilespmem:s24], [sflag:$0x6] =	stream.indirect.gather [hbm4b:s4+s22], $0x20, s21, s22, $0xb8;
	[tilespmem:$0x14A00] =	vst v63  }
0x38: {  	s21 =	simm.s32 $0x380;
	s24 =	simm.s32 $0x7A00  }
0x39: {  	[tilespmem:s24], [sflag:$0x6] =	stream.indirect.gather [hbm4b:s4+s22], $0x20, s21, s22, $0xb8;
	[tilespmem:$0x14A00] =	vst v63  }
0x3a: {  	s21 =	simm.s32 $0x400;
	s24 =	simm.s32 $0x8A00  }
0x3b: {  	[tilespmem:s24], [sflag:$0x6] =	stream.indirect.gather [hbm4b:s4+s22], $0x20, s21, s22, $0xb8;
	[tilespmem:$0x14A00] =	vst v63  }
0x3c: {  	p0 =	seq.s32 s17, $0xB40;
	s19 =	simm.s32 $0x480;
	s21 =	simm.s32 $0x9A00  }
0x3d: {  	[tilespmem:s21], [sflag:$0x6] =	stream.indirect.gather [hbm4b:s4+s22], $0x20, s19, s22, $0xb8;
	[tilespmem:$0x14A00] =	vst v63  }
0x3e: {  	p2 =	seq.s32 @!p0 s17, $0x0;
	_ =	swait.ge [sflag:s7], $0x5000  }
0x3f: {  	p2 =	por p0, !p2;
	[sflag:s7] =	ssyncset.done $0x0  }
0x40: {  	s18 =	sadd.s32 @!p0 s17, s16;
	s21 =	simm.s32 @!p0 $0x0;
	[sflag:s7] =	ssyncadd.s32 $0xFFFFB000  }
0x41: {  	[tilespmem:s21], [sflag:$0x1] =	stream.linear.gather @!p0 [hbm4b:s18+s21], $0x280, $0x38;
	[tilespmem:$0x14A00] =	vst v63  }
0x42: {  	s18 =	sadd.s32 @p2 $0x1FFFF600, s14  }
0x43: {  	s18 =	sand.u32 @p2 $0x1FFFFE00, s18  }
0x44: {  	s18 =	sadd.s32 @p2 s2, s18  }
0x45: {  	[hbm4b:s18+s3] =	stream.linear.scatter @p2 [tilespmem:s1], [sflag:$0xC], $0x5000, $0x38;
	[tilespmem:$0x14A00] =	vst v63  }
0x46: {  	_ =	swait.ge [sflag:s8], $0x280  }
0x47: {  	[sflag:s8] =	ssyncset.done $0x0  }
0x48: {  	s18 =	simm.s32 @!p1 $0xB;
	[sflag:s8] =	ssyncadd.s32 $0xFFFFFD80  }
0x49: {  	_ =	swait.ge @!p1 [sflag:s18], $0x5000  }
0x4a: {  	[sflag:s18] =	ssyncset.done @!p1 $0x0  }
0x4b: {  	s24 =	simm.s32 $0x500;
	[sflag:s18] =	ssyncadd.s32 @!p1 $0xFFFFB000  }
0x4c: {  	[tilespmem:s5], [sflag:$0x7] =	stream.indirect.gather [hbm4b:s4+s22], $0x20, s24, s22, $0xb8;
	[tilespmem:$0x14A00] =	vst v63  }
0x4d: {  	s19 =	simm.s32 $0x580;
	s24 =	simm.s32 $0xBA00  }
0x4e: {  	[tilespmem:s24], [sflag:$0x7] =	stream.indirect.gather [hbm4b:s4+s22], $0x20, s19, s22, $0xb8;
	[tilespmem:$0x14A00] =	vst v63  }
0x4f: {  	s19 =	simm.s32 $0x600;
	s24 =	simm.s32 $0xCA00  }
0x50: {  	[tilespmem:s24], [sflag:$0x7] =	stream.indirect.gather [hbm4b:s4+s22], $0x20, s19, s22, $0xb8;
	[tilespmem:$0x14A00] =	vst v63  }
0x51: {  	s19 =	simm.s32 $0x680;
	s24 =	simm.s32 $0xDA00  }
0x52: {  	[tilespmem:s24], [sflag:$0x7] =	stream.indirect.gather [hbm4b:s4+s22], $0x20, s19, s22, $0xb8;
	[tilespmem:$0x14A00] =	vst v63  }
0x53: {  	s19 =	simm.s32 $0x700;
	s24 =	simm.s32 $0xEA00  }
0x54: {  	[tilespmem:s24], [sflag:$0x7] =	stream.indirect.gather [hbm4b:s4+s22], $0x20, s19, s22, $0xb8;
	[tilespmem:$0x14A00] =	vst v63  }
0x55: {  	_ =	swait.ge [sflag:s20], $0x5000  }
0x56: {  	[sflag:s20] =	ssyncset.done $0x0  }
0x57: {  	s18 =	sadd.s32 @!p0 s17, s13;
	s19 =	simm.s32 @!p0 $0x280;
	[sflag:s20] =	ssyncadd.s32 $0xFFFFB000  }
0x58: {  	[tilespmem:s19], [sflag:$0x2] =	stream.linear.gather @!p0 [hbm4b:s18+s21], $0x280, $0x38;
	[tilespmem:$0x14A00] =	vst v63  }
0x59: {  	s24 =	simm.s32 $0xA00;
	s19 =	sadd.s32 s14, s2  }
0x5a: {  	[hbm4b:s19+s3] =	stream.linear.scatter [tilespmem:s24], [sflag:$0x9], $0x5000, $0x38;
	[tilespmem:$0x14A00] =	vst v63  }
0x5b: {  	_ =	swait.ge [sflag:s23], $0x280  }
0x5c: {  	[sflag:s23] =	ssyncset.done $0x0  }
0x5d: {  	s18 =	simm.s32 @!p1 $0xC;
	[sflag:s23] =	ssyncadd.s32 $0xFFFFFD80  }
0x5e: {  	_ =	swait.ge @!p1 [sflag:s18], $0x5000  }
0x5f: {  	[sflag:s18] =	ssyncset.done @!p1 $0x0  }
0x60: {  	s19 =	simm.s32 $0x780;
	[sflag:s18] =	ssyncadd.s32 @!p1 $0xFFFFB000  }
0x61: {  	[tilespmem:s1], [sflag:$0x8] =	stream.indirect.gather [hbm4b:s4+s22], $0x20, s19, s22, $0xb8;
	[tilespmem:$0x14A00] =	vst v63  }
0x62: {  	s24 =	simm.s32 $0x800  }
0x63: {  	[tilespmem:s25], [sflag:$0x8] =	stream.indirect.gather [hbm4b:s4+s22], $0x20, s24, s22, $0xb8;
	[tilespmem:$0x14A00] =	vst v63  }
0x64: {  	_ = 	snop  }
0x65: {  	[tilespmem:s28], [sflag:$0x8] =	stream.indirect.gather [hbm4b:s4+s22], $0x20, s26, s22, $0xb8;
	[tilespmem:$0x14A00] =	vst v63  }
0x66: {  	_ = 	snop  }
0x67: {  	[tilespmem:s30], [sflag:$0x8] =	stream.indirect.gather [hbm4b:s4+s22], $0x20, s29, s22, $0xb8;
	[tilespmem:$0x14A00] =	vst v63  }
0x68: {  	_ = 	snop  }
0x69: {  	[tilespmem:s6], [sflag:$0x8] =	stream.indirect.gather [hbm4b:s4+s22], $0x20, s31, s22, $0xb8;
	[tilespmem:$0x14A00] =	vst v63  }
0x6a: {  	_ =	swait.ge [sflag:s9], $0x5000  }
0x6b: {  	[sflag:s9] =	ssyncset.done $0x0  }
0x6c: {  	s18 =	simm.s32 @p0 $0x0;
	s19 =	simm.s32 @p0 $0x5A00;
	[sflag:s9] =	ssyncadd.s32 $0xFFFFB000  }
0x6d: {  	[hbm4b:s10+s18] =	stream.linear.scatter @p0 [tilespmem:s19], [sflag:$0xA], $0x5000, $0x38;
	[tilespmem:$0x14A00] =	vst v63  }
0x6e: {  	s18 =	simm.s32 @p0 $0x8  }
0x6f: {  	_ =	swait.ge @p0 [sflag:s18], $0x5000  }
0x70: {  	[sflag:s18] =	ssyncset.done @p0 $0x0  }
0x71: {  	s19 =	simm.s32 @!p0 $0x500;
	[sflag:s18] =	ssyncadd.s32 @p0 $0xFFFFB000;
	s18 =	sadd.s32 @!p0 s17, s12  }
0x72: {  	[tilespmem:s19], [sflag:$0x3] =	stream.linear.gather @!p0 [hbm4b:s18+s21], $0x280, $0x38;
	[tilespmem:$0x14A00] =	vst v63  }
0x73: {  	s18 =	simm.s32 @!p0 $0x5A00  }
0x74: {  	[hbm4b:s10+s21] =	stream.linear.scatter @!p0 [tilespmem:s18], [sflag:$0xA], $0x5000, $0x38;
	[tilespmem:$0x14A00] =	vst v63  }
0x75: {  	s18 =	simm.s32 @!p0 $0x1  }
0x76: {  	_ =	swait.ge @!p0 [sflag:s18], $0x280  }
0x77: {  	[sflag:s18] =	ssyncset.done @!p0 $0x0  }
0x78: {  	[sflag:s18] =	ssyncadd.s32 @!p0 $0xFFFFFD80;
	s18 =	simm.s32 @!p0 $0x9  }
0x79: {  	_ =	swait.ge @!p0 [sflag:s18], $0x5000  }
0x7a: {  	[sflag:s18] =	ssyncset.done @!p0 $0x0  }
0x7b: {  	s19 =	simm.s32 @!p0 $0xA00;
	[sflag:s18] =	ssyncadd.s32 @!p0 $0xFFFFB000;
	s18 =	simm.s32 @!p0 $0x80  }
0x7c: {  	[tilespmem:s19], [sflag:$0x5] =	stream.indirect.gather @!p0 [hbm4b:s4+s18], $0x20, s21, s18, $0xb8;
	[tilespmem:$0x14A00] =	vst v63  }
0x7d: {  	s19 =	simm.s32 @!p0 $0x1A00  }
0x7e: {  	[tilespmem:s19], [sflag:$0x5] =	stream.indirect.gather @!p0 [hbm4b:s4+s18], $0x20, s18, s18, $0xb8;
	[tilespmem:$0x14A00] =	vst v63  }
0x7f: {  	s24 =	simm.s32 @!p0 $0x2A00;
	s19 =	simm.s32 @!p0 $0x100  }
0x80: {  	[tilespmem:s24], [sflag:$0x5] =	stream.indirect.gather @!p0 [hbm4b:s4+s18], $0x20, s19, s18, $0xb8;
	[tilespmem:$0x14A00] =	vst v63  }
0x81: {  	s19 =	simm.s32 @!p0 $0x180;
	s24 =	simm.s32 @!p0 $0x3A00  }
0x82: {  	[tilespmem:s24], [sflag:$0x5] =	stream.indirect.gather @!p0 [hbm4b:s4+s18], $0x20, s19, s18, $0xb8;
	[tilespmem:$0x14A00] =	vst v63  }
0x83: {  	s19 =	simm.s32 @!p0 $0x200;
	s24 =	simm.s32 @!p0 $0x4A00  }
0x84: {  	[tilespmem:s24], [sflag:$0x5] =	stream.indirect.gather @!p0 [hbm4b:s4+s18], $0x20, s19, s18, $0xb8;
	[tilespmem:$0x14A00] =	vst v63  }
0x85: {  	s18 =	simm.s32 @!p0 $0x8  }
0x86: {  	_ =	swait.ge @!p0 [sflag:s18], $0x5000  }
0x87: {  	s19 =	simm.s32 @!p0 $0x780;
	[sflag:s18] =	ssyncset.done @!p0 $0x0  }
0x88: {  	[sflag:s18] =	ssyncadd.s32 @!p0 $0xFFFFB000;
	s18 =	sadd.s32 @!p0 s17, s11;
	s17 =	sadd.s32 $0x140, s17  }
0x89: {  	[tilespmem:s19], [sflag:$0x4] =	stream.linear.gather @!p0 [hbm4b:s18+s21], $0x280, $0x38;
	[tilespmem:$0x14A00] =	vst v63  }
0x8a: {  	p0 =	sne.s32 s17, $0xC80  }
.Ltmp0:
0x8b: {  	_ = 	snop;
	(pc) =	sbr.rel @p0 .LBB2_2-.Ltmp0, $3  }
0x8c: {  	_ =	sdelay $0x1  }
0x8d: {  	[hbm4b:s15+s3] =	stream.linear.scatter [tilespmem:s5], [sflag:$0xB], $0x5000, $0x38;
	[tilespmem:$0x14A00] =	vst v63  }
0x8e: {  	s14 =	sadd.s32 $0x2800, s14;
	s10 =	sadd.s32 $0x2800, s10;
	s15 =	sadd.s32 $0x2800, s15  }
0x8f: {  	s10 =	rddreg [dreg:$0x7];
	s18 =	simm.s32 $0x9  }
0x90: {  	[hbm4b:s10+s3] =	stream.linear.scatter [tilespmem:s1], [sflag:$0xC], $0x5000, $0x38;
	[tilespmem:$0x14A00] =	vst v63  }
0x91: {  	_ =	swait.ge [sflag:s18], $0x5000  }
0x92: {  	[sflag:s18] =	ssyncset.done $0x0  }
0x93: {  	s19 =	simm.s32 $0xA;
	[sflag:s18] =	ssyncadd.s32 $0xFFFFB000  }
0x94: {  	_ =	swait.ge [sflag:s19], $0x5000  }
0x95: {  	[sflag:s19] =	ssyncset.done $0x0  }
0x96: {  	s21 =	simm.s32 $0xB;
	[sflag:s19] =	ssyncadd.s32 $0xFFFFB000  }
0x97: {  	_ =	swait.ge [sflag:s21], $0x5000  }
0x98: {  	[sflag:s21] =	ssyncset.done $0x0  }
0x99: {  	s14 =	simm.s32 $0xC;
	[sflag:s21] =	ssyncadd.s32 $0xFFFFB000  }
0x9a: {  	_ =	swait.ge [sflag:s14], $0x5000  }
0x9b: {  	s15 =	rddreg [dreg:$0xc]  }
0x9c: {  	s24 =	rddreg [dreg:$0x8];
	s15 =	sadd.s32 $0x1, s15  }
0x9d: {  	p0 =	sne.s32 s15, s24  }
.Ltmp1:
0x9e: {  	_ = 	snop;
	(pc) =	sbr.rel @p0 .LBB2_1-.Ltmp1, $3  }
0x9f: {  	_ =	sdelay $0x1  }
0xa0: {  	[sflag:s14] =	ssyncset.done $0x0  }
0xa1: {  	[sflag:s14] =	ssyncadd.s32 $0xFFFFB000  }
0xa2: {  	_ =	sfence.sel $0x180000  }
0xa3: {  	[bflag:$0x0] =	sbarrier.arrive $0xFFFF  }
0xa4: {  	_ =	strace $0x90000047  }
0xa5: {  	s0 =	stileid.u32;
	[bflag:$0x2] =	sbarrier.arrive $0xFFFF  }
0xa6: {  	p0 =	sne.s32 s0, $0x0;
	s0 =	rddreg [dreg:$0x2]  }
0xa7: {  	s0 =	sadd.s32 @!p0 $0x100000, s0  }
0xa8: {  	[sflag:s0] =	ssyncadd.tile.s32 @!p0 $0x1;
	_ =	shalt  }
.Lfunc_end2:
_tile_overlayer_lowered:
.L_overlay_start_2:
0xa9: {  	(tag) =	ssettag $0x2  }
0xaa: {  	s0 =	rddreg [dreg:$0x0];
	s2 =	stileid.u32  }
0xab: {  	s1 =	rddreg [dreg:$0x1];
	p0 =	sne.s32 s2, $0x0  }
0xac: {  	s3 =	rddreg [dreg:$0x2];
	[bflag:$0x3] =	sbarrier.arrive $0xFFFF;
	s2 =	simm.s32 @!p0 $0x1C0D  }
0xad: {  	[timem:s3], [sflag:s2] =	dma.local @!p0 [hbm:s0], s1  }
0xae: {  	s0 =	simm.s32 @!p0 $0xD  }
0xaf: {  	_ =	swait.ge @!p0 [sflag:s0], s1  }
0xb0: {  	s1 =	ssub.s32 @!p0 $0x0, s1;
	[sflag:s0] =	ssyncset.done @!p0 $0x0  }
0xb1: {  	[sflag:s0] =	ssyncadd.s32 @!p0 s1  }
0xb2: {  	[bflag:$0x3] =	sbarrier.arrive $0xFFFF  }
0xb3: {  	_ =	shalt  }

// kernel: sparse-core-data-format-call.1.cloned.1.call-start
scs
called_computation.1_lowered:
.L_overlay_start_0:
0x0: {  	s2 =	sld [smem:$0x3FD9]  }
0x1: {  	s3 =	sld [smem:$0x3FFE];
	_ =	sdelay $0x1  }
0x2: {  	s1 =	srdreg.scid  }
0x3: {  	s0 =	sand.u32 $0x1, s1  }
0x4: {  	s18 =	sshll.u32 s0, $0xA;
	s2 =	sadd.s32 s3, s2  }
0x5: {  	s2 =	sadd.s32 s2, s18  }
0x6: {  	[smem:$0x3FC6] =	sst s2  }
0x7: {  	_ = 	snop  }
0x8: {  	s2 =	sld [smem:$0x3FD0];
	(tm) =	ssettm $0x1  }
0x9: {  	s19 =	sld [smem:$0x3FFB];
	_ =	sdelay $0x3  }
0xa: {  	_ =	strace s19  }
0xb: {  	s3 =	sld [smem:$0x3FFC];
	_ =	sdelay $0x3  }
0xc: {  	_ =	strace s3  }
0xd: {  	s3 =	sld [smem:$0x3FFD];
	_ =	sdelay $0x3  }
0xe: {  	_ =	strace s3  }
0xf: {  	_ =	strace $0x8FFFFFFF  }
0x10: {  	s20 =	sld [smem:$0x3FDB];
	_ =	sdelay $0x1  }
0x11: {  	s4 =	simm.s32 $_scs_section_size  }
0x12: {  	s5 =	simm.s32 $_size__tile_overlayer_lowered;
	s6 =	simm.s32 $_tile_overlayer_lowered  }
0x13: {  	s23 =	simm.s32 $0x1BFF;
	s22 =	sshll.u32 s6, $0x1;
	s3 =	sadd.s32 s4, s20  }
0x14: {  	s7 =	simm.s32 $0x0;
	s21 =	sshll.u32 s5, $0x1;
	s5 =	sadd.s32 s22, s3  }
0x15: {  	[timem:s7], [sflag:s23] =	dma.local [hbm:s5], s21  }
0x16: {  	_ =	swait.ge [sflag:s23], s21  }
0x17: {  	s4 =	ssub.s32 $0x0, s21;
	[sflag:s23] =	ssyncset.done $0x0  }
0x18: {  	[sflag:s23] =	ssyncadd.s32 s4;
	_ =	sdelay $0x1  }
0x19: {  	s24 =	simm.s32 $0x1B8B  }
0x1a: {  	_ =	swait.ge [sflag:s24], $0x1  }
0x1b: {  	[sflag:s24] =	ssyncset.done $0x0  }
0x1c: {  	s26 =	simm.s32 $0x1B8E;
	s25 =	sld [smem:$0x3FFE];
	[sflag:s24] =	ssyncadd.s32 $0xFFFFFFFF  }
0x1d: {  	s27 =	simm.s32 $execute0_lowered;
	[smem:$0x3FD2] =	sst s26  }
0x1e: {  	s5 =	sshll.u32 s27, $0x1;
	_ =	strace $0x80000049;
	[dreg:$0x1] =	wrdreg $0xFFFFFFFF  }
0x1f: {  	s28 =	simm.s32 $_size_execute0_lowered;
	s3 =	sadd.s32 s3, s5;
	[dreg:$0x0] =	wrdreg $0x0  }
0x20: {  	s5 =	sshll.u32 s28, $0x1;
	[dreg:$0x2] =	wrdreg s3  }
0x21: {  	[dreg:$0x3] =	wrdreg s5  }
0x22: {  	[dreg:$0x4] =	wrdreg $0xC0  }
0x23: {  	_ =	task [dreg:s7], $0x5FFFF  }
0x24: {  	[dreg:$0x1] =	wrdreg $0xFFFFFFFF  }
0x25: {  	[dreg:$0x0] =	wrdreg $0x60  }
0x26: {  	[dreg:$0x2] =	wrdreg s25  }
0x27: {  	[dreg:$0x3] =	wrdreg s2  }
0x28: {  	[dreg:$0x4] =	wrdreg $0x9  }
0x29: {  	_ =	task.clear_ibuf [dreg:s7], $0x5FFFF;
	_ =	strace $0x90000049  }
0x2a: {  	s29 =	simm.s32 $0x9;
	_ =	strace $0x8000004B  }
0x2b: {  	_ =	swait.ge [sflag:s29], $0x1  }
0x2c: {  	[sflag:s29] =	ssyncadd.s32 $0xFFFFFFFF  }
0x2d: {  	_ =	strace $0x9000004B  }
0x2e: {  	_ =	sfence  }
0x2f: {  	s30 =	sld [smem:$0x0];
	_ =	sdelay $0x2  }
0x30: {  	s31 =	sshll.u32 s1, $0xD;
	s1 =	sshrl.u32 s1, $0x2  }
0x31: {  	s3 =	sand.u32 $0x4000, s31;
	s1 =	sadd.s32 s1, s30  }
0x32: {  	s0 =	sor.u32 s3, s0;
	s1 =	sshll.u32 s1, $0x11  }
0x33: {  	s0 =	sor.u32 s1, s0  }
0x34: {  	s0 =	sadd.s32 $0x8F2B, s0  }
0x35: {  	[sflag:s0] =	ssyncadd.remote.s32 $0x1  }
0x36: {  	_ =	sfence.sel $0xFFFF  }
0x37: {  	[dreg:$0x0] =	wrdreg $0xFFFFFFFF;
	(pc) =	sbr.abs _section_cstart, $3  }
0x38: {  	[dreg:$0x1] =	wrdreg $0xFFFFFFFF  }
0x39: {  	_ =	task.clear_ibuf [dreg:s7], $0x2FFFF;
	_ =	strace $0x9FFFFFFF  }
0x3a: {  	(tm) =	ssettm $0x7FFFFFFF  }
0x3b: {  	_ =	shalt  }
tec
execute0_lowered:
.L_overlay_start_1:
0x0: {  	(tag) =	ssettag $0x1  }
0x1: {  	s0 =	srdreg.scid  }
0x2: {  	s5 =	rddreg [dreg:$0x0];
	s1 =	sshll.u32 s0, $0x4  }
0x3: {  	s2 =	rddreg [dreg:$0x1];
	s0 =	stileid.u32;
	s1 =	sand.u32 $0x10, s1  }
0x4: {  	s4 =	simm.s32 $0x1;
	s8 =	simm.s32 $0x2;
	s1 =	sor.u32 s0, s1  }
0x5: {  	s12 =	simm.s32 $0x0;
	s9 =	simm.s32 $0xC8000;
	s3 =	sshll.u32 s1, $0x2  }
0x6: {  	s11 =	simm.s32 $0x0;
	s5 =	sadd.s32 $0xE00, s5;
	s6 =	ssub.s32 $0x1900, s3  }
.Ltmp0:
0x7: {  	s1 =	rddreg [dreg:$0x2];
	s7 =	sand.u32 $0x7C, s6;
	(pc) =	sbr.rel .LBB1_1-.Ltmp0, $4  }
0x8: {  	_ =	strace $0x8000004A;
	p0 =	sne.s32 s7, $0x0;
	s7 =	simm.s32 $0x1  }
0x9: {  	[sflag:s4] =	ssyncpa.u1 $0x0;
	s6 =	sshrl.u32 s6, $0x7;
	s7 =	simm.s32 @!p0 $0x0  }
0xa: {  	s10 =	smov.u32 s3;
	[sflag:s8] =	ssyncpa.u1 $0x0;
	s6 =	sadd.s32 s7, s6  }
0xb: {  	s8 =	simm.s32 $0x200;
	p0 =	por $0x0, $0x0;
	s7 =	sadd.s32 $0x1, s6  }
.LBB1_7:
0xc: {  	s14 =	sadd.s32 $0x80, s10  }
0xd: {  	p2 =	sgt.s32 s14, $0x18FF  }
0xe: {  	s14 =	smov.u32 @p2 s3;
	p2 =	sne.s32 s11, s7  }
.Ltmp1:
0xf: {  	p1 =	slt.u32 s11, $0x2;
	(pc) =	sbr.rel @!p2 .LBB1_8-.Ltmp1, $4  }
0x10: {  	s13 =	simm.s32 @!p1 $0x2  }
0x11: {  	s15 =	sadd.s32 $0x1, s11;
	_ =	swait.ge @!p1 [sflag:s13], $0x4000  }
0x12: {  	s12 =	smov.u32 s10;
	p0 =	por !p0, !p0;
	[sflag:s13] =	ssyncset.done @!p1 $0x0  }
0x13: {  	s11 =	smov.u32 s15;
	s10 =	smov.u32 s14;
	[sflag:s13] =	ssyncadd.s32 @!p1 $0xFFFFC000  }
.LBB1_1:
0x14: {  	p1 =	sge.u32 s11, s6  }
0x15: {  	s31 =	sadd.s32 $0xFFFFFFFF, s11;
	s13 =	sxor.u32 @!p1 $0xFFFFFFFF, s11  }
0x16: {  	s14 =	sshll.u32 @!p1 s10, $0xB;
	s15 =	simm.s32 @!p1 $0x20;
	s13 =	sshll.u32 @!p1 s13, $0xE  }
0x17: {  	s16 =	simm.s32 @!p1 $0x80;
	s14 =	sadd.s32 @!p1 s5, s14;
	s13 =	sand.u32 @!p1 $0x4000, s13  }
0x18: {  	[tilespmem:s13], [sflag:$0x1] =	stream.strided.gather @!p1 [hbm4b:s14+s15], $0x4000, s16, s15, $0x38;
	[tilespmem:$0x10100] =	vst v63  }
0x19: {  	p1 =	sge.u32 s31, s6  }
.Ltmp2:
0x1a: {  	_ = 	snop;
	(pc) =	sbr.rel @p1 .LBB1_7-.Ltmp2, $1  }
0x1b: {  	_ =	sdelay $0x3  }
0x1c: {  	s13 =	simm.s32 $0x1;
	s15 =	sand.u32 $0x1, s11  }
0x1d: {  	_ =	swait.ge [sflag:s4], $0x4000;
	s13 =	simm.s32 @!p0 $0x0;
	s16 =	smul.u32 $0x10200, s15  }
0x1e: {  	[sflag:s4] =	ssyncset.done $0x0;
	s14 =	smul.u32 $0x10200, s13  }
0x1f: {  	s13 =	sshll.u32 s13, $0xE;
	[sflag:s4] =	ssyncadd.s32 $0xFFFFC000  }
0x20: {  	s15 =	sor.u32 $0x10, s13;
	s31 =	sshrl.u32 s16, $0x2;
	s14 =	sshrl.u32 s14, $0x2  }
0x21: {  	s16 =	simm.s32 $0x0;
	s13 =	sor.u32 $0x8000, s31;
	s14 =	sor.u32 $0x8000, s14  }
.LBB1_3:
0x22: {  	v1 =	vld [tilespmem:s15+$0x0]  }
0x23: {  	v0 =	vld [tilespmem:s15+$0xFFFFFFF0];
	_ =	sdelay $0x2  }
0x24: {  	s19 =	sadd.s32 $0x0, s14  }
0x25: {  	s17 =	simm.s32 $0x4;
	s18 =	sadd.s32 $0x20, s15;
	[tilespmem:s19+$0x2040 ss:$0x204] =	vst.msk $0xffff, v1  }
.LBB1_4:
0x26: {  	v1 =	vld [tilespmem:s18+$0x0];
	p1 =	sne.s32 s17, $0x1FC;
	[tilespmem:s19+$0x0 ss:$0x204] =	vst.msk $0xffff, v0;
	s19 =	smov.u32 s17;
	s17 =	sadd.s32 $0x4, s17  }
.Ltmp3:
0x27: {  	v0 =	vld [tilespmem:s18+$0xFFFFFFF0];
	(pc) =	sbr.rel @p1 .LBB1_4-.Ltmp3, $4  }
0x28: {  	_ = 	snop  }
0x29: {  	s19 =	sshra.s32 s19, $0x2  }
0x2a: {  	s19 =	sadd.s32 s19, s14  }
0x2b: {  	s18 =	sadd.s32 $0x20, s18;
	[tilespmem:s19+$0x2040 ss:$0x204] =	vst.msk $0xffff, v1  }
0x2c: {  	s16 =	sadd.s32 $0x1, s16  }
0x2d: {  	p1 =	sne.s32 s16, $0x4  }
.Ltmp4:
0x2e: {  	_ = 	snop;
	(pc) =	sbr.rel @p1 .LBB1_3-.Ltmp4, $2  }
0x2f: {  	_ =	sdelay $0x2  }
0x30: {  	[tilespmem:s19+$0x0 ss:$0x204] =	vst.msk $0xffff, v0;
	s14 =	sadd.s32 $0x81, s14;
	s15 =	sadd.s32 $0x1000, s15  }
0x31: {  	s12 =	sand.u32 $0x1FFFFFF, s12  }
0x32: {  	s14 =	smulhi.u32 $0x147AE15, s12;
	_ =	sdelay $0x1  }
0x33: {  	s14 =	sshrl.u32 s14, $0x5  }
0x34: {  	s14 =	smul.u32 $0x1900, s14  }
.Ltmp5:
0x35: {  	_ = 	snop;
	(pc) =	sbr.rel .LBB1_7-.Ltmp5, $4  }
0x36: {  	s12 =	ssub.s32 s12, s14  }
0x37: {  	s12 =	sshll.u32 s12, $0x4  }
0x38: {  	s12 =	sadd.s32 s2, s12  }
0x39: {  	[hbm4b:s12+s8] =	stream.strided.scatter [tilespmem:s13], [sflag:$0x2], $0x4000, s9, s8, $0x20;
	[tilespmem:$0x10100] =	vst v63  }
.LBB1_8:
0x3a: {  	_ =	sfence.sel $0x180000  }
0x3b: {  	s2 =	simm.s32 $0x1;
	[bflag:$0x0] =	sbarrier.arrive $0xFFFF  }
0x3c: {  	s31 =	simm.s32 $0x2;
	[sflag:s2] =	ssyncpa.u1 $0x1  }
0x3d: {  	[sflag:s31] =	ssyncpa.u1 $0x1  }
0x3e: {  	p0 =	sne.s32 s0, $0x0;
	_ =	strace $0x9000004A  }
0x3f: {  	s0 =	sadd.s32 @!p0 $0x100000, s1;
	[bflag:$0x2] =	sbarrier.arrive $0xFFFF  }
0x40: {  	[sflag:s0] =	ssyncadd.tile.s32 @!p0 $0x1;
	_ =	shalt  }
.Lfunc_end1:
_tile_overlayer_lowered:
.L_overlay_start_2:
0x41: {  	(tag) =	ssettag $0x2  }
0x42: {  	s0 =	rddreg [dreg:$0x0];
	s2 =	stileid.u32  }
0x43: {  	s1 =	rddreg [dreg:$0x1];
	p0 =	sne.s32 s2, $0x0  }
0x44: {  	s3 =	rddreg [dreg:$0x2];
	[bflag:$0x3] =	sbarrier.arrive $0xFFFF;
	s2 =	simm.s32 @!p0 $0x1C01  }
0x45: {  	[timem:s3], [sflag:s2] =	dma.local @!p0 [hbm:s0], s1  }
0x46: {  	s0 =	simm.s32 @!p0 $0x1  }
0x47: {  	_ =	swait.ge @!p0 [sflag:s0], s1  }
0x48: {  	s1 =	ssub.s32 @!p0 $0x0, s1;
	[sflag:s0] =	ssyncset.done @!p0 $0x0  }
0x49: {  	[sflag:s0] =	ssyncadd.s32 @!p0 s1  }
0x4a: {  	[bflag:$0x3] =	sbarrier.arrive $0xFFFF  }
0x4b: {  	_ =	shalt  }

// kernel: sparse-core-data-format-call.cloned.1.call-start
scs
called_computation_lowered:
.L_overlay_start_0:
0x0: {  	s2 =	sld [smem:$0x3FD9]  }
0x1: {  	s3 =	sld [smem:$0x3FFE];
	_ =	sdelay $0x1  }
0x2: {  	s1 =	srdreg.scid  }
0x3: {  	s0 =	sand.u32 $0x1, s1  }
0x4: {  	s18 =	sshll.u32 s0, $0xA;
	s2 =	sadd.s32 s3, s2  }
0x5: {  	s2 =	sadd.s32 s2, s18  }
0x6: {  	[smem:$0x3FC6] =	sst s2  }
0x7: {  	_ = 	snop  }
0x8: {  	s2 =	sld [smem:$0x3FD0];
	(tm) =	ssettm $0x1  }
0x9: {  	s19 =	sld [smem:$0x3FFB];
	_ =	sdelay $0x3  }
0xa: {  	_ =	strace s19  }
0xb: {  	s3 =	sld [smem:$0x3FFC];
	_ =	sdelay $0x3  }
0xc: {  	_ =	strace s3  }
0xd: {  	s3 =	sld [smem:$0x3FFD];
	_ =	sdelay $0x3  }
0xe: {  	_ =	strace s3  }
0xf: {  	_ =	strace $0x8FFFFFFF  }
0x10: {  	s20 =	sld [smem:$0x3FDB];
	_ =	sdelay $0x1  }
0x11: {  	s4 =	simm.s32 $_scs_section_size  }
0x12: {  	s5 =	simm.s32 $_size__tile_overlayer_lowered;
	s6 =	simm.s32 $_tile_overlayer_lowered  }
0x13: {  	s23 =	simm.s32 $0x1BFF;
	s22 =	sshll.u32 s6, $0x1;
	s3 =	sadd.s32 s4, s20  }
0x14: {  	s7 =	simm.s32 $0x0;
	s21 =	sshll.u32 s5, $0x1;
	s5 =	sadd.s32 s22, s3  }
0x15: {  	[timem:s7], [sflag:s23] =	dma.local [hbm:s5], s21  }
0x16: {  	_ =	swait.ge [sflag:s23], s21  }
0x17: {  	s4 =	ssub.s32 $0x0, s21;
	[sflag:s23] =	ssyncset.done $0x0  }
0x18: {  	[sflag:s23] =	ssyncadd.s32 s4;
	_ =	sdelay $0x1  }
0x19: {  	s24 =	simm.s32 $0x1B8B  }
0x1a: {  	_ =	swait.ge [sflag:s24], $0x1  }
0x1b: {  	[sflag:s24] =	ssyncset.done $0x0  }
0x1c: {  	s26 =	simm.s32 $0x1B8E;
	s25 =	sld [smem:$0x3FFE];
	[sflag:s24] =	ssyncadd.s32 $0xFFFFFFFF  }
0x1d: {  	s27 =	simm.s32 $execute0_lowered;
	[smem:$0x3FD2] =	sst s26  }
0x1e: {  	s5 =	sshll.u32 s27, $0x1;
	_ =	strace $0x8000004C;
	[dreg:$0x1] =	wrdreg $0xFFFFFFFF  }
0x1f: {  	s28 =	simm.s32 $_size_execute0_lowered;
	s3 =	sadd.s32 s3, s5;
	[dreg:$0x0] =	wrdreg $0x0  }
0x20: {  	s5 =	sshll.u32 s28, $0x1;
	[dreg:$0x2] =	wrdreg s3  }
0x21: {  	[dreg:$0x3] =	wrdreg s5  }
0x22: {  	[dreg:$0x4] =	wrdreg $0xC0  }
0x23: {  	_ =	task [dreg:s7], $0x5FFFF  }
0x24: {  	[dreg:$0x1] =	wrdreg $0xFFFFFFFF  }
0x25: {  	[dreg:$0x0] =	wrdreg $0x60  }
0x26: {  	[dreg:$0x2] =	wrdreg s25  }
0x27: {  	[dreg:$0x3] =	wrdreg s2  }
0x28: {  	[dreg:$0x4] =	wrdreg $0x9  }
0x29: {  	_ =	task.clear_ibuf [dreg:s7], $0x5FFFF;
	_ =	strace $0x9000004C  }
0x2a: {  	s29 =	simm.s32 $0x9;
	_ =	strace $0x8000004E  }
0x2b: {  	_ =	swait.ge [sflag:s29], $0x1  }
0x2c: {  	[sflag:s29] =	ssyncadd.s32 $0xFFFFFFFF  }
0x2d: {  	_ =	strace $0x9000004E  }
0x2e: {  	_ =	sfence  }
0x2f: {  	s30 =	sld [smem:$0x0];
	_ =	sdelay $0x2  }
0x30: {  	s31 =	sshll.u32 s1, $0xD;
	s1 =	sshrl.u32 s1, $0x2  }
0x31: {  	s3 =	sand.u32 $0x4000, s31;
	s1 =	sadd.s32 s1, s30  }
0x32: {  	s0 =	sor.u32 s3, s0;
	s1 =	sshll.u32 s1, $0x11  }
0x33: {  	s0 =	sor.u32 s1, s0  }
0x34: {  	s0 =	sadd.s32 $0x8F2B, s0  }
0x35: {  	[sflag:s0] =	ssyncadd.remote.s32 $0x1  }
0x36: {  	_ =	sfence.sel $0xFFFF  }
0x37: {  	[dreg:$0x0] =	wrdreg $0xFFFFFFFF;
	(pc) =	sbr.abs _section_cstart, $3  }
0x38: {  	[dreg:$0x1] =	wrdreg $0xFFFFFFFF  }
0x39: {  	_ =	task.clear_ibuf [dreg:s7], $0x2FFFF;
	_ =	strace $0x9FFFFFFF  }
0x3a: {  	(tm) =	ssettm $0x7FFFFFFF  }
0x3b: {  	_ =	shalt  }
tec
execute0_lowered:
.L_overlay_start_1:
0x0: {  	(tag) =	ssettag $0x1  }
0x1: {  	s8 =	rddreg [dreg:$0x0]  }
0x2: {  	s2 =	rddreg [dreg:$0x1];
	s1 =	stileid.u32  }
0x3: {  	s4 =	srdreg.scid;
	s0 =	rddreg [dreg:$0x2];
	_ =	strace $0x8000004D  }
0x4: {  	s9 =	simm.s32 $0x1;
	s31 =	simm.s32 $0x2;
	s16 =	simm.s32 $0x0  }
0x5: {  	s17 =	simm.s32 $0x0;
	s11 =	simm.s32 $0x0;
	s12 =	simm.s32 $0x0  }
0x6: {  	s15 =	simm.s32 $0x0;
	s3 =	sshll.u32 s1, $0x1;
	s4 =	sshll.u32 s4, $0x7  }
0x7: {  	s4 =	sand.u32 $0x80, s4;
	s5 =	ssub.s32 $0x20, s3;
	s14 =	smov.u32 s3  }
0x8: {  	s6 =	sshrl.u32 s5, $0x5;
	s5 =	sand.u32 $0x1E, s5;
	s7 =	ssub.s32 $0x4000, s4  }
0x9: {  	p0 =	sne.s32 s5, $0x0;
	s30 =	sshrl.u32 s7, $0x7;
	s7 =	sshrl.u32 s7, $0x8  }
.Ltmp0:
0xa: {  	s9 =	simm.s32 @!p0 $0x0;
	s10 =	sand.u32 $0x1, s30;
	(pc) =	sbr.rel .LBB1_1-.Ltmp0, $4  }
0xb: {  	s5 =	simm.s32 $0x1;
	s6 =	sadd.s32 s9, s6;
	s7 =	sadd.s32 s7, s10  }
0xc: {  	s13 =	smov.u32 s4;
	[sflag:s5] =	ssyncpa.u1 $0x0;
	s6 =	smul.u32 s6, s7  }
0xd: {  	p0 =	por $0x0, $0x0;
	[sflag:s31] =	ssyncpa.u1 $0x0;
	s10 =	simm.s32 $0x80000  }
0xe: {  	s7 =	sadd.s32 $0xE00, s8;
	s8 =	sadd.s32 $0x40E00, s8;
	s9 =	sadd.s32 $0x1, s6  }
.LBB1_7:
0xf: {  	p1 =	slt.u32 s15, $0x2  }
0x10: {  	s19 =	smov.u32 s17;
	p2 =	sgt.s32 @!p1 s17, $0x1E;
	s18 =	sshra.s32 @!p1 s17, $0x1F  }
0x11: {  	p3 =	sgt.s32 @!p1 s16, $0x3F80;
	s20 =	sshra.s32 @!p1 s16, $0x1F;
	p2 =	por !p2, p1  }
0x12: {  	s17 =	sand.u32 @!p1 s18, s17;
	p3 =	por !p3, p1;
	s18 =	smov.u32 s16  }
0x13: {  	s16 =	sand.u32 @!p1 s20, s16;
	s19 =	simm.s32 @p2 $0x1E;
	s18 =	simm.s32 @p3 $0x3F80  }
0x14: {  	s20 =	smov.u32 s14;
	s17 =	ssub.s32 @!p1 s19, s17;
	s16 =	ssub.s32 @!p1 s18, s16  }
0x15: {  	s18 =	sadd.s32 @!p1 $0xFFFFFFE2, s17;
	s17 =	ssub.s32 @!p1 $0x20, s17;
	s19 =	sadd.s32 @!p1 $0xFFFFC080, s16  }
0x16: {  	p2 =	sgt.s32 @!p1 s18, $0x1;
	s17 =	smul.u32 @!p1 $0x32, s17;
	p3 =	sgt.s32 @!p1 s19, $0x7F  }
0x17: {  	s16 =	ssub.s32 @!p1 $0x4000, s16;
	p2 =	por !p2, p1;
	p3 =	por !p3, p1  }
0x18: {  	s18 =	sadd.s32 $0x100, s13;
	s17 =	simm.s32 @!p2 $0x0;
	s16 =	simm.s32 @!p3 $0x0  }
0x19: {  	p2 =	sgt.s32 s18, $0x3FFF;
	s16 =	smul.u32 @!p1 s16, s17;
	s17 =	sadd.s32 $0x20, s14  }
0x1a: {  	s20 =	smov.u32 @p2 s17  }
0x1b: {  	s18 =	smov.u32 @p2 s4;
	p2 =	sgt.s32 s20, $0x1F  }
0x1c: {  	s20 =	smov.u32 @p2 s3;
	p2 =	sne.s32 s15, s9  }
.Ltmp1:
0x1d: {  	p0 =	por !p0, !p0;
	s19 =	simm.s32 @!p1 $0x2;
	(pc) =	sbr.rel @!p2 .LBB1_8-.Ltmp1, $4  }
0x1e: {  	s17 =	smov.u32 s12;
	s12 =	smov.u32 s14;
	s16 =	sand.u32 @!p1 $0x3FFFFFFE, s16  }
0x1f: {  	_ =	swait.ge @!p1 [sflag:s19], s16;
	s21 =	ssub.s32 @!p1 $0x0, s16;
	s16 =	smov.u32 s11  }
0x20: {  	s15 =	sadd.s32 $0x1, s15;
	s11 =	smov.u32 s13;
	[sflag:s19] =	ssyncset.done @!p1 $0x0  }
0x21: {  	s13 =	smov.u32 s18;
	s14 =	smov.u32 s20;
	[sflag:s19] =	ssyncadd.s32 @!p1 s21  }
.LBB1_1:
0x22: {  	p1 =	sge.u32 s15, s6  }
0x23: {  	s18 =	sxor.u32 @!p1 $0xFFFFFFFF, s15;
	s19 =	sshll.u32 @!p1 s14, $0x12  }
0x24: {  	s20 =	sshll.u32 @!p1 s13, $0x4;
	s22 =	simm.s32 @!p1 $0x40;
	s23 =	simm.s32 @!p1 $0x80  }
0x25: {  	s18 =	sshll.u32 @!p1 s18, $0xE;
	s20 =	sand.u32 @!p1 $0x3FFF0, s20;
	s21 =	sadd.s32 @!p1 s7, s19  }
0x26: {  	s19 =	sadd.s32 @!p1 s19, s8;
	s18 =	sand.u32 @!p1 $0x4000, s18;
	s21 =	sadd.s32 @!p1 s20, s21  }
0x27: {  	[tilespmem:s18], [sflag:$0x1] =	stream.strided.gather @!p1 [hbm4b:s21+s22], $0x2000, s23, s22, $0x38;
	[tilespmem:$0x10100] =	vst v63  }
0x28: {  	s31 =	sadd.s32 $0xFFFFFFFF, s15;
	s19 =	sadd.s32 @!p1 s20, s19;
	s18 =	sor.u32 @!p1 $0x2000, s18  }
0x29: {  	[tilespmem:s18], [sflag:$0x1] =	stream.strided.gather @!p1 [hbm4b:s19+s22], $0x2000, s23, s22, $0x38;
	[tilespmem:$0x10100] =	vst v63  }
0x2a: {  	p1 =	sge.u32 s31, s6  }
.Ltmp2:
0x2b: {  	_ = 	snop;
	(pc) =	sbr.rel @p1 .LBB1_7-.Ltmp2, $1  }
0x2c: {  	_ =	sdelay $0x3  }
0x2d: {  	s18 =	simm.s32 $0x1;
	s20 =	sand.u32 $0x1, s15  }
0x2e: {  	_ =	swait.ge [sflag:s5], $0x4000;
	s18 =	simm.s32 @!p0 $0x0;
	s20 =	smul.u32 $0x10200, s20  }
0x2f: {  	p2 =	por $0x1, $0x1;
	[sflag:s5] =	ssyncset.done $0x0;
	s19 =	smul.u32 $0x10200, s18  }
0x30: {  	s21 =	sshll.u32 s18, $0x10;
	[sflag:s5] =	ssyncadd.s32 $0xFFFFC000;
	s30 =	sshrl.u32 s20, $0x2  }
0x31: {  	s31 =	sshrl.u32 s21, $0x2;
	s21 =	simm.s32 $0x0;
	s19 =	sshrl.u32 s19, $0x2  }
0x32: {  	s18 =	sor.u32 $0x8000, s30;
	s20 =	sadd.s32 $0x20, s31;
	s19 =	sor.u32 $0x8000, s19  }
.LBB1_3:
0x33: {  	s22 =	sshll.u32 s21, $0xD  }
0x34: {  	s22 =	sand.u32 $0x3FFFE000, s22  }
0x35: {  	s24 =	sadd.s32 s22, s20  }
0x36: {  	s31 =	smul.u32 $0x204, s21;
	v3 =	vld [tilespmem:s24+$0x10]  }
0x37: {  	v1 =	vld [tilespmem:s24+$0xFFFFFFF0]  }
0x38: {  	s21 =	sshra.s32 s31, $0x2;
	v0 =	vld [tilespmem:s24+$0x0]  }
0x39: {  	s21 =	sadd.s32 s21, s19;
	v2 =	vld [tilespmem:s24+$0xFFFFFFE0]  }
0x3a: {  	s22 =	sadd.s32 $0x0, s21  }
0x3b: {  	p1 =	por p2, p2;
	s23 =	simm.s32 $0x4;
	s24 =	sadd.s32 $0x40, s24;
	[tilespmem:s22+$0x3060 ss:$0x102] =	vst.msk $0xffff, v3  }
.LBB1_4:
0x3c: {  	v3 =	vld [tilespmem:s24+$0x10];
	p2 =	sne.s32 s23, $0x1FC;
	[tilespmem:s22+$0x1020 ss:$0x102] =	vst.msk $0xffff, v1;
	s25 =	smov.u32 s23;
	s23 =	sadd.s32 $0x4, s23  }
.Ltmp3:
0x3d: {  	v1 =	vld [tilespmem:s24+$0xFFFFFFF0];
	[tilespmem:s22+$0x2040 ss:$0x102] =	vst.msk $0xffff, v0;
	(pc) =	sbr.rel @p2 .LBB1_4-.Ltmp3, $4  }
0x3e: {  	v0 =	vld [tilespmem:s24+$0x0];
	[tilespmem:s22+$0x0 ss:$0x102] =	vst.msk $0xffff, v2  }
0x3f: {  	s22 =	sshra.s32 s25, $0x2;
	v2 =	vld [tilespmem:s24+$0xFFFFFFE0]  }
0x40: {  	s22 =	sadd.s32 s22, s21  }
0x41: {  	s24 =	sadd.s32 $0x40, s24;
	[tilespmem:s22+$0x3060 ss:$0x102] =	vst.msk $0xffff, v3  }
.Ltmp4:
0x42: {  	(pc) =	sbr.rel @p1 .LBB1_3-.Ltmp4, $4  }
0x43: {  	_ = 	snop  }
0x44: {  	[tilespmem:s22+$0x1020 ss:$0x102] =	vst.msk $0xffff, v1  }
0x45: {  	[tilespmem:s22+$0x2040 ss:$0x102] =	vst.msk $0xffff, v0  }
0x46: {  	s21 =	simm.s32 $0x1;
	p2 =	por $0x0, $0x0;
	[tilespmem:s22+$0x0 ss:$0x102] =	vst.msk $0xffff, v2  }
0x47: {  	s19 =	sand.u32 $0x78, s11;
	p1 =	sgt.s32 s12, $0x1E;
	s20 =	smov.u32 s12  }
0x48: {  	s21 =	sshra.s32 s12, $0x1F;
	s22 =	sshll.u32 s12, $0xE;
	s23 =	sshll.u32 s11, $0x3  }
0x49: {  	s30 =	sshra.s32 s11, $0x1F;
	s25 =	sshll.u32 s12, $0x7;
	s20 =	simm.s32 @!p1 $0x1E  }
0x4a: {  	s21 =	sand.u32 s21, s12;
	s22 =	sand.u32 $0x60000, s22;
	p1 =	sgt.s32 s11, $0x3F80  }
0x4b: {  	s25 =	sand.u32 $0x380, s25;
	s20 =	ssub.s32 s20, s21;
	s21 =	smov.u32 s11  }
0x4c: {  	s22 =	sadd.s32 s22, s23;
	s24 =	sadd.s32 $0xFFFFFFE2, s20;
	s21 =	simm.s32 @!p1 $0x3F80  }
0x4d: {  	s20 =	ssub.s32 $0x20, s20;
	p1 =	sgt.s32 s24, $0x1;
	s24 =	sand.u32 s30, s11  }
0x4e: {  	s23 =	sand.u32 $0x3C00, s23;
	s20 =	smul.u32 $0x32, s20;
	s21 =	ssub.s32 s21, s24  }
0x4f: {  	s19 =	sor.u32 s25, s19;
	s22 =	sand.u32 $0x7C000, s22;
	s24 =	sadd.s32 $0xFFFFC080, s21  }
0x50: {  	s20 =	simm.s32 @p1 $0x0;
	s21 =	ssub.s32 $0x4000, s21;
	p1 =	sgt.s32 s24, $0x7F  }
.Ltmp5:
0x51: {  	s19 =	sor.u32 s23, s19;
	s21 =	simm.s32 @p1 $0x0;
	(pc) =	sbr.rel .LBB1_7-.Ltmp5, $4  }
0x52: {  	s31 =	sand.u32 $0x7, s11;
	s19 =	sor.u32 s22, s19;
	s20 =	smul.u32 s21, s20  }
0x53: {  	s19 =	sshrl.u32 s19, $0x3;
	s21 =	sshll.u32 s31, $0x12  }
0x54: {  	s19 =	sadd.s32 s2, s19;
	s21 =	sor.u32 $0x100, s21;
	s20 =	sand.u32 $0x3FFFFFFE, s20  }
0x55: {  	[hbm4b:s19+s21] =	stream.strided.scatter [tilespmem:s18], [sflag:$0x2], s20, s10, s21, $0x20;
	[tilespmem:$0x10100] =	vst v63  }
.LBB1_8:
0x56: {  	_ =	sfence.sel $0x180000  }
0x57: {  	s2 =	simm.s32 $0x1;
	[bflag:$0x0] =	sbarrier.arrive $0xFFFF  }
0x58: {  	s31 =	simm.s32 $0x2;
	[sflag:s2] =	ssyncpa.u1 $0x1  }
0x59: {  	[sflag:s31] =	ssyncpa.u1 $0x1  }
0x5a: {  	p0 =	sne.s32 s1, $0x0;
	_ =	strace $0x9000004D  }
0x5b: {  	s0 =	sadd.s32 @!p0 $0x100000, s0;
	[bflag:$0x2] =	sbarrier.arrive $0xFFFF  }
0x5c: {  	[sflag:s0] =	ssyncadd.tile.s32 @!p0 $0x1;
	_ =	shalt  }
.Lfunc_end1:
_tile_overlayer_lowered:
.L_overlay_start_2:
0x5d: {  	(tag) =	ssettag $0x2  }
0x5e: {  	s0 =	rddreg [dreg:$0x0];
	s2 =	stileid.u32  }
0x5f: {  	s1 =	rddreg [dreg:$0x1];
	p0 =	sne.s32 s2, $0x0  }
0x60: {  	s3 =	rddreg [dreg:$0x2];
	[bflag:$0x3] =	sbarrier.arrive $0xFFFF;
	s2 =	simm.s32 @!p0 $0x1C01  }
0x61: {  	[timem:s3], [sflag:s2] =	dma.local @!p0 [hbm:s0], s1  }
0x62: {  	s0 =	simm.s32 @!p0 $0x1  }
0x63: {  	_ =	swait.ge @!p0 [sflag:s0], s1  }
0x64: {  	s1 =	ssub.s32 @!p0 $0x0, s1;
	[sflag:s0] =	ssyncset.done @!p0 $0x0  }
0x65: {  	[sflag:s0] =	ssyncadd.s32 @!p0 s1  }
0x66: {  	[bflag:$0x3] =	sbarrier.arrive $0xFFFF  }
0x67: {  	_ =	shalt  }

</sc_bundles>
